<compile_context>
chip_gen: v7x
topology: tpu7x:2x2x1
jax: 0.10.2.dev20260603
libtpu: 0.0.44.dev20260713+nightly
codegen_flags: <defaults>
</compile_context>

<pallas_src>
import dataclasses
import functools

import jax
import jax.numpy as jnp
from jax import lax
from jax.experimental import pallas as pl
from jax.experimental.pallas import tpu as pltpu
from jax.experimental.pallas import tpu_sc as plsc

N = 10000
E = 320000
D = 128
NCORE = 2
NSUB = 16
LANES = 16
CHUNK = 80
NBUF = 2
EPT = E // NSUB
NCHUNK = 250
EPT_PAD = NCHUNK * CHUNK
BATCH = 50
NBATCH = NCHUNK // BATCH
ROWS_PT = 632
ROWS_LAST = N - 15 * ROWS_PT


def _scale_rows(rows, wv, c):
    widx_c = jnp.full((LANES,), 0, jnp.int32) + c

    @pl.loop(0, CHUNK, unroll=8)
    def _(e):
        widx_e = jnp.full((LANES,), 0, jnp.int32) + e
        w = plsc.load_gather(wv, [widx_c, widx_e])
        for j in range(D // LANES):
            sl = (e, pl.ds(j * LANES, LANES))
            rows[sl] = rows[sl] * w


def _seg_body(x_hbm, src_hbm, dst_hbm, w_hbm, zero_hbm, out_hbm,
              srcv, dstv, wv, r0, r1, acc, sg0, sg1, ss0, ss1):
    rows = [r0, r1]
    sg = [sg0, sg1]
    ss = [ss0, ss1]
    cid = lax.axis_index("c")
    sid = lax.axis_index("s")
    row0 = sid * ROWS_PT
    @pl.when(sid < NSUB - 1)
    def _():
        pltpu.sync_copy(zero_hbm.at[pl.ds(row0, ROWS_PT)],
                        acc.at[pl.ds(row0, ROWS_PT)])

    @pl.when(sid == NSUB - 1)
    def _():
        pltpu.sync_copy(zero_hbm.at[pl.ds(15 * ROWS_PT, ROWS_LAST)],
                        acc.at[pl.ds(15 * ROWS_PT, ROWS_LAST)])

    plsc.subcore_barrier()

    @pl.loop(0, NBATCH)
    def _(b):
        pltpu.sync_copy(src_hbm.at[cid, sid, b], srcv)
        pltpu.sync_copy(dst_hbm.at[cid, sid, b], dstv)
        pltpu.sync_copy(w_hbm.at[cid, sid, b], wv)

        for k in range(NBUF):
            pltpu.async_copy(x_hbm.at[srcv.at[k]], rows[k], sg[k])

        @pl.loop(0, BATCH, step=NBUF)
        def _(c):
            for k in range(NBUF):
                ck = c + k
                pltpu.make_async_copy(x_hbm.at[srcv.at[ck]], rows[k],
                                      sg[k]).wait()
                _scale_rows(rows[k], wv, ck)
                pltpu.async_copy(rows[k], acc.at[dstv.at[ck]], ss[k],
                                 add=True)

            for k in range(NBUF):
                ck = c + k
                pltpu.make_async_copy(rows[k], acc.at[dstv.at[ck]],
                                      ss[k]).wait()

                @pl.when(ck + NBUF < BATCH)
                def _():
                    pltpu.async_copy(x_hbm.at[srcv.at[ck + NBUF]], rows[k],
                                     sg[k])

    plsc.subcore_barrier()

    @pl.when(sid < NSUB - 1)
    def _():
        pltpu.sync_copy(acc.at[pl.ds(row0, ROWS_PT)],
                        out_hbm.at[cid, pl.ds(row0, ROWS_PT)])

    @pl.when(sid == NSUB - 1)
    def _():
        pltpu.sync_copy(acc.at[pl.ds(15 * ROWS_PT, ROWS_LAST)],
                        out_hbm.at[cid, pl.ds(15 * ROWS_PT, ROWS_LAST)])


def _sc_aggregate(x, src2, dst2, w2, zeros):
    mesh = plsc.VectorSubcoreMesh(core_axis_name="c", subcore_axis_name="s")
    cp = pltpu.CompilerParams()
    if "needs_layout_passes" in pltpu.CompilerParams.__dataclass_fields__:
        cp = dataclasses.replace(cp, needs_layout_passes=False)
    kern = pl.kernel(
        _seg_body,
        out_type=jax.ShapeDtypeStruct((NCORE, N, D), jnp.float32),
        mesh=mesh,
        scratch_types=[
            pltpu.VMEM((BATCH, CHUNK), jnp.int32),
            pltpu.VMEM((BATCH, CHUNK), jnp.int32),
            pltpu.VMEM((BATCH, CHUNK), jnp.float32),
            pltpu.VMEM((CHUNK, D), jnp.float32),
            pltpu.VMEM((CHUNK, D), jnp.float32),
            pltpu.VMEM_SHARED((N, D), jnp.float32),
            pltpu.SemaphoreType.DMA,
            pltpu.SemaphoreType.DMA,
            pltpu.SemaphoreType.DMA,
            pltpu.SemaphoreType.DMA,
        ],
        compiler_params=cp,
    )
    return kern(x, src2, dst2, w2, zeros)


RB = 2000


def _lin_body(aL_ref, aN_ref, Wc_ref, Wh_ref, Wl_ref, bc_ref, bh_ref, bl_ref,
              o_ref):
    h = jnp.dot(aL_ref[...], Wc_ref[...], preferred_element_type=jnp.float32)
    h = h + 0.5 * jnp.dot(aN_ref[...], Wh_ref[...],
                          preferred_element_type=jnp.float32)
    h = h + (bc_ref[...] + 0.5 * bh_ref[...])
    o_ref[...] = (jnp.dot(h, Wl_ref[...], preferred_element_type=jnp.float32)
                  + bl_ref[...])


def _linear(aggL, aggN, Wc, Wh, Wl, bc, bh, bl):
    full = lambda i: (0, 0)
    return pl.pallas_call(
        _lin_body,
        grid=(N // RB,),
        in_specs=[
            pl.BlockSpec((RB, D), lambda i: (i, 0)),
            pl.BlockSpec((RB, D), lambda i: (i, 0)),
            pl.BlockSpec((D, D), full),
            pl.BlockSpec((D, D), full),
            pl.BlockSpec((D, D), full),
            pl.BlockSpec((1, D), full),
            pl.BlockSpec((1, D), full),
            pl.BlockSpec((1, D), full),
        ],
        out_specs=pl.BlockSpec((RB, D), lambda i: (i, 0)),
        out_shape=jax.ShapeDtypeStruct((N, D), jnp.float32),
    )(aggL, aggN, Wc, Wh, Wl, bc, bh, bl)


def kernel(x, edge_index_low, edge_weight_low, edge_index_high,
           edge_weight_high, edge_index_nd_low, edge_weight_nd_low,
           edge_index_nd_high, edge_weight_nd_high,
           W_conv, b_conv, W_hiconv, b_hiconv, W_lin, b_lin):
    pad = EPT_PAD - EPT
    spread = ((jnp.arange(pad, dtype=jnp.int32)[None, None, :] * 131
               + 613 * jnp.arange(NSUB, dtype=jnp.int32)[None, :, None])
              % N) + jnp.zeros((NCORE, 1, 1), jnp.int32)

    def _prep_idx(a):
        a = a.reshape(NCORE, NSUB, EPT)
        a = jnp.concatenate([a, spread], axis=2)
        return a.reshape(NCORE, NSUB, NBATCH, BATCH, CHUNK)

    def _prep_w(a):
        a = a.reshape(NCORE, NSUB, EPT)
        a = jnp.pad(a, ((0, 0), (0, 0), (0, pad)))
        return a.reshape(NCORE, NSUB, NBATCH, BATCH, CHUNK)

    src2 = _prep_idx(jnp.stack([edge_index_low[0], edge_index_nd_low[0]]))
    dst2 = _prep_idx(jnp.stack([edge_index_low[1], edge_index_nd_low[1]]))
    w2 = _prep_w(jnp.stack([edge_weight_low, edge_weight_nd_low]))
    zeros = jnp.zeros((N, D), jnp.float32)

    agg = _sc_aggregate(x, src2, dst2, w2, zeros)
    return _linear(agg[0], agg[1], W_conv, W_hiconv, W_lin,
                   b_conv.reshape(1, D), b_hiconv.reshape(1, D),
                   b_lin.reshape(1, D))

# --- scband reference (transcript-rebuilt; emitter-appended) ---
"""Pipeline reference for scband-sgc-88450556494345 (READ-ONLY COPY).

The authoritative reference and input builder live on the scoring server;
editing this copy changes nothing except your own understanding.
"""

import jax, jax.numpy as jnp
import numpy as np

N = 10000
E = 320000
D = 128
H = 128
O = 128
ND_LAMBDA = 0.5


def _sgconv(x, edge_index, edge_weight, W, b):
    # SGConv (K=1): out = lin(A @ x); A given as (edge_index, edge_weight)
    src = edge_index[0]
    dst = edge_index[1]
    msgs = x[src] * edge_weight[:, None]
    agg = jax.ops.segment_sum(msgs, dst, num_segments=N)
    return agg @ W + b


def setup_inputs(seed: int = 0) -> dict:
    key = jax.random.key(seed)
    ks = jax.random.split(key, 16)
    x = jax.random.normal(ks[0], (N, D), dtype=jnp.float32)
    edge_index_low = jax.random.randint(ks[1], (2, E), 0, N, dtype=jnp.int32)
    edge_weight_low = jax.random.uniform(ks[2], (E,), dtype=jnp.float32)
    edge_index_high = jax.random.randint(ks[3], (2, E), 0, N, dtype=jnp.int32)
    edge_weight_high = jax.random.uniform(ks[4], (E,), dtype=jnp.float32)
    edge_index_nd_low = jax.random.randint(ks[5], (2, E), 0, N, dtype=jnp.int32)
    edge_weight_nd_low = jax.random.uniform(ks[6], (E,), dtype=jnp.float32)
    edge_index_nd_high = jax.random.randint(ks[7], (2, E), 0, N, dtype=jnp.int32)
    edge_weight_nd_high = jax.random.uniform(ks[8], (E,), dtype=jnp.float32)
    W_conv = jax.random.normal(ks[9], (D, H), dtype=jnp.float32) * (1.0 / np.sqrt(D))
    b_conv = jnp.zeros((H,), dtype=jnp.float32)
    W_hiconv = jax.random.normal(ks[10], (D, H), dtype=jnp.float32) * (1.0 / np.sqrt(D))
    b_hiconv = jnp.zeros((H,), dtype=jnp.float32)
    W_lin = jax.random.normal(ks[11], (H, O), dtype=jnp.float32) * (1.0 / np.sqrt(H))
    b_lin = jnp.zeros((O,), dtype=jnp.float32)
    return {
        'x': x,
        'edge_index_low': edge_index_low, 'edge_weight_low': edge_weight_low,
        'edge_index_high': edge_index_high, 'edge_weight_high': edge_weight_high,
        'edge_index_nd_low': edge_index_nd_low, 'edge_weight_nd_low': edge_weight_nd_low,
        'edge_index_nd_high': edge_index_nd_high, 'edge_weight_nd_high': edge_weight_nd_high,
        'W_conv': W_conv, 'b_conv': b_conv,
        'W_hiconv': W_hiconv, 'b_hiconv': b_hiconv,
        'W_lin': W_lin, 'b_lin': b_lin,
    }


def reference(x, edge_index_low, edge_weight_low, edge_index_high, edge_weight_high,
              edge_index_nd_low, edge_weight_nd_low, edge_index_nd_high, edge_weight_nd_high,
              W_conv, b_conv, W_hiconv, b_hiconv, W_lin, b_lin):
    # F.dropout with training=False is identity (inference mode)
    # num_layers=2 -> single message-passing layer
    # nd_lambda != 0 -> low-pass conv + nd_lambda * high-frequency (nd_low) conv
    h_low = _sgconv(x, edge_index_low, edge_weight_low, W_conv, b_conv)
    h_nd = _sgconv(x, edge_index_nd_low, edge_weight_nd_low, W_hiconv, b_hiconv)
    h = h_low + ND_LAMBDA * h_nd
    out = h @ W_lin + b_lin
    return out

if __name__ == "__main__":
    import jax
    _d = setup_inputs()
    print(jax.jit(kernel)(*tuple(_d.values())))

</pallas_src>

<mosaic_0001>
#map = affine_map<(d0, d1) -> (0, 0)>
#map1 = affine_map<(d0, d1) -> (0, 0, 0, 0, 0)>
#map2 = affine_map<(d0, d1) -> (0, 0, 0)>
module attributes {stable_mosaic.version = 14 : i64} {
  func.func @_seg_body(%arg0: i32, %arg1: i32, %arg2: memref<10000x128xf32, #tpu.memory_space<hbm>>, %arg3: memref<2x16x5x50x80xi32, #tpu.memory_space<hbm>>, %arg4: memref<2x16x5x50x80xi32, #tpu.memory_space<hbm>>, %arg5: memref<2x16x5x50x80xf32, #tpu.memory_space<hbm>>, %arg6: memref<10000x128xf32, #tpu.memory_space<hbm>>, %arg7: memref<2x10000x128xf32, #tpu.memory_space<hbm>>, %arg8: memref<50x80xi32, #tpu.memory_space<vmem>>, %arg9: memref<50x80xi32, #tpu.memory_space<vmem>>, %arg10: memref<50x80xf32, #tpu.memory_space<vmem>>, %arg11: memref<80x128xf32, #tpu.memory_space<vmem>>, %arg12: memref<80x128xf32, #tpu.memory_space<vmem>>, %arg13: memref<10000x128xf32, #tpu.memory_space<vmem_shared>>, %arg14: memref<!tpu.dma_semaphore, #tpu.memory_space<semaphore_mem>>, %arg15: memref<!tpu.dma_semaphore, #tpu.memory_space<semaphore_mem>>, %arg16: memref<!tpu.dma_semaphore, #tpu.memory_space<semaphore_mem>>, %arg17: memref<!tpu.dma_semaphore, #tpu.memory_space<semaphore_mem>>) attributes {dimension_semantics = [#tpu.dimension_semantics<core_parallel>, #tpu.dimension_semantics<subcore_parallel>], iteration_bounds = array<i64: 2, 16>, scalar_prefetch = 0 : i64, scratch_operands = 10 : i64, tpu.core_type = #tpu.core_type<sc_vector_subcore>, window_params = [{transform_indices = #map}, {transform_indices = #map1}, {transform_indices = #map1}, {transform_indices = #map1}, {transform_indices = #map}, {transform_indices = #map2}]} {
    %mul3A = arith.constant 632 : i32
    %mul3A_0 = arith.muli %arg1, %mul3A : i32
    %lt3A = arith.constant 15 : i32
    %lt3A_1 = arith.cmpi slt, %arg1, %lt3A : i32
    %convert_element_type3A = arith.extui %lt3A_1 : i1 to i32
    %cond3A = arith.constant 0 : i32
    %cond3A_2 = arith.cmpi ne, %convert_element_type3A, %cond3A : i32
    scf.if %cond3A_2 {
      "tpu.region"() ({
        %run_scoped3A = tpu.sem_alloc : memref<!tpu.dma_semaphore, #tpu.memory_space<semaphore_mem>>
        %dma_start3A = arith.constant 0 : i32
        %dma_start3A_22 = tpu.memref_slice %arg13[%mul3A_0, %dma_start3A] : memref<10000x128xf32, #tpu.memory_space<vmem_shared>> -> memref<632x128xf32, #tpu.memory_space<vmem_shared>>
        %dma_start3A_23 = arith.constant 0 : i32
        %dma_start3A_24 = tpu.memref_slice %arg6[%mul3A_0, %dma_start3A_23] : memref<10000x128xf32, #tpu.memory_space<hbm>> -> memref<632x128xf32, #tpu.memory_space<hbm>>
        tpu.enqueue_dma source(%dma_start3A_24 : memref<632x128xf32, #tpu.memory_space<hbm>>) target(%dma_start3A_22 : memref<632x128xf32, #tpu.memory_space<vmem_shared>>) target_semaphore(%run_scoped3A : memref<!tpu.dma_semaphore, #tpu.memory_space<semaphore_mem>>)
        %dma_wait3A = arith.constant 0 : i32
        %dma_wait3A_25 = tpu.memref_slice %arg13[%mul3A_0, %dma_wait3A] : memref<10000x128xf32, #tpu.memory_space<vmem_shared>> -> memref<632x128xf32, #tpu.memory_space<vmem_shared>>
        %dma_wait3A_26 = arith.constant 0 : i32
        %dma_wait3A_27 = tpu.memref_slice %arg6[%mul3A_0, %dma_wait3A_26] : memref<10000x128xf32, #tpu.memory_space<hbm>> -> memref<632x128xf32, #tpu.memory_space<hbm>>
        tpu.wait_dma2 semaphore(%run_scoped3A : memref<!tpu.dma_semaphore, #tpu.memory_space<semaphore_mem>>) src(%dma_wait3A_27 : memref<632x128xf32, #tpu.memory_space<hbm>>) dst(%dma_wait3A_25 : memref<632x128xf32, #tpu.memory_space<vmem_shared>>)
        tpu.yield
      }) : () -> ()
    } else {
    }
    %eq3A = arith.constant 15 : i32
    %eq3A_3 = arith.cmpi eq, %arg1, %eq3A : i32
    %convert_element_type3A_4 = arith.extui %eq3A_3 : i1 to i32
    %cond3A_5 = arith.constant 0 : i32
    %cond3A_6 = arith.cmpi ne, %convert_element_type3A_4, %cond3A_5 : i32
    scf.if %cond3A_6 {
      "tpu.region"() ({
        %run_scoped3A = tpu.sem_alloc : memref<!tpu.dma_semaphore, #tpu.memory_space<semaphore_mem>>
        %dma_start3A = arith.constant 9480 : i32
        %dma_start3A_22 = arith.constant 0 : i32
        %dma_start3A_23 = tpu.memref_slice %arg13[%dma_start3A, %dma_start3A_22] : memref<10000x128xf32, #tpu.memory_space<vmem_shared>> -> memref<520x128xf32, #tpu.memory_space<vmem_shared>>
        %dma_start3A_24 = arith.constant 9480 : i32
        %dma_start3A_25 = arith.constant 0 : i32
        %dma_start3A_26 = tpu.memref_slice %arg6[%dma_start3A_24, %dma_start3A_25] : memref<10000x128xf32, #tpu.memory_space<hbm>> -> memref<520x128xf32, #tpu.memory_space<hbm>>
        tpu.enqueue_dma source(%dma_start3A_26 : memref<520x128xf32, #tpu.memory_space<hbm>>) target(%dma_start3A_23 : memref<520x128xf32, #tpu.memory_space<vmem_shared>>) target_semaphore(%run_scoped3A : memref<!tpu.dma_semaphore, #tpu.memory_space<semaphore_mem>>)
        %dma_wait3A = arith.constant 9480 : i32
        %dma_wait3A_27 = arith.constant 0 : i32
        %dma_wait3A_28 = tpu.memref_slice %arg13[%dma_wait3A, %dma_wait3A_27] : memref<10000x128xf32, #tpu.memory_space<vmem_shared>> -> memref<520x128xf32, #tpu.memory_space<vmem_shared>>
        %dma_wait3A_29 = arith.constant 9480 : i32
        %dma_wait3A_30 = arith.constant 0 : i32
        %dma_wait3A_31 = tpu.memref_slice %arg6[%dma_wait3A_29, %dma_wait3A_30] : memref<10000x128xf32, #tpu.memory_space<hbm>> -> memref<520x128xf32, #tpu.memory_space<hbm>>
        tpu.wait_dma2 semaphore(%run_scoped3A : memref<!tpu.dma_semaphore, #tpu.memory_space<semaphore_mem>>) src(%dma_wait3A_31 : memref<520x128xf32, #tpu.memory_space<hbm>>) dst(%dma_wait3A_28 : memref<520x128xf32, #tpu.memory_space<vmem_shared>>)
        tpu.yield
      }) : () -> ()
    } else {
    }
    %barrier3A = arith.constant 0 : index
    tpu.barrier barrier_id(%barrier3A)
    %scan3A = arith.constant 0 : i32
    %scan3A_7 = arith.constant 5 : i32
    %scan3A_8 = arith.addi %scan3A, %scan3A_7 : i32
    %scan3A_9 = arith.constant 1 : i32
    scf.for %scan3A_22 = %scan3A to %scan3A_8 step %scan3A_9  : i32 {
      %mul3A_23 = arith.constant 1 : i32
      %mul3A_24 = arith.muli %scan3A_22, %mul3A_23 : i32
      %add3A = arith.constant 0 : i32
      %add3A_25 = arith.addi %add3A, %mul3A_24 : i32
      "tpu.region"() ({
        %run_scoped3A = tpu.sem_alloc : memref<!tpu.dma_semaphore, #tpu.memory_space<semaphore_mem>>
        %dma_start3A_44 = arith.constant 0 : i32
        %dma_start3A_45 = arith.constant 0 : i32
        %dma_start3A_46 = tpu.memref_slice %arg3[%arg0, %arg1, %add3A_25, %dma_start3A_44, %dma_start3A_45] : memref<2x16x5x50x80xi32, #tpu.memory_space<hbm>> -> memref<1x1x1x50x80xi32, #tpu.memory_space<hbm>>
        %dma_start3A_47 = tpu.memref_squeeze %dma_start3A_46 : memref<1x1x1x50x80xi32, #tpu.memory_space<hbm>> -> memref<50x80xi32, #tpu.memory_space<hbm>>
        %dma_start3A_48 = arith.constant 0 : i32
        %dma_start3A_49 = arith.constant 0 : i32
        %dma_start3A_50 = tpu.memref_slice %arg3[%arg0, %arg1, %add3A_25, %dma_start3A_48, %dma_start3A_49] : memref<2x16x5x50x80xi32, #tpu.memory_space<hbm>> -> memref<1x1x1x50x80xi32, #tpu.memory_space<hbm>>
        %dma_start3A_51 = tpu.memref_squeeze %dma_start3A_50 : memref<1x1x1x50x80xi32, #tpu.memory_space<hbm>> -> memref<50x80xi32, #tpu.memory_space<hbm>>
        tpu.enqueue_dma source(%dma_start3A_51 : memref<50x80xi32, #tpu.memory_space<hbm>>) target(%arg8 : memref<50x80xi32, #tpu.memory_space<vmem>>) target_semaphore(%run_scoped3A : memref<!tpu.dma_semaphore, #tpu.memory_space<semaphore_mem>>)
        %dma_wait3A = arith.constant 0 : i32
        %dma_wait3A_52 = arith.constant 0 : i32
        %dma_wait3A_53 = tpu.memref_slice %arg3[%arg0, %arg1, %add3A_25, %dma_wait3A, %dma_wait3A_52] : memref<2x16x5x50x80xi32, #tpu.memory_space<hbm>> -> memref<1x1x1x50x80xi32, #tpu.memory_space<hbm>>
        %dma_wait3A_54 = tpu.memref_squeeze %dma_wait3A_53 : memref<1x1x1x50x80xi32, #tpu.memory_space<hbm>> -> memref<50x80xi32, #tpu.memory_space<hbm>>
        %dma_wait3A_55 = arith.constant 0 : i32
        %dma_wait3A_56 = arith.constant 0 : i32
        %dma_wait3A_57 = tpu.memref_slice %arg3[%arg0, %arg1, %add3A_25, %dma_wait3A_55, %dma_wait3A_56] : memref<2x16x5x50x80xi32, #tpu.memory_space<hbm>> -> memref<1x1x1x50x80xi32, #tpu.memory_space<hbm>>
        %dma_wait3A_58 = tpu.memref_squeeze %dma_wait3A_57 : memref<1x1x1x50x80xi32, #tpu.memory_space<hbm>> -> memref<50x80xi32, #tpu.memory_space<hbm>>
        tpu.wait_dma2 semaphore(%run_scoped3A : memref<!tpu.dma_semaphore, #tpu.memory_space<semaphore_mem>>) src(%dma_wait3A_58 : memref<50x80xi32, #tpu.memory_space<hbm>>) dst(%arg8 : memref<50x80xi32, #tpu.memory_space<vmem>>)
        tpu.yield
      }) : () -> ()
      "tpu.region"() ({
        %run_scoped3A = tpu.sem_alloc : memref<!tpu.dma_semaphore, #tpu.memory_space<semaphore_mem>>
        %dma_start3A_44 = arith.constant 0 : i32
        %dma_start3A_45 = arith.constant 0 : i32
        %dma_start3A_46 = tpu.memref_slice %arg4[%arg0, %arg1, %add3A_25, %dma_start3A_44, %dma_start3A_45] : memref<2x16x5x50x80xi32, #tpu.memory_space<hbm>> -> memref<1x1x1x50x80xi32, #tpu.memory_space<hbm>>
        %dma_start3A_47 = tpu.memref_squeeze %dma_start3A_46 : memref<1x1x1x50x80xi32, #tpu.memory_space<hbm>> -> memref<50x80xi32, #tpu.memory_space<hbm>>
        %dma_start3A_48 = arith.constant 0 : i32
        %dma_start3A_49 = arith.constant 0 : i32
        %dma_start3A_50 = tpu.memref_slice %arg4[%arg0, %arg1, %add3A_25, %dma_start3A_48, %dma_start3A_49] : memref<2x16x5x50x80xi32, #tpu.memory_space<hbm>> -> memref<1x1x1x50x80xi32, #tpu.memory_space<hbm>>
        %dma_start3A_51 = tpu.memref_squeeze %dma_start3A_50 : memref<1x1x1x50x80xi32, #tpu.memory_space<hbm>> -> memref<50x80xi32, #tpu.memory_space<hbm>>
        tpu.enqueue_dma source(%dma_start3A_51 : memref<50x80xi32, #tpu.memory_space<hbm>>) target(%arg9 : memref<50x80xi32, #tpu.memory_space<vmem>>) target_semaphore(%run_scoped3A : memref<!tpu.dma_semaphore, #tpu.memory_space<semaphore_mem>>)
        %dma_wait3A = arith.constant 0 : i32
        %dma_wait3A_52 = arith.constant 0 : i32
        %dma_wait3A_53 = tpu.memref_slice %arg4[%arg0, %arg1, %add3A_25, %dma_wait3A, %dma_wait3A_52] : memref<2x16x5x50x80xi32, #tpu.memory_space<hbm>> -> memref<1x1x1x50x80xi32, #tpu.memory_space<hbm>>
        %dma_wait3A_54 = tpu.memref_squeeze %dma_wait3A_53 : memref<1x1x1x50x80xi32, #tpu.memory_space<hbm>> -> memref<50x80xi32, #tpu.memory_space<hbm>>
        %dma_wait3A_55 = arith.constant 0 : i32
        %dma_wait3A_56 = arith.constant 0 : i32
        %dma_wait3A_57 = tpu.memref_slice %arg4[%arg0, %arg1, %add3A_25, %dma_wait3A_55, %dma_wait3A_56] : memref<2x16x5x50x80xi32, #tpu.memory_space<hbm>> -> memref<1x1x1x50x80xi32, #tpu.memory_space<hbm>>
        %dma_wait3A_58 = tpu.memref_squeeze %dma_wait3A_57 : memref<1x1x1x50x80xi32, #tpu.memory_space<hbm>> -> memref<50x80xi32, #tpu.memory_space<hbm>>
        tpu.wait_dma2 semaphore(%run_scoped3A : memref<!tpu.dma_semaphore, #tpu.memory_space<semaphore_mem>>) src(%dma_wait3A_58 : memref<50x80xi32, #tpu.memory_space<hbm>>) dst(%arg9 : memref<50x80xi32, #tpu.memory_space<vmem>>)
        tpu.yield
      }) : () -> ()
      "tpu.region"() ({
        %run_scoped3A = tpu.sem_alloc : memref<!tpu.dma_semaphore, #tpu.memory_space<semaphore_mem>>
        %dma_start3A_44 = arith.constant 0 : i32
        %dma_start3A_45 = arith.constant 0 : i32
        %dma_start3A_46 = tpu.memref_slice %arg5[%arg0, %arg1, %add3A_25, %dma_start3A_44, %dma_start3A_45] : memref<2x16x5x50x80xf32, #tpu.memory_space<hbm>> -> memref<1x1x1x50x80xf32, #tpu.memory_space<hbm>>
        %dma_start3A_47 = tpu.memref_squeeze %dma_start3A_46 : memref<1x1x1x50x80xf32, #tpu.memory_space<hbm>> -> memref<50x80xf32, #tpu.memory_space<hbm>>
        %dma_start3A_48 = arith.constant 0 : i32
        %dma_start3A_49 = arith.constant 0 : i32
        %dma_start3A_50 = tpu.memref_slice %arg5[%arg0, %arg1, %add3A_25, %dma_start3A_48, %dma_start3A_49] : memref<2x16x5x50x80xf32, #tpu.memory_space<hbm>> -> memref<1x1x1x50x80xf32, #tpu.memory_space<hbm>>
        %dma_start3A_51 = tpu.memref_squeeze %dma_start3A_50 : memref<1x1x1x50x80xf32, #tpu.memory_space<hbm>> -> memref<50x80xf32, #tpu.memory_space<hbm>>
        tpu.enqueue_dma source(%dma_start3A_51 : memref<50x80xf32, #tpu.memory_space<hbm>>) target(%arg10 : memref<50x80xf32, #tpu.memory_space<vmem>>) target_semaphore(%run_scoped3A : memref<!tpu.dma_semaphore, #tpu.memory_space<semaphore_mem>>)
        %dma_wait3A = arith.constant 0 : i32
        %dma_wait3A_52 = arith.constant 0 : i32
        %dma_wait3A_53 = tpu.memref_slice %arg5[%arg0, %arg1, %add3A_25, %dma_wait3A, %dma_wait3A_52] : memref<2x16x5x50x80xf32, #tpu.memory_space<hbm>> -> memref<1x1x1x50x80xf32, #tpu.memory_space<hbm>>
        %dma_wait3A_54 = tpu.memref_squeeze %dma_wait3A_53 : memref<1x1x1x50x80xf32, #tpu.memory_space<hbm>> -> memref<50x80xf32, #tpu.memory_space<hbm>>
        %dma_wait3A_55 = arith.constant 0 : i32
        %dma_wait3A_56 = arith.constant 0 : i32
        %dma_wait3A_57 = tpu.memref_slice %arg5[%arg0, %arg1, %add3A_25, %dma_wait3A_55, %dma_wait3A_56] : memref<2x16x5x50x80xf32, #tpu.memory_space<hbm>> -> memref<1x1x1x50x80xf32, #tpu.memory_space<hbm>>
        %dma_wait3A_58 = tpu.memref_squeeze %dma_wait3A_57 : memref<1x1x1x50x80xf32, #tpu.memory_space<hbm>> -> memref<50x80xf32, #tpu.memory_space<hbm>>
        tpu.wait_dma2 semaphore(%run_scoped3A : memref<!tpu.dma_semaphore, #tpu.memory_space<semaphore_mem>>) src(%dma_wait3A_58 : memref<50x80xf32, #tpu.memory_space<hbm>>) dst(%arg10 : memref<50x80xf32, #tpu.memory_space<vmem>>)
        tpu.yield
      }) : () -> ()
      %dma_start3A = arith.constant 0 : i32
      %dma_start3A_26 = arith.constant 0 : i32
      %dma_start3A_27 = tpu.memref_slice %arg8[%dma_start3A, %dma_start3A_26] : memref<50x80xi32, #tpu.memory_space<vmem>> -> memref<1x80xi32, #tpu.memory_space<vmem>>
      %dma_start3A_28 = tpu.memref_squeeze %dma_start3A_27 : memref<1x80xi32, #tpu.memory_space<vmem>> -> memref<80xi32, #tpu.memory_space<vmem>>
      %dma_start3A_29 = arith.constant 0 : i32
      %dma_start3A_30 = arith.constant 0 : i32
      %dma_start3A_31 = tpu.memref_slice %arg2[%dma_start3A_29, %dma_start3A_30] : memref<10000x128xf32, #tpu.memory_space<hbm>> -> memref<10000x128xf32, #tpu.memory_space<hbm>>
      tpu.enqueue_indirect_dma source(%dma_start3A_31 : memref<10000x128xf32, #tpu.memory_space<hbm>>) target(%arg11 : memref<80x128xf32, #tpu.memory_space<vmem>>) offsets(%dma_start3A_28 : memref<80xi32, #tpu.memory_space<vmem>>) semaphore(%arg14 : memref<!tpu.dma_semaphore, #tpu.memory_space<semaphore_mem>>)
      %dma_start3A_32 = arith.constant 1 : i32
      %dma_start3A_33 = arith.constant 0 : i32
      %dma_start3A_34 = tpu.memref_slice %arg8[%dma_start3A_32, %dma_start3A_33] : memref<50x80xi32, #tpu.memory_space<vmem>> -> memref<1x80xi32, #tpu.memory_space<vmem>>
      %dma_start3A_35 = tpu.memref_squeeze %dma_start3A_34 : memref<1x80xi32, #tpu.memory_space<vmem>> -> memref<80xi32, #tpu.memory_space<vmem>>
      %dma_start3A_36 = arith.constant 0 : i32
      %dma_start3A_37 = arith.constant 0 : i32
      %dma_start3A_38 = tpu.memref_slice %arg2[%dma_start3A_36, %dma_start3A_37] : memref<10000x128xf32, #tpu.memory_space<hbm>> -> memref<10000x128xf32, #tpu.memory_space<hbm>>
      tpu.enqueue_indirect_dma source(%dma_start3A_38 : memref<10000x128xf32, #tpu.memory_space<hbm>>) target(%arg12 : memref<80x128xf32, #tpu.memory_space<vmem>>) offsets(%dma_start3A_35 : memref<80xi32, #tpu.memory_space<vmem>>) semaphore(%arg15 : memref<!tpu.dma_semaphore, #tpu.memory_space<semaphore_mem>>)
      %scan3A_39 = arith.constant 0 : i32
      %scan3A_40 = arith.constant 25 : i32
      %scan3A_41 = arith.addi %scan3A_39, %scan3A_40 : i32
      %scan3A_42 = arith.constant 1 : i32
      scf.for %scan3A_44 = %scan3A_39 to %scan3A_41 step %scan3A_42  : i32 {
        %mul3A_45 = arith.constant 2 : i32
        %mul3A_46 = arith.muli %scan3A_44, %mul3A_45 : i32
        %add3A_47 = arith.constant 0 : i32
        %add3A_48 = arith.addi %add3A_47, %mul3A_46 : i32
        %add3A_49 = arith.constant 0 : i32
        %add3A_50 = arith.addi %add3A_48, %add3A_49 : i32
        %dma_wait3A = arith.constant 0 : i32
        %dma_wait3A_51 = tpu.memref_slice %arg8[%add3A_50, %dma_wait3A] : memref<50x80xi32, #tpu.memory_space<vmem>> -> memref<1x80xi32, #tpu.memory_space<vmem>>
        %dma_wait3A_52 = tpu.memref_squeeze %dma_wait3A_51 : memref<1x80xi32, #tpu.memory_space<vmem>> -> memref<80xi32, #tpu.memory_space<vmem>>
        %dma_wait3A_53 = arith.constant 0 : i32
        %dma_wait3A_54 = arith.constant 0 : i32
        %dma_wait3A_55 = tpu.memref_slice %arg2[%dma_wait3A_53, %dma_wait3A_54] : memref<10000x128xf32, #tpu.memory_space<hbm>> -> memref<10000x128xf32, #tpu.memory_space<hbm>>
        tpu.wait_indirect_dma semaphore(%arg14 : memref<!tpu.dma_semaphore, #tpu.memory_space<semaphore_mem>>) src(%dma_wait3A_55 : memref<10000x128xf32, #tpu.memory_space<hbm>>) dst(%arg11 : memref<80x128xf32, #tpu.memory_space<vmem>>)
        %broadcast_in_dim3A = arith.constant 0 : i32
        %broadcast_in_dim3A_56 = vector.broadcast %broadcast_in_dim3A : i32 to vector<16xi32>
        %add3A_57 = vector.broadcast %add3A_50 : i32 to vector<16xi32>
        %add3A_58 = arith.addi %broadcast_in_dim3A_56, %add3A_57 : vector<16xi32>
        %scan3A_59 = arith.constant 0 : i32
        %scan3A_60 = arith.constant 80 : i32
        %scan3A_61 = arith.addi %scan3A_59, %scan3A_60 : i32
        %scan3A_62 = arith.constant 8 : i32
        scf.for %scan3A_123 = %scan3A_59 to %scan3A_61 step %scan3A_62  : i32 {
          %mul3A_124 = arith.constant 1 : i32
          %mul3A_125 = arith.muli %scan3A_123, %mul3A_124 : i32
          %add3A_126 = arith.constant 0 : i32
          %add3A_127 = arith.addi %add3A_126, %mul3A_125 : i32
          %broadcast_in_dim3A_128 = arith.constant 0 : i32
          %broadcast_in_dim3A_129 = vector.broadcast %broadcast_in_dim3A_128 : i32 to vector<16xi32>
          %add3A_130 = vector.broadcast %add3A_127 : i32 to vector<16xi32>
          %add3A_131 = arith.addi %broadcast_in_dim3A_129, %add3A_130 : vector<16xi32>
          %gather3A = tpu.vector_load_idx %arg10[%add3A_58, %add3A_131] : memref<50x80xf32, #tpu.memory_space<vmem>>[vector<16xi32>, vector<16xi32>], vector<16xf32>,
          %get3A = arith.index_cast %add3A_127 : i32 to index
          %get3A_132 = arith.constant 0 : index
          %get3A_133 = tpu.vector_load %arg11[%get3A, %get3A_132] {strides = array<i32>} : memref<80x128xf32, #tpu.memory_space<vmem>>, vector<16xf32>,
          %mul3A_134 = arith.mulf %get3A_133, %gather3A : vector<16xf32>
          %swap3A = arith.index_cast %add3A_127 : i32 to index
          %swap3A_135 = arith.constant 0 : index
          %swap3A_136 = tpu.vector_load %arg11[%swap3A, %swap3A_135] {strides = array<i32>} : memref<80x128xf32, #tpu.memory_space<vmem>>, vector<16xf32>,
          tpu.vector_store %arg11[%swap3A, %swap3A_135], %mul3A_134 {strides = array<i32>} : memref<80x128xf32, #tpu.memory_space<vmem>>, vector<16xf32>,
          %get3A_137 = arith.index_cast %add3A_127 : i32 to index
          %get3A_138 = arith.constant 16 : index
          %get3A_139 = tpu.vector_load %arg11[%get3A_137, %get3A_138] {strides = array<i32>} : memref<80x128xf32, #tpu.memory_space<vmem>>, vector<16xf32>,
          %mul3A_140 = arith.mulf %get3A_139, %gather3A : vector<16xf32>
          %swap3A_141 = arith.index_cast %add3A_127 : i32 to index
          %swap3A_142 = arith.constant 16 : index
          %swap3A_143 = tpu.vector_load %arg11[%swap3A_141, %swap3A_142] {strides = array<i32>} : memref<80x128xf32, #tpu.memory_space<vmem>>, vector<16xf32>,
          tpu.vector_store %arg11[%swap3A_141, %swap3A_142], %mul3A_140 {strides = array<i32>} : memref<80x128xf32, #tpu.memory_space<vmem>>, vector<16xf32>,
          %get3A_144 = arith.index_cast %add3A_127 : i32 to index
          %get3A_145 = arith.constant 32 : index
          %get3A_146 = tpu.vector_load %arg11[%get3A_144, %get3A_145] {strides = array<i32>} : memref<80x128xf32, #tpu.memory_space<vmem>>, vector<16xf32>,
          %mul3A_147 = arith.mulf %get3A_146, %gather3A : vector<16xf32>
          %swap3A_148 = arith.index_cast %add3A_127 : i32 to index
          %swap3A_149 = arith.constant 32 : index
          %swap3A_150 = tpu.vector_load %arg11[%swap3A_148, %swap3A_149] {strides = array<i32>} : memref<80x128xf32, #tpu.memory_space<vmem>>, vector<16xf32>,
          tpu.vector_store %arg11[%swap3A_148, %swap3A_149], %mul3A_147 {strides = array<i32>} : memref<80x128xf32, #tpu.memory_space<vmem>>, vector<16xf32>,
          %get3A_151 = arith.index_cast %add3A_127 : i32 to index
          %get3A_152 = arith.constant 48 : index
          %get3A_153 = tpu.vector_load %arg11[%get3A_151, %get3A_152] {strides = array<i32>} : memref<80x128xf32, #tpu.memory_space<vmem>>, vector<16xf32>,
          %mul3A_154 = arith.mulf %get3A_153, %gather3A : vector<16xf32>
          %swap3A_155 = arith.index_cast %add3A_127 : i32 to index
          %swap3A_156 = arith.constant 48 : index
          %swap3A_157 = tpu.vector_load %arg11[%swap3A_155, %swap3A_156] {strides = array<i32>} : memref<80x128xf32, #tpu.memory_space<vmem>>, vector<16xf32>,
          tpu.vector_store %arg11[%swap3A_155, %swap3A_156], %mul3A_154 {strides = array<i32>} : memref<80x128xf32, #tpu.memory_space<vmem>>, vector<16xf32>,
          %get3A_158 = arith.index_cast %add3A_127 : i32 to index
          %get3A_159 = arith.constant 64 : index
          %get3A_160 = tpu.vector_load %arg11[%get3A_158, %get3A_159] {strides = array<i32>} : memref<80x128xf32, #tpu.memory_space<vmem>>, vector<16xf32>,
          %mul3A_161 = arith.mulf %get3A_160, %gather3A : vector<16xf32>
          %swap3A_162 = arith.index_cast %add3A_127 : i32 to index
          %swap3A_163 = arith.constant 64 : index
          %swap3A_164 = tpu.vector_load %arg11[%swap3A_162, %swap3A_163] {strides = array<i32>} : memref<80x128xf32, #tpu.memory_space<vmem>>, vector<16xf32>,
          tpu.vector_store %arg11[%swap3A_162, %swap3A_163], %mul3A_161 {strides = array<i32>} : memref<80x128xf32, #tpu.memory_space<vmem>>, vector<16xf32>,
          %get3A_165 = arith.index_cast %add3A_127 : i32 to index
          %get3A_166 = arith.constant 80 : index
          %get3A_167 = tpu.vector_load %arg11[%get3A_165, %get3A_166] {strides = array<i32>} : memref<80x128xf32, #tpu.memory_space<vmem>>, vector<16xf32>,
          %mul3A_168 = arith.mulf %get3A_167, %gather3A : vector<16xf32>
          %swap3A_169 = arith.index_cast %add3A_127 : i32 to index
          %swap3A_170 = arith.constant 80 : index
          %swap3A_171 = tpu.vector_load %arg11[%swap3A_169, %swap3A_170] {strides = array<i32>} : memref<80x128xf32, #tpu.memory_space<vmem>>, vector<16xf32>,
          tpu.vector_store %arg11[%swap3A_169, %swap3A_170], %mul3A_168 {strides = array<i32>} : memref<80x128xf32, #tpu.memory_space<vmem>>, vector<16xf32>,
          %get3A_172 = arith.index_cast %add3A_127 : i32 to index
          %get3A_173 = arith.constant 96 : index
          %get3A_174 = tpu.vector_load %arg11[%get3A_172, %get3A_173] {strides = array<i32>} : memref<80x128xf32, #tpu.memory_space<vmem>>, vector<16xf32>,
          %mul3A_175 = arith.mulf %get3A_174, %gather3A : vector<16xf32>
          %swap3A_176 = arith.index_cast %add3A_127 : i32 to index
          %swap3A_177 = arith.constant 96 : index
          %swap3A_178 = tpu.vector_load %arg11[%swap3A_176, %swap3A_177] {strides = array<i32>} : memref<80x128xf32, #tpu.memory_space<vmem>>, vector<16xf32>,
          tpu.vector_store %arg11[%swap3A_176, %swap3A_177], %mul3A_175 {strides = array<i32>} : memref<80x128xf32, #tpu.memory_space<vmem>>, vector<16xf32>,
          %get3A_179 = arith.index_cast %add3A_127 : i32 to index
          %get3A_180 = arith.constant 112 : index
          %get3A_181 = tpu.vector_load %arg11[%get3A_179, %get3A_180] {strides = array<i32>} : memref<80x128xf32, #tpu.memory_space<vmem>>, vector<16xf32>,
          %mul3A_182 = arith.mulf %get3A_181, %gather3A : vector<16xf32>
          %swap3A_183 = arith.index_cast %add3A_127 : i32 to index
          %swap3A_184 = arith.constant 112 : index
          %swap3A_185 = tpu.vector_load %arg11[%swap3A_183, %swap3A_184] {strides = array<i32>} : memref<80x128xf32, #tpu.memory_space<vmem>>, vector<16xf32>,
          tpu.vector_store %arg11[%swap3A_183, %swap3A_184], %mul3A_182 {strides = array<i32>} : memref<80x128xf32, #tpu.memory_space<vmem>>, vector<16xf32>,
          %scan3A_186 = arith.constant 1 : i32
          %scan3A_187 = arith.addi %scan3A_123, %scan3A_186 : i32
          %mul3A_188 = arith.constant 1 : i32
          %mul3A_189 = arith.muli %scan3A_187, %mul3A_188 : i32
          %add3A_190 = arith.constant 0 : i32
          %add3A_191 = arith.addi %add3A_190, %mul3A_189 : i32
          %broadcast_in_dim3A_192 = arith.constant 0 : i32
          %broadcast_in_dim3A_193 = vector.broadcast %broadcast_in_dim3A_192 : i32 to vector<16xi32>
          %add3A_194 = vector.broadcast %add3A_191 : i32 to vector<16xi32>
          %add3A_195 = arith.addi %broadcast_in_dim3A_193, %add3A_194 : vector<16xi32>
          %gather3A_196 = tpu.vector_load_idx %arg10[%add3A_58, %add3A_195] : memref<50x80xf32, #tpu.memory_space<vmem>>[vector<16xi32>, vector<16xi32>], vector<16xf32>,
          %get3A_197 = arith.index_cast %add3A_191 : i32 to index
          %get3A_198 = arith.constant 0 : index
          %get3A_199 = tpu.vector_load %arg11[%get3A_197, %get3A_198] {strides = array<i32>} : memref<80x128xf32, #tpu.memory_space<vmem>>, vector<16xf32>,
          %mul3A_200 = arith.mulf %get3A_199, %gather3A_196 : vector<16xf32>
          %swap3A_201 = arith.index_cast %add3A_191 : i32 to index
          %swap3A_202 = arith.constant 0 : index
          %swap3A_203 = tpu.vector_load %arg11[%swap3A_201, %swap3A_202] {strides = array<i32>} : memref<80x128xf32, #tpu.memory_space<vmem>>, vector<16xf32>,
          tpu.vector_store %arg11[%swap3A_201, %swap3A_202], %mul3A_200 {strides = array<i32>} : memref<80x128xf32, #tpu.memory_space<vmem>>, vector<16xf32>,
          %get3A_204 = arith.index_cast %add3A_191 : i32 to index
          %get3A_205 = arith.constant 16 : index
          %get3A_206 = tpu.vector_load %arg11[%get3A_204, %get3A_205] {strides = array<i32>} : memref<80x128xf32, #tpu.memory_space<vmem>>, vector<16xf32>,
          %mul3A_207 = arith.mulf %get3A_206, %gather3A_196 : vector<16xf32>
          %swap3A_208 = arith.index_cast %add3A_191 : i32 to index
          %swap3A_209 = arith.constant 16 : index
          %swap3A_210 = tpu.vector_load %arg11[%swap3A_208, %swap3A_209] {strides = array<i32>} : memref<80x128xf32, #tpu.memory_space<vmem>>, vector<16xf32>,
          tpu.vector_store %arg11[%swap3A_208, %swap3A_209], %mul3A_207 {strides = array<i32>} : memref<80x128xf32, #tpu.memory_space<vmem>>, vector<16xf32>,
          %get3A_211 = arith.index_cast %add3A_191 : i32 to index
          %get3A_212 = arith.constant 32 : index
          %get3A_213 = tpu.vector_load %arg11[%get3A_211, %get3A_212] {strides = array<i32>} : memref<80x128xf32, #tpu.memory_space<vmem>>, vector<16xf32>,
          %mul3A_214 = arith.mulf %get3A_213, %gather3A_196 : vector<16xf32>
          %swap3A_215 = arith.index_cast %add3A_191 : i32 to index
          %swap3A_216 = arith.constant 32 : index
          %swap3A_217 = tpu.vector_load %arg11[%swap3A_215, %swap3A_216] {strides = array<i32>} : memref<80x128xf32, #tpu.memory_space<vmem>>, vector<16xf32>,
          tpu.vector_store %arg11[%swap3A_215, %swap3A_216], %mul3A_214 {strides = array<i32>} : memref<80x128xf32, #tpu.memory_space<vmem>>, vector<16xf32>,
          %get3A_218 = arith.index_cast %add3A_191 : i32 to index
          %get3A_219 = arith.constant 48 : index
          %get3A_220 = tpu.vector_load %arg11[%get3A_218, %get3A_219] {strides = array<i32>} : memref<80x128xf32, #tpu.memory_space<vmem>>, vector<16xf32>,
          %mul3A_221 = arith.mulf %get3A_220, %gather3A_196 : vector<16xf32>
          %swap3A_222 = arith.index_cast %add3A_191 : i32 to index
          %swap3A_223 = arith.constant 48 : index
          %swap3A_224 = tpu.vector_load %arg11[%swap3A_222, %swap3A_223] {strides = array<i32>} : memref<80x128xf32, #tpu.memory_space<vmem>>, vector<16xf32>,
          tpu.vector_store %arg11[%swap3A_222, %swap3A_223], %mul3A_221 {strides = array<i32>} : memref<80x128xf32, #tpu.memory_space<vmem>>, vector<16xf32>,
          %get3A_225 = arith.index_cast %add3A_191 : i32 to index
          %get3A_226 = arith.constant 64 : index
          %get3A_227 = tpu.vector_load %arg11[%get3A_225, %get3A_226] {strides = array<i32>} : memref<80x128xf32, #tpu.memory_space<vmem>>, vector<16xf32>,
          %mul3A_228 = arith.mulf %get3A_227, %gather3A_196 : vector<16xf32>
          %swap3A_229 = arith.index_cast %add3A_191 : i32 to index
          %swap3A_230 = arith.constant 64 : index
          %swap3A_231 = tpu.vector_load %arg11[%swap3A_229, %swap3A_230] {strides = array<i32>} : memref<80x128xf32, #tpu.memory_space<vmem>>, vector<16xf32>,
          tpu.vector_store %arg11[%swap3A_229, %swap3A_230], %mul3A_228 {strides = array<i32>} : memref<80x128xf32, #tpu.memory_space<vmem>>, vector<16xf32>,
          %get3A_232 = arith.index_cast %add3A_191 : i32 to index
          %get3A_233 = arith.constant 80 : index
          %get3A_234 = tpu.vector_load %arg11[%get3A_232, %get3A_233] {strides = array<i32>} : memref<80x128xf32, #tpu.memory_space<vmem>>, vector<16xf32>,
          %mul3A_235 = arith.mulf %get3A_234, %gather3A_196 : vector<16xf32>
          %swap3A_236 = arith.index_cast %add3A_191 : i32 to index
          %swap3A_237 = arith.constant 80 : index
          %swap3A_238 = tpu.vector_load %arg11[%swap3A_236, %swap3A_237] {strides = array<i32>} : memref<80x128xf32, #tpu.memory_space<vmem>>, vector<16xf32>,
          tpu.vector_store %arg11[%swap3A_236, %swap3A_237], %mul3A_235 {strides = array<i32>} : memref<80x128xf32, #tpu.memory_space<vmem>>, vector<16xf32>,
          %get3A_239 = arith.index_cast %add3A_191 : i32 to index
          %get3A_240 = arith.constant 96 : index
          %get3A_241 = tpu.vector_load %arg11[%get3A_239, %get3A_240] {strides = array<i32>} : memref<80x128xf32, #tpu.memory_space<vmem>>, vector<16xf32>,
          %mul3A_242 = arith.mulf %get3A_241, %gather3A_196 : vector<16xf32>
          %swap3A_243 = arith.index_cast %add3A_191 : i32 to index
          %swap3A_244 = arith.constant 96 : index
          %swap3A_245 = tpu.vector_load %arg11[%swap3A_243, %swap3A_244] {strides = array<i32>} : memref<80x128xf32, #tpu.memory_space<vmem>>, vector<16xf32>,
          tpu.vector_store %arg11[%swap3A_243, %swap3A_244], %mul3A_242 {strides = array<i32>} : memref<80x128xf32, #tpu.memory_space<vmem>>, vector<16xf32>,
          %get3A_246 = arith.index_cast %add3A_191 : i32 to index
          %get3A_247 = arith.constant 112 : index
          %get3A_248 = tpu.vector_load %arg11[%get3A_246, %get3A_247] {strides = array<i32>} : memref<80x128xf32, #tpu.memory_space<vmem>>, vector<16xf32>,
          %mul3A_249 = arith.mulf %get3A_248, %gather3A_196 : vector<16xf32>
          %swap3A_250 = arith.index_cast %add3A_191 : i32 to index
          %swap3A_251 = arith.constant 112 : index
          %swap3A_252 = tpu.vector_load %arg11[%swap3A_250, %swap3A_251] {strides = array<i32>} : memref<80x128xf32, #tpu.memory_space<vmem>>, vector<16xf32>,
          tpu.vector_store %arg11[%swap3A_250, %swap3A_251], %mul3A_249 {strides = array<i32>} : memref<80x128xf32, #tpu.memory_space<vmem>>, vector<16xf32>,
          %scan3A_253 = arith.constant 2 : i32
          %scan3A_254 = arith.addi %scan3A_123, %scan3A_253 : i32
          %mul3A_255 = arith.constant 1 : i32
          %mul3A_256 = arith.muli %scan3A_254, %mul3A_255 : i32
          %add3A_257 = arith.constant 0 : i32
          %add3A_258 = arith.addi %add3A_257, %mul3A_256 : i32
          %broadcast_in_dim3A_259 = arith.constant 0 : i32
          %broadcast_in_dim3A_260 = vector.broadcast %broadcast_in_dim3A_259 : i32 to vector<16xi32>
          %add3A_261 = vector.broadcast %add3A_258 : i32 to vector<16xi32>
          %add3A_262 = arith.addi %broadcast_in_dim3A_260, %add3A_261 : vector<16xi32>
          %gather3A_263 = tpu.vector_load_idx %arg10[%add3A_58, %add3A_262] : memref<50x80xf32, #tpu.memory_space<vmem>>[vector<16xi32>, vector<16xi32>], vector<16xf32>,
          %get3A_264 = arith.index_cast %add3A_258 : i32 to index
          %get3A_265 = arith.constant 0 : index
          %get3A_266 = tpu.vector_load %arg11[%get3A_264, %get3A_265] {strides = array<i32>} : memref<80x128xf32, #tpu.memory_space<vmem>>, vector<16xf32>,
          %mul3A_267 = arith.mulf %get3A_266, %gather3A_263 : vector<16xf32>
          %swap3A_268 = arith.index_cast %add3A_258 : i32 to index
          %swap3A_269 = arith.constant 0 : index
          %swap3A_270 = tpu.vector_load %arg11[%swap3A_268, %swap3A_269] {strides = array<i32>} : memref<80x128xf32, #tpu.memory_space<vmem>>, vector<16xf32>,
          tpu.vector_store %arg11[%swap3A_268, %swap3A_269], %mul3A_267 {strides = array<i32>} : memref<80x128xf32, #tpu.memory_space<vmem>>, vector<16xf32>,
          %get3A_271 = arith.index_cast %add3A_258 : i32 to index
          %get3A_272 = arith.constant 16 : index
          %get3A_273 = tpu.vector_load %arg11[%get3A_271, %get3A_272] {strides = array<i32>} : memref<80x128xf32, #tpu.memory_space<vmem>>, vector<16xf32>,
          %mul3A_274 = arith.mulf %get3A_273, %gather3A_263 : vector<16xf32>
          %swap3A_275 = arith.index_cast %add3A_258 : i32 to index
          %swap3A_276 = arith.constant 16 : index
          %swap3A_277 = tpu.vector_load %arg11[%swap3A_275, %swap3A_276] {strides = array<i32>} : memref<80x128xf32, #tpu.memory_space<vmem>>, vector<16xf32>,
          tpu.vector_store %arg11[%swap3A_275, %swap3A_276], %mul3A_274 {strides = array<i32>} : memref<80x128xf32, #tpu.memory_space<vmem>>, vector<16xf32>,
          %get3A_278 = arith.index_cast %add3A_258 : i32 to index
          %get3A_279 = arith.constant 32 : index
          %get3A_280 = tpu.vector_load %arg11[%get3A_278, %get3A_279] {strides = array<i32>} : memref<80x128xf32, #tpu.memory_space<vmem>>, vector<16xf32>,
          %mul3A_281 = arith.mulf %get3A_280, %gather3A_263 : vector<16xf32>
          %swap3A_282 = arith.index_cast %add3A_258 : i32 to index
          %swap3A_283 = arith.constant 32 : index
          %swap3A_284 = tpu.vector_load %arg11[%swap3A_282, %swap3A_283] {strides = array<i32>} : memref<80x128xf32, #tpu.memory_space<vmem>>, vector<16xf32>,
          tpu.vector_store %arg11[%swap3A_282, %swap3A_283], %mul3A_281 {strides = array<i32>} : memref<80x128xf32, #tpu.memory_space<vmem>>, vector<16xf32>,
          %get3A_285 = arith.index_cast %add3A_258 : i32 to index
          %get3A_286 = arith.constant 48 : index
          %get3A_287 = tpu.vector_load %arg11[%get3A_285, %get3A_286] {strides = array<i32>} : memref<80x128xf32, #tpu.memory_space<vmem>>, vector<16xf32>,
          %mul3A_288 = arith.mulf %get3A_287, %gather3A_263 : vector<16xf32>
          %swap3A_289 = arith.index_cast %add3A_258 : i32 to index
          %swap3A_290 = arith.constant 48 : index
          %swap3A_291 = tpu.vector_load %arg11[%swap3A_289, %swap3A_290] {strides = array<i32>} : memref<80x128xf32, #tpu.memory_space<vmem>>, vector<16xf32>,
          tpu.vector_store %arg11[%swap3A_289, %swap3A_290], %mul3A_288 {strides = array<i32>} : memref<80x128xf32, #tpu.memory_space<vmem>>, vector<16xf32>,
          %get3A_292 = arith.index_cast %add3A_258 : i32 to index
          %get3A_293 = arith.constant 64 : index
          %get3A_294 = tpu.vector_load %arg11[%get3A_292, %get3A_293] {strides = array<i32>} : memref<80x128xf32, #tpu.memory_space<vmem>>, vector<16xf32>,
          %mul3A_295 = arith.mulf %get3A_294, %gather3A_263 : vector<16xf32>
          %swap3A_296 = arith.index_cast %add3A_258 : i32 to index
          %swap3A_297 = arith.constant 64 : index
          %swap3A_298 = tpu.vector_load %arg11[%swap3A_296, %swap3A_297] {strides = array<i32>} : memref<80x128xf32, #tpu.memory_space<vmem>>, vector<16xf32>,
          tpu.vector_store %arg11[%swap3A_296, %swap3A_297], %mul3A_295 {strides = array<i32>} : memref<80x128xf32, #tpu.memory_space<vmem>>, vector<16xf32>,
          %get3A_299 = arith.index_cast %add3A_258 : i32 to index
          %get3A_300 = arith.constant 80 : index
          %get3A_301 = tpu.vector_load %arg11[%get3A_299, %get3A_300] {strides = array<i32>} : memref<80x128xf32, #tpu.memory_space<vmem>>, vector<16xf32>,
          %mul3A_302 = arith.mulf %get3A_301, %gather3A_263 : vector<16xf32>
          %swap3A_303 = arith.index_cast %add3A_258 : i32 to index
          %swap3A_304 = arith.constant 80 : index
          %swap3A_305 = tpu.vector_load %arg11[%swap3A_303, %swap3A_304] {strides = array<i32>} : memref<80x128xf32, #tpu.memory_space<vmem>>, vector<16xf32>,
          tpu.vector_store %arg11[%swap3A_303, %swap3A_304], %mul3A_302 {strides = array<i32>} : memref<80x128xf32, #tpu.memory_space<vmem>>, vector<16xf32>,
          %get3A_306 = arith.index_cast %add3A_258 : i32 to index
          %get3A_307 = arith.constant 96 : index
          %get3A_308 = tpu.vector_load %arg11[%get3A_306, %get3A_307] {strides = array<i32>} : memref<80x128xf32, #tpu.memory_space<vmem>>, vector<16xf32>,
          %mul3A_309 = arith.mulf %get3A_308, %gather3A_263 : vector<16xf32>
          %swap3A_310 = arith.index_cast %add3A_258 : i32 to index
          %swap3A_311 = arith.constant 96 : index
          %swap3A_312 = tpu.vector_load %arg11[%swap3A_310, %swap3A_311] {strides = array<i32>} : memref<80x128xf32, #tpu.memory_space<vmem>>, vector<16xf32>,
          tpu.vector_store %arg11[%swap3A_310, %swap3A_311], %mul3A_309 {strides = array<i32>} : memref<80x128xf32, #tpu.memory_space<vmem>>, vector<16xf32>,
          %get3A_313 = arith.index_cast %add3A_258 : i32 to index
          %get3A_314 = arith.constant 112 : index
          %get3A_315 = tpu.vector_load %arg11[%get3A_313, %get3A_314] {strides = array<i32>} : memref<80x128xf32, #tpu.memory_space<vmem>>, vector<16xf32>,
          %mul3A_316 = arith.mulf %get3A_315, %gather3A_263 : vector<16xf32>
          %swap3A_317 = arith.index_cast %add3A_258 : i32 to index
          %swap3A_318 = arith.constant 112 : index
          %swap3A_319 = tpu.vector_load %arg11[%swap3A_317, %swap3A_318] {strides = array<i32>} : memref<80x128xf32, #tpu.memory_space<vmem>>, vector<16xf32>,
          tpu.vector_store %arg11[%swap3A_317, %swap3A_318], %mul3A_316 {strides = array<i32>} : memref<80x128xf32, #tpu.memory_space<vmem>>, vector<16xf32>,
          %scan3A_320 = arith.constant 3 : i32
          %scan3A_321 = arith.addi %scan3A_123, %scan3A_320 : i32
          %mul3A_322 = arith.constant 1 : i32
          %mul3A_323 = arith.muli %scan3A_321, %mul3A_322 : i32
          %add3A_324 = arith.constant 0 : i32
          %add3A_325 = arith.addi %add3A_324, %mul3A_323 : i32
          %broadcast_in_dim3A_326 = arith.constant 0 : i32
          %broadcast_in_dim3A_327 = vector.broadcast %broadcast_in_dim3A_326 : i32 to vector<16xi32>
          %add3A_328 = vector.broadcast %add3A_325 : i32 to vector<16xi32>
          %add3A_329 = arith.addi %broadcast_in_dim3A_327, %add3A_328 : vector<16xi32>
          %gather3A_330 = tpu.vector_load_idx %arg10[%add3A_58, %add3A_329] : memref<50x80xf32, #tpu.memory_space<vmem>>[vector<16xi32>, vector<16xi32>], vector<16xf32>,
          %get3A_331 = arith.index_cast %add3A_325 : i32 to index
          %get3A_332 = arith.constant 0 : index
          %get3A_333 = tpu.vector_load %arg11[%get3A_331, %get3A_332] {strides = array<i32>} : memref<80x128xf32, #tpu.memory_space<vmem>>, vector<16xf32>,
          %mul3A_334 = arith.mulf %get3A_333, %gather3A_330 : vector<16xf32>
          %swap3A_335 = arith.index_cast %add3A_325 : i32 to index
          %swap3A_336 = arith.constant 0 : index
          %swap3A_337 = tpu.vector_load %arg11[%swap3A_335, %swap3A_336] {strides = array<i32>} : memref<80x128xf32, #tpu.memory_space<vmem>>, vector<16xf32>,
          tpu.vector_store %arg11[%swap3A_335, %swap3A_336], %mul3A_334 {strides = array<i32>} : memref<80x128xf32, #tpu.memory_space<vmem>>, vector<16xf32>,
          %get3A_338 = arith.index_cast %add3A_325 : i32 to index
          %get3A_339 = arith.constant 16 : index
          %get3A_340 = tpu.vector_load %arg11[%get3A_338, %get3A_339] {strides = array<i32>} : memref<80x128xf32, #tpu.memory_space<vmem>>, vector<16xf32>,
          %mul3A_341 = arith.mulf %get3A_340, %gather3A_330 : vector<16xf32>
          %swap3A_342 = arith.index_cast %add3A_325 : i32 to index
          %swap3A_343 = arith.constant 16 : index
          %swap3A_344 = tpu.vector_load %arg11[%swap3A_342, %swap3A_343] {strides = array<i32>} : memref<80x128xf32, #tpu.memory_space<vmem>>, vector<16xf32>,
          tpu.vector_store %arg11[%swap3A_342, %swap3A_343], %mul3A_341 {strides = array<i32>} : memref<80x128xf32, #tpu.memory_space<vmem>>, vector<16xf32>,
          %get3A_345 = arith.index_cast %add3A_325 : i32 to index
          %get3A_346 = arith.constant 32 : index
          %get3A_347 = tpu.vector_load %arg11[%get3A_345, %get3A_346] {strides = array<i32>} : memref<80x128xf32, #tpu.memory_space<vmem>>, vector<16xf32>,
          %mul3A_348 = arith.mulf %get3A_347, %gather3A_330 : vector<16xf32>
          %swap3A_349 = arith.index_cast %add3A_325 : i32 to index
          %swap3A_350 = arith.constant 32 : index
          %swap3A_351 = tpu.vector_load %arg11[%swap3A_349, %swap3A_350] {strides = array<i32>} : memref<80x128xf32, #tpu.memory_space<vmem>>, vector<16xf32>,
          tpu.vector_store %arg11[%swap3A_349, %swap3A_350], %mul3A_348 {strides = array<i32>} : memref<80x128xf32, #tpu.memory_space<vmem>>, vector<16xf32>,
          %get3A_352 = arith.index_cast %add3A_325 : i32 to index
          %get3A_353 = arith.constant 48 : index
          %get3A_354 = tpu.vector_load %arg11[%get3A_352, %get3A_353] {strides = array<i32>} : memref<80x128xf32, #tpu.memory_space<vmem>>, vector<16xf32>,
          %mul3A_355 = arith.mulf %get3A_354, %gather3A_330 : vector<16xf32>
          %swap3A_356 = arith.index_cast %add3A_325 : i32 to index
          %swap3A_357 = arith.constant 48 : index
          %swap3A_358 = tpu.vector_load %arg11[%swap3A_356, %swap3A_357] {strides = array<i32>} : memref<80x128xf32, #tpu.memory_space<vmem>>, vector<16xf32>,
          tpu.vector_store %arg11[%swap3A_356, %swap3A_357], %mul3A_355 {strides = array<i32>} : memref<80x128xf32, #tpu.memory_space<vmem>>, vector<16xf32>,
          %get3A_359 = arith.index_cast %add3A_325 : i32 to index
          %get3A_360 = arith.constant 64 : index
          %get3A_361 = tpu.vector_load %arg11[%get3A_359, %get3A_360] {strides = array<i32>} : memref<80x128xf32, #tpu.memory_space<vmem>>, vector<16xf32>,
          %mul3A_362 = arith.mulf %get3A_361, %gather3A_330 : vector<16xf32>
          %swap3A_363 = arith.index_cast %add3A_325 : i32 to index
          %swap3A_364 = arith.constant 64 : index
          %swap3A_365 = tpu.vector_load %arg11[%swap3A_363, %swap3A_364] {strides = array<i32>} : memref<80x128xf32, #tpu.memory_space<vmem>>, vector<16xf32>,
          tpu.vector_store %arg11[%swap3A_363, %swap3A_364], %mul3A_362 {strides = array<i32>} : memref<80x128xf32, #tpu.memory_space<vmem>>, vector<16xf32>,
          %get3A_366 = arith.index_cast %add3A_325 : i32 to index
          %get3A_367 = arith.constant 80 : index
          %get3A_368 = tpu.vector_load %arg11[%get3A_366, %get3A_367] {strides = array<i32>} : memref<80x128xf32, #tpu.memory_space<vmem>>, vector<16xf32>,
          %mul3A_369 = arith.mulf %get3A_368, %gather3A_330 : vector<16xf32>
          %swap3A_370 = arith.index_cast %add3A_325 : i32 to index
          %swap3A_371 = arith.constant 80 : index
          %swap3A_372 = tpu.vector_load %arg11[%swap3A_370, %swap3A_371] {strides = array<i32>} : memref<80x128xf32, #tpu.memory_space<vmem>>, vector<16xf32>,
          tpu.vector_store %arg11[%swap3A_370, %swap3A_371], %mul3A_369 {strides = array<i32>} : memref<80x128xf32, #tpu.memory_space<vmem>>, vector<16xf32>,
          %get3A_373 = arith.index_cast %add3A_325 : i32 to index
          %get3A_374 = arith.constant 96 : index
          %get3A_375 = tpu.vector_load %arg11[%get3A_373, %get3A_374] {strides = array<i32>} : memref<80x128xf32, #tpu.memory_space<vmem>>, vector<16xf32>,
          %mul3A_376 = arith.mulf %get3A_375, %gather3A_330 : vector<16xf32>
          %swap3A_377 = arith.index_cast %add3A_325 : i32 to index
          %swap3A_378 = arith.constant 96 : index
          %swap3A_379 = tpu.vector_load %arg11[%swap3A_377, %swap3A_378] {strides = array<i32>} : memref<80x128xf32, #tpu.memory_space<vmem>>, vector<16xf32>,
          tpu.vector_store %arg11[%swap3A_377, %swap3A_378], %mul3A_376 {strides = array<i32>} : memref<80x128xf32, #tpu.memory_space<vmem>>, vector<16xf32>,
          %get3A_380 = arith.index_cast %add3A_325 : i32 to index
          %get3A_381 = arith.constant 112 : index
          %get3A_382 = tpu.vector_load %arg11[%get3A_380, %get3A_381] {strides = array<i32>} : memref<80x128xf32, #tpu.memory_space<vmem>>, vector<16xf32>,
          %mul3A_383 = arith.mulf %get3A_382, %gather3A_330 : vector<16xf32>
          %swap3A_384 = arith.index_cast %add3A_325 : i32 to index
          %swap3A_385 = arith.constant 112 : index
          %swap3A_386 = tpu.vector_load %arg11[%swap3A_384, %swap3A_385] {strides = array<i32>} : memref<80x128xf32, #tpu.memory_space<vmem>>, vector<16xf32>,
          tpu.vector_store %arg11[%swap3A_384, %swap3A_385], %mul3A_383 {strides = array<i32>} : memref<80x128xf32, #tpu.memory_space<vmem>>, vector<16xf32>,
          %scan3A_387 = arith.constant 4 : i32
          %scan3A_388 = arith.addi %scan3A_123, %scan3A_387 : i32
          %mul3A_389 = arith.constant 1 : i32
          %mul3A_390 = arith.muli %scan3A_388, %mul3A_389 : i32
          %add3A_391 = arith.constant 0 : i32
          %add3A_392 = arith.addi %add3A_391, %mul3A_390 : i32
          %broadcast_in_dim3A_393 = arith.constant 0 : i32
          %broadcast_in_dim3A_394 = vector.broadcast %broadcast_in_dim3A_393 : i32 to vector<16xi32>
          %add3A_395 = vector.broadcast %add3A_392 : i32 to vector<16xi32>
          %add3A_396 = arith.addi %broadcast_in_dim3A_394, %add3A_395 : vector<16xi32>
          %gather3A_397 = tpu.vector_load_idx %arg10[%add3A_58, %add3A_396] : memref<50x80xf32, #tpu.memory_space<vmem>>[vector<16xi32>, vector<16xi32>], vector<16xf32>,
          %get3A_398 = arith.index_cast %add3A_392 : i32 to index
          %get3A_399 = arith.constant 0 : index
          %get3A_400 = tpu.vector_load %arg11[%get3A_398, %get3A_399] {strides = array<i32>} : memref<80x128xf32, #tpu.memory_space<vmem>>, vector<16xf32>,
          %mul3A_401 = arith.mulf %get3A_400, %gather3A_397 : vector<16xf32>
          %swap3A_402 = arith.index_cast %add3A_392 : i32 to index
          %swap3A_403 = arith.constant 0 : index
          %swap3A_404 = tpu.vector_load %arg11[%swap3A_402, %swap3A_403] {strides = array<i32>} : memref<80x128xf32, #tpu.memory_space<vmem>>, vector<16xf32>,
          tpu.vector_store %arg11[%swap3A_402, %swap3A_403], %mul3A_401 {strides = array<i32>} : memref<80x128xf32, #tpu.memory_space<vmem>>, vector<16xf32>,
          %get3A_405 = arith.index_cast %add3A_392 : i32 to index
          %get3A_406 = arith.constant 16 : index
          %get3A_407 = tpu.vector_load %arg11[%get3A_405, %get3A_406] {strides = array<i32>} : memref<80x128xf32, #tpu.memory_space<vmem>>, vector<16xf32>,
          %mul3A_408 = arith.mulf %get3A_407, %gather3A_397 : vector<16xf32>
          %swap3A_409 = arith.index_cast %add3A_392 : i32 to index
          %swap3A_410 = arith.constant 16 : index
          %swap3A_411 = tpu.vector_load %arg11[%swap3A_409, %swap3A_410] {strides = array<i32>} : memref<80x128xf32, #tpu.memory_space<vmem>>, vector<16xf32>,
          tpu.vector_store %arg11[%swap3A_409, %swap3A_410], %mul3A_408 {strides = array<i32>} : memref<80x128xf32, #tpu.memory_space<vmem>>, vector<16xf32>,
          %get3A_412 = arith.index_cast %add3A_392 : i32 to index
          %get3A_413 = arith.constant 32 : index
          %get3A_414 = tpu.vector_load %arg11[%get3A_412, %get3A_413] {strides = array<i32>} : memref<80x128xf32, #tpu.memory_space<vmem>>, vector<16xf32>,
          %mul3A_415 = arith.mulf %get3A_414, %gather3A_397 : vector<16xf32>
          %swap3A_416 = arith.index_cast %add3A_392 : i32 to index
          %swap3A_417 = arith.constant 32 : index
          %swap3A_418 = tpu.vector_load %arg11[%swap3A_416, %swap3A_417] {strides = array<i32>} : memref<80x128xf32, #tpu.memory_space<vmem>>, vector<16xf32>,
          tpu.vector_store %arg11[%swap3A_416, %swap3A_417], %mul3A_415 {strides = array<i32>} : memref<80x128xf32, #tpu.memory_space<vmem>>, vector<16xf32>,
          %get3A_419 = arith.index_cast %add3A_392 : i32 to index
          %get3A_420 = arith.constant 48 : index
          %get3A_421 = tpu.vector_load %arg11[%get3A_419, %get3A_420] {strides = array<i32>} : memref<80x128xf32, #tpu.memory_space<vmem>>, vector<16xf32>,
          %mul3A_422 = arith.mulf %get3A_421, %gather3A_397 : vector<16xf32>
          %swap3A_423 = arith.index_cast %add3A_392 : i32 to index
          %swap3A_424 = arith.constant 48 : index
          %swap3A_425 = tpu.vector_load %arg11[%swap3A_423, %swap3A_424] {strides = array<i32>} : memref<80x128xf32, #tpu.memory_space<vmem>>, vector<16xf32>,
          tpu.vector_store %arg11[%swap3A_423, %swap3A_424], %mul3A_422 {strides = array<i32>} : memref<80x128xf32, #tpu.memory_space<vmem>>, vector<16xf32>,
          %get3A_426 = arith.index_cast %add3A_392 : i32 to index
          %get3A_427 = arith.constant 64 : index
          %get3A_428 = tpu.vector_load %arg11[%get3A_426, %get3A_427] {strides = array<i32>} : memref<80x128xf32, #tpu.memory_space<vmem>>, vector<16xf32>,
          %mul3A_429 = arith.mulf %get3A_428, %gather3A_397 : vector<16xf32>
          %swap3A_430 = arith.index_cast %add3A_392 : i32 to index
          %swap3A_431 = arith.constant 64 : index
          %swap3A_432 = tpu.vector_load %arg11[%swap3A_430, %swap3A_431] {strides = array<i32>} : memref<80x128xf32, #tpu.memory_space<vmem>>, vector<16xf32>,
          tpu.vector_store %arg11[%swap3A_430, %swap3A_431], %mul3A_429 {strides = array<i32>} : memref<80x128xf32, #tpu.memory_space<vmem>>, vector<16xf32>,
          %get3A_433 = arith.index_cast %add3A_392 : i32 to index
          %get3A_434 = arith.constant 80 : index
          %get3A_435 = tpu.vector_load %arg11[%get3A_433, %get3A_434] {strides = array<i32>} : memref<80x128xf32, #tpu.memory_space<vmem>>, vector<16xf32>,
          %mul3A_436 = arith.mulf %get3A_435, %gather3A_397 : vector<16xf32>
          %swap3A_437 = arith.index_cast %add3A_392 : i32 to index
          %swap3A_438 = arith.constant 80 : index
          %swap3A_439 = tpu.vector_load %arg11[%swap3A_437, %swap3A_438] {strides = array<i32>} : memref<80x128xf32, #tpu.memory_space<vmem>>, vector<16xf32>,
          tpu.vector_store %arg11[%swap3A_437, %swap3A_438], %mul3A_436 {strides = array<i32>} : memref<80x128xf32, #tpu.memory_space<vmem>>, vector<16xf32>,
          %get3A_440 = arith.index_cast %add3A_392 : i32 to index
          %get3A_441 = arith.constant 96 : index
          %get3A_442 = tpu.vector_load %arg11[%get3A_440, %get3A_441] {strides = array<i32>} : memref<80x128xf32, #tpu.memory_space<vmem>>, vector<16xf32>,
          %mul3A_443 = arith.mulf %get3A_442, %gather3A_397 : vector<16xf32>
          %swap3A_444 = arith.index_cast %add3A_392 : i32 to index
          %swap3A_445 = arith.constant 96 : index
          %swap3A_446 = tpu.vector_load %arg11[%swap3A_444, %swap3A_445] {strides = array<i32>} : memref<80x128xf32, #tpu.memory_space<vmem>>, vector<16xf32>,
          tpu.vector_store %arg11[%swap3A_444, %swap3A_445], %mul3A_443 {strides = array<i32>} : memref<80x128xf32, #tpu.memory_space<vmem>>, vector<16xf32>,
          %get3A_447 = arith.index_cast %add3A_392 : i32 to index
          %get3A_448 = arith.constant 112 : index
          %get3A_449 = tpu.vector_load %arg11[%get3A_447, %get3A_448] {strides = array<i32>} : memref<80x128xf32, #tpu.memory_space<vmem>>, vector<16xf32>,
          %mul3A_450 = arith.mulf %get3A_449, %gather3A_397 : vector<16xf32>
          %swap3A_451 = arith.index_cast %add3A_392 : i32 to index
          %swap3A_452 = arith.constant 112 : index
          %swap3A_453 = tpu.vector_load %arg11[%swap3A_451, %swap3A_452] {strides = array<i32>} : memref<80x128xf32, #tpu.memory_space<vmem>>, vector<16xf32>,
          tpu.vector_store %arg11[%swap3A_451, %swap3A_452], %mul3A_450 {strides = array<i32>} : memref<80x128xf32, #tpu.memory_space<vmem>>, vector<16xf32>,
          %scan3A_454 = arith.constant 5 : i32
          %scan3A_455 = arith.addi %scan3A_123, %scan3A_454 : i32
          %mul3A_456 = arith.constant 1 : i32
          %mul3A_457 = arith.muli %scan3A_455, %mul3A_456 : i32
          %add3A_458 = arith.constant 0 : i32
          %add3A_459 = arith.addi %add3A_458, %mul3A_457 : i32
          %broadcast_in_dim3A_460 = arith.constant 0 : i32
          %broadcast_in_dim3A_461 = vector.broadcast %broadcast_in_dim3A_460 : i32 to vector<16xi32>
          %add3A_462 = vector.broadcast %add3A_459 : i32 to vector<16xi32>
          %add3A_463 = arith.addi %broadcast_in_dim3A_461, %add3A_462 : vector<16xi32>
          %gather3A_464 = tpu.vector_load_idx %arg10[%add3A_58, %add3A_463] : memref<50x80xf32, #tpu.memory_space<vmem>>[vector<16xi32>, vector<16xi32>], vector<16xf32>,
          %get3A_465 = arith.index_cast %add3A_459 : i32 to index
          %get3A_466 = arith.constant 0 : index
          %get3A_467 = tpu.vector_load %arg11[%get3A_465, %get3A_466] {strides = array<i32>} : memref<80x128xf32, #tpu.memory_space<vmem>>, vector<16xf32>,
          %mul3A_468 = arith.mulf %get3A_467, %gather3A_464 : vector<16xf32>
          %swap3A_469 = arith.index_cast %add3A_459 : i32 to index
          %swap3A_470 = arith.constant 0 : index
          %swap3A_471 = tpu.vector_load %arg11[%swap3A_469, %swap3A_470] {strides = array<i32>} : memref<80x128xf32, #tpu.memory_space<vmem>>, vector<16xf32>,
          tpu.vector_store %arg11[%swap3A_469, %swap3A_470], %mul3A_468 {strides = array<i32>} : memref<80x128xf32, #tpu.memory_space<vmem>>, vector<16xf32>,
          %get3A_472 = arith.index_cast %add3A_459 : i32 to index
          %get3A_473 = arith.constant 16 : index
          %get3A_474 = tpu.vector_load %arg11[%get3A_472, %get3A_473] {strides = array<i32>} : memref<80x128xf32, #tpu.memory_space<vmem>>, vector<16xf32>,
          %mul3A_475 = arith.mulf %get3A_474, %gather3A_464 : vector<16xf32>
          %swap3A_476 = arith.index_cast %add3A_459 : i32 to index
          %swap3A_477 = arith.constant 16 : index
          %swap3A_478 = tpu.vector_load %arg11[%swap3A_476, %swap3A_477] {strides = array<i32>} : memref<80x128xf32, #tpu.memory_space<vmem>>, vector<16xf32>,
          tpu.vector_store %arg11[%swap3A_476, %swap3A_477], %mul3A_475 {strides = array<i32>} : memref<80x128xf32, #tpu.memory_space<vmem>>, vector<16xf32>,
          %get3A_479 = arith.index_cast %add3A_459 : i32 to index
          %get3A_480 = arith.constant 32 : index
          %get3A_481 = tpu.vector_load %arg11[%get3A_479, %get3A_480] {strides = array<i32>} : memref<80x128xf32, #tpu.memory_space<vmem>>, vector<16xf32>,
          %mul3A_482 = arith.mulf %get3A_481, %gather3A_464 : vector<16xf32>
          %swap3A_483 = arith.index_cast %add3A_459 : i32 to index
          %swap3A_484 = arith.constant 32 : index
          %swap3A_485 = tpu.vector_load %arg11[%swap3A_483, %swap3A_484] {strides = array<i32>} : memref<80x128xf32, #tpu.memory_space<vmem>>, vector<16xf32>,
          tpu.vector_store %arg11[%swap3A_483, %swap3A_484], %mul3A_482 {strides = array<i32>} : memref<80x128xf32, #tpu.memory_space<vmem>>, vector<16xf32>,
          %get3A_486 = arith.index_cast %add3A_459 : i32 to index
          %get3A_487 = arith.constant 48 : index
          %get3A_488 = tpu.vector_load %arg11[%get3A_486, %get3A_487] {strides = array<i32>} : memref<80x128xf32, #tpu.memory_space<vmem>>, vector<16xf32>,
          %mul3A_489 = arith.mulf %get3A_488, %gather3A_464 : vector<16xf32>
          %swap3A_490 = arith.index_cast %add3A_459 : i32 to index
          %swap3A_491 = arith.constant 48 : index
          %swap3A_492 = tpu.vector_load %arg11[%swap3A_490, %swap3A_491] {strides = array<i32>} : memref<80x128xf32, #tpu.memory_space<vmem>>, vector<16xf32>,
          tpu.vector_store %arg11[%swap3A_490, %swap3A_491], %mul3A_489 {strides = array<i32>} : memref<80x128xf32, #tpu.memory_space<vmem>>, vector<16xf32>,
          %get3A_493 = arith.index_cast %add3A_459 : i32 to index
          %get3A_494 = arith.constant 64 : index
          %get3A_495 = tpu.vector_load %arg11[%get3A_493, %get3A_494] {strides = array<i32>} : memref<80x128xf32, #tpu.memory_space<vmem>>, vector<16xf32>,
          %mul3A_496 = arith.mulf %get3A_495, %gather3A_464 : vector<16xf32>
          %swap3A_497 = arith.index_cast %add3A_459 : i32 to index
          %swap3A_498 = arith.constant 64 : index
          %swap3A_499 = tpu.vector_load %arg11[%swap3A_497, %swap3A_498] {strides = array<i32>} : memref<80x128xf32, #tpu.memory_space<vmem>>, vector<16xf32>,
          tpu.vector_store %arg11[%swap3A_497, %swap3A_498], %mul3A_496 {strides = array<i32>} : memref<80x128xf32, #tpu.memory_space<vmem>>, vector<16xf32>,
          %get3A_500 = arith.index_cast %add3A_459 : i32 to index
          %get3A_501 = arith.constant 80 : index
          %get3A_502 = tpu.vector_load %arg11[%get3A_500, %get3A_501] {strides = array<i32>} : memref<80x128xf32, #tpu.memory_space<vmem>>, vector<16xf32>,
          %mul3A_503 = arith.mulf %get3A_502, %gather3A_464 : vector<16xf32>
          %swap3A_504 = arith.index_cast %add3A_459 : i32 to index
          %swap3A_505 = arith.constant 80 : index
          %swap3A_506 = tpu.vector_load %arg11[%swap3A_504, %swap3A_505] {strides = array<i32>} : memref<80x128xf32, #tpu.memory_space<vmem>>, vector<16xf32>,
          tpu.vector_store %arg11[%swap3A_504, %swap3A_505], %mul3A_503 {strides = array<i32>} : memref<80x128xf32, #tpu.memory_space<vmem>>, vector<16xf32>,
          %get3A_507 = arith.index_cast %add3A_459 : i32 to index
          %get3A_508 = arith.constant 96 : index
          %get3A_509 = tpu.vector_load %arg11[%get3A_507, %get3A_508] {strides = array<i32>} : memref<80x128xf32, #tpu.memory_space<vmem>>, vector<16xf32>,
          %mul3A_510 = arith.mulf %get3A_509, %gather3A_464 : vector<16xf32>
          %swap3A_511 = arith.index_cast %add3A_459 : i32 to index
          %swap3A_512 = arith.constant 96 : index
          %swap3A_513 = tpu.vector_load %arg11[%swap3A_511, %swap3A_512] {strides = array<i32>} : memref<80x128xf32, #tpu.memory_space<vmem>>, vector<16xf32>,
          tpu.vector_store %arg11[%swap3A_511, %swap3A_512], %mul3A_510 {strides = array<i32>} : memref<80x128xf32, #tpu.memory_space<vmem>>, vector<16xf32>,
          %get3A_514 = arith.index_cast %add3A_459 : i32 to index
          %get3A_515 = arith.constant 112 : index
          %get3A_516 = tpu.vector_load %arg11[%get3A_514, %get3A_515] {strides = array<i32>} : memref<80x128xf32, #tpu.memory_space<vmem>>, vector<16xf32>,
          %mul3A_517 = arith.mulf %get3A_516, %gather3A_464 : vector<16xf32>
          %swap3A_518 = arith.index_cast %add3A_459 : i32 to index
          %swap3A_519 = arith.constant 112 : index
          %swap3A_520 = tpu.vector_load %arg11[%swap3A_518, %swap3A_519] {strides = array<i32>} : memref<80x128xf32, #tpu.memory_space<vmem>>, vector<16xf32>,
          tpu.vector_store %arg11[%swap3A_518, %swap3A_519], %mul3A_517 {strides = array<i32>} : memref<80x128xf32, #tpu.memory_space<vmem>>, vector<16xf32>,
          %scan3A_521 = arith.constant 6 : i32
          %scan3A_522 = arith.addi %scan3A_123, %scan3A_521 : i32
          %mul3A_523 = arith.constant 1 : i32
          %mul3A_524 = arith.muli %scan3A_522, %mul3A_523 : i32
          %add3A_525 = arith.constant 0 : i32
          %add3A_526 = arith.addi %add3A_525, %mul3A_524 : i32
          %broadcast_in_dim3A_527 = arith.constant 0 : i32
          %broadcast_in_dim3A_528 = vector.broadcast %broadcast_in_dim3A_527 : i32 to vector<16xi32>
          %add3A_529 = vector.broadcast %add3A_526 : i32 to vector<16xi32>
          %add3A_530 = arith.addi %broadcast_in_dim3A_528, %add3A_529 : vector<16xi32>
          %gather3A_531 = tpu.vector_load_idx %arg10[%add3A_58, %add3A_530] : memref<50x80xf32, #tpu.memory_space<vmem>>[vector<16xi32>, vector<16xi32>], vector<16xf32>,
          %get3A_532 = arith.index_cast %add3A_526 : i32 to index
          %get3A_533 = arith.constant 0 : index
          %get3A_534 = tpu.vector_load %arg11[%get3A_532, %get3A_533] {strides = array<i32>} : memref<80x128xf32, #tpu.memory_space<vmem>>, vector<16xf32>,
          %mul3A_535 = arith.mulf %get3A_534, %gather3A_531 : vector<16xf32>
          %swap3A_536 = arith.index_cast %add3A_526 : i32 to index
          %swap3A_537 = arith.constant 0 : index
          %swap3A_538 = tpu.vector_load %arg11[%swap3A_536, %swap3A_537] {strides = array<i32>} : memref<80x128xf32, #tpu.memory_space<vmem>>, vector<16xf32>,
          tpu.vector_store %arg11[%swap3A_536, %swap3A_537], %mul3A_535 {strides = array<i32>} : memref<80x128xf32, #tpu.memory_space<vmem>>, vector<16xf32>,
          %get3A_539 = arith.index_cast %add3A_526 : i32 to index
          %get3A_540 = arith.constant 16 : index
          %get3A_541 = tpu.vector_load %arg11[%get3A_539, %get3A_540] {strides = array<i32>} : memref<80x128xf32, #tpu.memory_space<vmem>>, vector<16xf32>,
          %mul3A_542 = arith.mulf %get3A_541, %gather3A_531 : vector<16xf32>
          %swap3A_543 = arith.index_cast %add3A_526 : i32 to index
          %swap3A_544 = arith.constant 16 : index
          %swap3A_545 = tpu.vector_load %arg11[%swap3A_543, %swap3A_544] {strides = array<i32>} : memref<80x128xf32, #tpu.memory_space<vmem>>, vector<16xf32>,
          tpu.vector_store %arg11[%swap3A_543, %swap3A_544], %mul3A_542 {strides = array<i32>} : memref<80x128xf32, #tpu.memory_space<vmem>>, vector<16xf32>,
          %get3A_546 = arith.index_cast %add3A_526 : i32 to index
          %get3A_547 = arith.constant 32 : index
          %get3A_548 = tpu.vector_load %arg11[%get3A_546, %get3A_547] {strides = array<i32>} : memref<80x128xf32, #tpu.memory_space<vmem>>, vector<16xf32>,
          %mul3A_549 = arith.mulf %get3A_548, %gather3A_531 : vector<16xf32>
          %swap3A_550 = arith.index_cast %add3A_526 : i32 to index
          %swap3A_551 = arith.constant 32 : index
          %swap3A_552 = tpu.vector_load %arg11[%swap3A_550, %swap3A_551] {strides = array<i32>} : memref<80x128xf32, #tpu.memory_space<vmem>>, vector<16xf32>,
          tpu.vector_store %arg11[%swap3A_550, %swap3A_551], %mul3A_549 {strides = array<i32>} : memref<80x128xf32, #tpu.memory_space<vmem>>, vector<16xf32>,
          %get3A_553 = arith.index_cast %add3A_526 : i32 to index
          %get3A_554 = arith.constant 48 : index
          %get3A_555 = tpu.vector_load %arg11[%get3A_553, %get3A_554] {strides = array<i32>} : memref<80x128xf32, #tpu.memory_space<vmem>>, vector<16xf32>,
          %mul3A_556 = arith.mulf %get3A_555, %gather3A_531 : vector<16xf32>
          %swap3A_557 = arith.index_cast %add3A_526 : i32 to index
          %swap3A_558 = arith.constant 48 : index
          %swap3A_559 = tpu.vector_load %arg11[%swap3A_557, %swap3A_558] {strides = array<i32>} : memref<80x128xf32, #tpu.memory_space<vmem>>, vector<16xf32>,
          tpu.vector_store %arg11[%swap3A_557, %swap3A_558], %mul3A_556 {strides = array<i32>} : memref<80x128xf32, #tpu.memory_space<vmem>>, vector<16xf32>,
          %get3A_560 = arith.index_cast %add3A_526 : i32 to index
          %get3A_561 = arith.constant 64 : index
          %get3A_562 = tpu.vector_load %arg11[%get3A_560, %get3A_561] {strides = array<i32>} : memref<80x128xf32, #tpu.memory_space<vmem>>, vector<16xf32>,
          %mul3A_563 = arith.mulf %get3A_562, %gather3A_531 : vector<16xf32>
          %swap3A_564 = arith.index_cast %add3A_526 : i32 to index
          %swap3A_565 = arith.constant 64 : index
          %swap3A_566 = tpu.vector_load %arg11[%swap3A_564, %swap3A_565] {strides = array<i32>} : memref<80x128xf32, #tpu.memory_space<vmem>>, vector<16xf32>,
          tpu.vector_store %arg11[%swap3A_564, %swap3A_565], %mul3A_563 {strides = array<i32>} : memref<80x128xf32, #tpu.memory_space<vmem>>, vector<16xf32>,
          %get3A_567 = arith.index_cast %add3A_526 : i32 to index
          %get3A_568 = arith.constant 80 : index
          %get3A_569 = tpu.vector_load %arg11[%get3A_567, %get3A_568] {strides = array<i32>} : memref<80x128xf32, #tpu.memory_space<vmem>>, vector<16xf32>,
          %mul3A_570 = arith.mulf %get3A_569, %gather3A_531 : vector<16xf32>
          %swap3A_571 = arith.index_cast %add3A_526 : i32 to index
          %swap3A_572 = arith.constant 80 : index
          %swap3A_573 = tpu.vector_load %arg11[%swap3A_571, %swap3A_572] {strides = array<i32>} : memref<80x128xf32, #tpu.memory_space<vmem>>, vector<16xf32>,
          tpu.vector_store %arg11[%swap3A_571, %swap3A_572], %mul3A_570 {strides = array<i32>} : memref<80x128xf32, #tpu.memory_space<vmem>>, vector<16xf32>,
          %get3A_574 = arith.index_cast %add3A_526 : i32 to index
          %get3A_575 = arith.constant 96 : index
          %get3A_576 = tpu.vector_load %arg11[%get3A_574, %get3A_575] {strides = array<i32>} : memref<80x128xf32, #tpu.memory_space<vmem>>, vector<16xf32>,
          %mul3A_577 = arith.mulf %get3A_576, %gather3A_531 : vector<16xf32>
          %swap3A_578 = arith.index_cast %add3A_526 : i32 to index
          %swap3A_579 = arith.constant 96 : index
          %swap3A_580 = tpu.vector_load %arg11[%swap3A_578, %swap3A_579] {strides = array<i32>} : memref<80x128xf32, #tpu.memory_space<vmem>>, vector<16xf32>,
          tpu.vector_store %arg11[%swap3A_578, %swap3A_579], %mul3A_577 {strides = array<i32>} : memref<80x128xf32, #tpu.memory_space<vmem>>, vector<16xf32>,
          %get3A_581 = arith.index_cast %add3A_526 : i32 to index
          %get3A_582 = arith.constant 112 : index
          %get3A_583 = tpu.vector_load %arg11[%get3A_581, %get3A_582] {strides = array<i32>} : memref<80x128xf32, #tpu.memory_space<vmem>>, vector<16xf32>,
          %mul3A_584 = arith.mulf %get3A_583, %gather3A_531 : vector<16xf32>
          %swap3A_585 = arith.index_cast %add3A_526 : i32 to index
          %swap3A_586 = arith.constant 112 : index
          %swap3A_587 = tpu.vector_load %arg11[%swap3A_585, %swap3A_586] {strides = array<i32>} : memref<80x128xf32, #tpu.memory_space<vmem>>, vector<16xf32>,
          tpu.vector_store %arg11[%swap3A_585, %swap3A_586], %mul3A_584 {strides = array<i32>} : memref<80x128xf32, #tpu.memory_space<vmem>>, vector<16xf32>,
          %scan3A_588 = arith.constant 7 : i32
          %scan3A_589 = arith.addi %scan3A_123, %scan3A_588 : i32
          %mul3A_590 = arith.constant 1 : i32
          %mul3A_591 = arith.muli %scan3A_589, %mul3A_590 : i32
          %add3A_592 = arith.constant 0 : i32
          %add3A_593 = arith.addi %add3A_592, %mul3A_591 : i32
          %broadcast_in_dim3A_594 = arith.constant 0 : i32
          %broadcast_in_dim3A_595 = vector.broadcast %broadcast_in_dim3A_594 : i32 to vector<16xi32>
          %add3A_596 = vector.broadcast %add3A_593 : i32 to vector<16xi32>
          %add3A_597 = arith.addi %broadcast_in_dim3A_595, %add3A_596 : vector<16xi32>
          %gather3A_598 = tpu.vector_load_idx %arg10[%add3A_58, %add3A_597] : memref<50x80xf32, #tpu.memory_space<vmem>>[vector<16xi32>, vector<16xi32>], vector<16xf32>,
          %get3A_599 = arith.index_cast %add3A_593 : i32 to index
          %get3A_600 = arith.constant 0 : index
          %get3A_601 = tpu.vector_load %arg11[%get3A_599, %get3A_600] {strides = array<i32>} : memref<80x128xf32, #tpu.memory_space<vmem>>, vector<16xf32>,
          %mul3A_602 = arith.mulf %get3A_601, %gather3A_598 : vector<16xf32>
          %swap3A_603 = arith.index_cast %add3A_593 : i32 to index
          %swap3A_604 = arith.constant 0 : index
          %swap3A_605 = tpu.vector_load %arg11[%swap3A_603, %swap3A_604] {strides = array<i32>} : memref<80x128xf32, #tpu.memory_space<vmem>>, vector<16xf32>,
          tpu.vector_store %arg11[%swap3A_603, %swap3A_604], %mul3A_602 {strides = array<i32>} : memref<80x128xf32, #tpu.memory_space<vmem>>, vector<16xf32>,
          %get3A_606 = arith.index_cast %add3A_593 : i32 to index
          %get3A_607 = arith.constant 16 : index
          %get3A_608 = tpu.vector_load %arg11[%get3A_606, %get3A_607] {strides = array<i32>} : memref<80x128xf32, #tpu.memory_space<vmem>>, vector<16xf32>,
          %mul3A_609 = arith.mulf %get3A_608, %gather3A_598 : vector<16xf32>
          %swap3A_610 = arith.index_cast %add3A_593 : i32 to index
          %swap3A_611 = arith.constant 16 : index
          %swap3A_612 = tpu.vector_load %arg11[%swap3A_610, %swap3A_611] {strides = array<i32>} : memref<80x128xf32, #tpu.memory_space<vmem>>, vector<16xf32>,
          tpu.vector_store %arg11[%swap3A_610, %swap3A_611], %mul3A_609 {strides = array<i32>} : memref<80x128xf32, #tpu.memory_space<vmem>>, vector<16xf32>,
          %get3A_613 = arith.index_cast %add3A_593 : i32 to index
          %get3A_614 = arith.constant 32 : index
          %get3A_615 = tpu.vector_load %arg11[%get3A_613, %get3A_614] {strides = array<i32>} : memref<80x128xf32, #tpu.memory_space<vmem>>, vector<16xf32>,
          %mul3A_616 = arith.mulf %get3A_615, %gather3A_598 : vector<16xf32>
          %swap3A_617 = arith.index_cast %add3A_593 : i32 to index
          %swap3A_618 = arith.constant 32 : index
          %swap3A_619 = tpu.vector_load %arg11[%swap3A_617, %swap3A_618] {strides = array<i32>} : memref<80x128xf32, #tpu.memory_space<vmem>>, vector<16xf32>,
          tpu.vector_store %arg11[%swap3A_617, %swap3A_618], %mul3A_616 {strides = array<i32>} : memref<80x128xf32, #tpu.memory_space<vmem>>, vector<16xf32>,
          %get3A_620 = arith.index_cast %add3A_593 : i32 to index
          %get3A_621 = arith.constant 48 : index
          %get3A_622 = tpu.vector_load %arg11[%get3A_620, %get3A_621] {strides = array<i32>} : memref<80x128xf32, #tpu.memory_space<vmem>>, vector<16xf32>,
          %mul3A_623 = arith.mulf %get3A_622, %gather3A_598 : vector<16xf32>
          %swap3A_624 = arith.index_cast %add3A_593 : i32 to index
          %swap3A_625 = arith.constant 48 : index
          %swap3A_626 = tpu.vector_load %arg11[%swap3A_624, %swap3A_625] {strides = array<i32>} : memref<80x128xf32, #tpu.memory_space<vmem>>, vector<16xf32>,
          tpu.vector_store %arg11[%swap3A_624, %swap3A_625], %mul3A_623 {strides = array<i32>} : memref<80x128xf32, #tpu.memory_space<vmem>>, vector<16xf32>,
          %get3A_627 = arith.index_cast %add3A_593 : i32 to index
          %get3A_628 = arith.constant 64 : index
          %get3A_629 = tpu.vector_load %arg11[%get3A_627, %get3A_628] {strides = array<i32>} : memref<80x128xf32, #tpu.memory_space<vmem>>, vector<16xf32>,
          %mul3A_630 = arith.mulf %get3A_629, %gather3A_598 : vector<16xf32>
          %swap3A_631 = arith.index_cast %add3A_593 : i32 to index
          %swap3A_632 = arith.constant 64 : index
          %swap3A_633 = tpu.vector_load %arg11[%swap3A_631, %swap3A_632] {strides = array<i32>} : memref<80x128xf32, #tpu.memory_space<vmem>>, vector<16xf32>,
          tpu.vector_store %arg11[%swap3A_631, %swap3A_632], %mul3A_630 {strides = array<i32>} : memref<80x128xf32, #tpu.memory_space<vmem>>, vector<16xf32>,
          %get3A_634 = arith.index_cast %add3A_593 : i32 to index
          %get3A_635 = arith.constant 80 : index
          %get3A_636 = tpu.vector_load %arg11[%get3A_634, %get3A_635] {strides = array<i32>} : memref<80x128xf32, #tpu.memory_space<vmem>>, vector<16xf32>,
          %mul3A_637 = arith.mulf %get3A_636, %gather3A_598 : vector<16xf32>
          %swap3A_638 = arith.index_cast %add3A_593 : i32 to index
          %swap3A_639 = arith.constant 80 : index
          %swap3A_640 = tpu.vector_load %arg11[%swap3A_638, %swap3A_639] {strides = array<i32>} : memref<80x128xf32, #tpu.memory_space<vmem>>, vector<16xf32>,
          tpu.vector_store %arg11[%swap3A_638, %swap3A_639], %mul3A_637 {strides = array<i32>} : memref<80x128xf32, #tpu.memory_space<vmem>>, vector<16xf32>,
          %get3A_641 = arith.index_cast %add3A_593 : i32 to index
          %get3A_642 = arith.constant 96 : index
          %get3A_643 = tpu.vector_load %arg11[%get3A_641, %get3A_642] {strides = array<i32>} : memref<80x128xf32, #tpu.memory_space<vmem>>, vector<16xf32>,
          %mul3A_644 = arith.mulf %get3A_643, %gather3A_598 : vector<16xf32>
          %swap3A_645 = arith.index_cast %add3A_593 : i32 to index
          %swap3A_646 = arith.constant 96 : index
          %swap3A_647 = tpu.vector_load %arg11[%swap3A_645, %swap3A_646] {strides = array<i32>} : memref<80x128xf32, #tpu.memory_space<vmem>>, vector<16xf32>,
          tpu.vector_store %arg11[%swap3A_645, %swap3A_646], %mul3A_644 {strides = array<i32>} : memref<80x128xf32, #tpu.memory_space<vmem>>, vector<16xf32>,
          %get3A_648 = arith.index_cast %add3A_593 : i32 to index
          %get3A_649 = arith.constant 112 : index
          %get3A_650 = tpu.vector_load %arg11[%get3A_648, %get3A_649] {strides = array<i32>} : memref<80x128xf32, #tpu.memory_space<vmem>>, vector<16xf32>,
          %mul3A_651 = arith.mulf %get3A_650, %gather3A_598 : vector<16xf32>
          %swap3A_652 = arith.index_cast %add3A_593 : i32 to index
          %swap3A_653 = arith.constant 112 : index
          %swap3A_654 = tpu.vector_load %arg11[%swap3A_652, %swap3A_653] {strides = array<i32>} : memref<80x128xf32, #tpu.memory_space<vmem>>, vector<16xf32>,
          tpu.vector_store %arg11[%swap3A_652, %swap3A_653], %mul3A_651 {strides = array<i32>} : memref<80x128xf32, #tpu.memory_space<vmem>>, vector<16xf32>,
        }
        %scan3A_63 = arith.constant 80 : i32
        %dma_start3A_64 = arith.constant 0 : i32
        %dma_start3A_65 = tpu.memref_slice %arg9[%add3A_50, %dma_start3A_64] : memref<50x80xi32, #tpu.memory_space<vmem>> -> memref<1x80xi32, #tpu.memory_space<vmem>>
        %dma_start3A_66 = tpu.memref_squeeze %dma_start3A_65 : memref<1x80xi32, #tpu.memory_space<vmem>> -> memref<80xi32, #tpu.memory_space<vmem>>
        %dma_start3A_67 = arith.constant 0 : i32
        %dma_start3A_68 = arith.constant 0 : i32
        %dma_start3A_69 = tpu.memref_slice %arg13[%dma_start3A_67, %dma_start3A_68] : memref<10000x128xf32, #tpu.memory_space<vmem_shared>> -> memref<10000x128xf32, #tpu.memory_space<vmem_shared>>
        tpu.enqueue_indirect_dma source(%arg11 : memref<80x128xf32, #tpu.memory_space<vmem>>) target(%dma_start3A_69 : memref<10000x128xf32, #tpu.memory_space<vmem_shared>>) offsets(%dma_start3A_66 : memref<80xi32, #tpu.memory_space<vmem>>) semaphore(%arg16 : memref<!tpu.dma_semaphore, #tpu.memory_space<semaphore_mem>>) {add = true}
        %add3A_70 = arith.constant 1 : i32
        %add3A_71 = arith.addi %add3A_48, %add3A_70 : i32
        %dma_wait3A_72 = arith.constant 0 : i32
        %dma_wait3A_73 = tpu.memref_slice %arg8[%add3A_71, %dma_wait3A_72] : memref<50x80xi32, #tpu.memory_space<vmem>> -> memref<1x80xi32, #tpu.memory_space<vmem>>
        %dma_wait3A_74 = tpu.memref_squeeze %dma_wait3A_73 : memref<1x80xi32, #tpu.memory_space<vmem>> -> memref<80xi32, #tpu.memory_space<vmem>>
        %dma_wait3A_75 = arith.constant 0 : i32
        %dma_wait3A_76 = arith.constant 0 : i32
        %dma_wait3A_77 = tpu.memref_slice %arg2[%dma_wait3A_75, %dma_wait3A_76] : memref<10000x128xf32, #tpu.memory_space<hbm>> -> memref<10000x128xf32, #tpu.memory_space<hbm>>
        tpu.wait_indirect_dma semaphore(%arg15 : memref<!tpu.dma_semaphore, #tpu.memory_space<semaphore_mem>>) src(%dma_wait3A_77 : memref<10000x128xf32, #tpu.memory_space<hbm>>) dst(%arg12 : memref<80x128xf32, #tpu.memory_space<vmem>>)
        %broadcast_in_dim3A_78 = arith.constant 0 : i32
        %broadcast_in_dim3A_79 = vector.broadcast %broadcast_in_dim3A_78 : i32 to vector<16xi32>
        %add3A_80 = vector.broadcast %add3A_71 : i32 to vector<16xi32>
        %add3A_81 = arith.addi %broadcast_in_dim3A_79, %add3A_80 : vector<16xi32>
        %scan3A_82 = arith.constant 0 : i32
        %scan3A_83 = arith.constant 80 : i32
        %scan3A_84 = arith.addi %scan3A_82, %scan3A_83 : i32
        %scan3A_85 = arith.constant 8 : i32
        scf.for %scan3A_123 = %scan3A_82 to %scan3A_84 step %scan3A_85  : i32 {
          %mul3A_124 = arith.constant 1 : i32
          %mul3A_125 = arith.muli %scan3A_123, %mul3A_124 : i32
          %add3A_126 = arith.constant 0 : i32
          %add3A_127 = arith.addi %add3A_126, %mul3A_125 : i32
          %broadcast_in_dim3A_128 = arith.constant 0 : i32
          %broadcast_in_dim3A_129 = vector.broadcast %broadcast_in_dim3A_128 : i32 to vector<16xi32>
          %add3A_130 = vector.broadcast %add3A_127 : i32 to vector<16xi32>
          %add3A_131 = arith.addi %broadcast_in_dim3A_129, %add3A_130 : vector<16xi32>
          %gather3A = tpu.vector_load_idx %arg10[%add3A_81, %add3A_131] : memref<50x80xf32, #tpu.memory_space<vmem>>[vector<16xi32>, vector<16xi32>], vector<16xf32>,
          %get3A = arith.index_cast %add3A_127 : i32 to index
          %get3A_132 = arith.constant 0 : index
          %get3A_133 = tpu.vector_load %arg12[%get3A, %get3A_132] {strides = array<i32>} : memref<80x128xf32, #tpu.memory_space<vmem>>, vector<16xf32>,
          %mul3A_134 = arith.mulf %get3A_133, %gather3A : vector<16xf32>
          %swap3A = arith.index_cast %add3A_127 : i32 to index
          %swap3A_135 = arith.constant 0 : index
          %swap3A_136 = tpu.vector_load %arg12[%swap3A, %swap3A_135] {strides = array<i32>} : memref<80x128xf32, #tpu.memory_space<vmem>>, vector<16xf32>,
          tpu.vector_store %arg12[%swap3A, %swap3A_135], %mul3A_134 {strides = array<i32>} : memref<80x128xf32, #tpu.memory_space<vmem>>, vector<16xf32>,
          %get3A_137 = arith.index_cast %add3A_127 : i32 to index
          %get3A_138 = arith.constant 16 : index
          %get3A_139 = tpu.vector_load %arg12[%get3A_137, %get3A_138] {strides = array<i32>} : memref<80x128xf32, #tpu.memory_space<vmem>>, vector<16xf32>,
          %mul3A_140 = arith.mulf %get3A_139, %gather3A : vector<16xf32>
          %swap3A_141 = arith.index_cast %add3A_127 : i32 to index
          %swap3A_142 = arith.constant 16 : index
          %swap3A_143 = tpu.vector_load %arg12[%swap3A_141, %swap3A_142] {strides = array<i32>} : memref<80x128xf32, #tpu.memory_space<vmem>>, vector<16xf32>,
          tpu.vector_store %arg12[%swap3A_141, %swap3A_142], %mul3A_140 {strides = array<i32>} : memref<80x128xf32, #tpu.memory_space<vmem>>, vector<16xf32>,
          %get3A_144 = arith.index_cast %add3A_127 : i32 to index
          %get3A_145 = arith.constant 32 : index
          %get3A_146 = tpu.vector_load %arg12[%get3A_144, %get3A_145] {strides = array<i32>} : memref<80x128xf32, #tpu.memory_space<vmem>>, vector<16xf32>,
          %mul3A_147 = arith.mulf %get3A_146, %gather3A : vector<16xf32>
          %swap3A_148 = arith.index_cast %add3A_127 : i32 to index
          %swap3A_149 = arith.constant 32 : index
          %swap3A_150 = tpu.vector_load %arg12[%swap3A_148, %swap3A_149] {strides = array<i32>} : memref<80x128xf32, #tpu.memory_space<vmem>>, vector<16xf32>,
          tpu.vector_store %arg12[%swap3A_148, %swap3A_149], %mul3A_147 {strides = array<i32>} : memref<80x128xf32, #tpu.memory_space<vmem>>, vector<16xf32>,
          %get3A_151 = arith.index_cast %add3A_127 : i32 to index
          %get3A_152 = arith.constant 48 : index
          %get3A_153 = tpu.vector_load %arg12[%get3A_151, %get3A_152] {strides = array<i32>} : memref<80x128xf32, #tpu.memory_space<vmem>>, vector<16xf32>,
          %mul3A_154 = arith.mulf %get3A_153, %gather3A : vector<16xf32>
          %swap3A_155 = arith.index_cast %add3A_127 : i32 to index
          %swap3A_156 = arith.constant 48 : index
          %swap3A_157 = tpu.vector_load %arg12[%swap3A_155, %swap3A_156] {strides = array<i32>} : memref<80x128xf32, #tpu.memory_space<vmem>>, vector<16xf32>,
          tpu.vector_store %arg12[%swap3A_155, %swap3A_156], %mul3A_154 {strides = array<i32>} : memref<80x128xf32, #tpu.memory_space<vmem>>, vector<16xf32>,
          %get3A_158 = arith.index_cast %add3A_127 : i32 to index
          %get3A_159 = arith.constant 64 : index
          %get3A_160 = tpu.vector_load %arg12[%get3A_158, %get3A_159] {strides = array<i32>} : memref<80x128xf32, #tpu.memory_space<vmem>>, vector<16xf32>,
          %mul3A_161 = arith.mulf %get3A_160, %gather3A : vector<16xf32>
          %swap3A_162 = arith.index_cast %add3A_127 : i32 to index
          %swap3A_163 = arith.constant 64 : index
          %swap3A_164 = tpu.vector_load %arg12[%swap3A_162, %swap3A_163] {strides = array<i32>} : memref<80x128xf32, #tpu.memory_space<vmem>>, vector<16xf32>,
          tpu.vector_store %arg12[%swap3A_162, %swap3A_163], %mul3A_161 {strides = array<i32>} : memref<80x128xf32, #tpu.memory_space<vmem>>, vector<16xf32>,
          %get3A_165 = arith.index_cast %add3A_127 : i32 to index
          %get3A_166 = arith.constant 80 : index
          %get3A_167 = tpu.vector_load %arg12[%get3A_165, %get3A_166] {strides = array<i32>} : memref<80x128xf32, #tpu.memory_space<vmem>>, vector<16xf32>,
          %mul3A_168 = arith.mulf %get3A_167, %gather3A : vector<16xf32>
          %swap3A_169 = arith.index_cast %add3A_127 : i32 to index
          %swap3A_170 = arith.constant 80 : index
          %swap3A_171 = tpu.vector_load %arg12[%swap3A_169, %swap3A_170] {strides = array<i32>} : memref<80x128xf32, #tpu.memory_space<vmem>>, vector<16xf32>,
          tpu.vector_store %arg12[%swap3A_169, %swap3A_170], %mul3A_168 {strides = array<i32>} : memref<80x128xf32, #tpu.memory_space<vmem>>, vector<16xf32>,
          %get3A_172 = arith.index_cast %add3A_127 : i32 to index
          %get3A_173 = arith.constant 96 : index
          %get3A_174 = tpu.vector_load %arg12[%get3A_172, %get3A_173] {strides = array<i32>} : memref<80x128xf32, #tpu.memory_space<vmem>>, vector<16xf32>,
          %mul3A_175 = arith.mulf %get3A_174, %gather3A : vector<16xf32>
          %swap3A_176 = arith.index_cast %add3A_127 : i32 to index
          %swap3A_177 = arith.constant 96 : index
          %swap3A_178 = tpu.vector_load %arg12[%swap3A_176, %swap3A_177] {strides = array<i32>} : memref<80x128xf32, #tpu.memory_space<vmem>>, vector<16xf32>,
          tpu.vector_store %arg12[%swap3A_176, %swap3A_177], %mul3A_175 {strides = array<i32>} : memref<80x128xf32, #tpu.memory_space<vmem>>, vector<16xf32>,
          %get3A_179 = arith.index_cast %add3A_127 : i32 to index
          %get3A_180 = arith.constant 112 : index
          %get3A_181 = tpu.vector_load %arg12[%get3A_179, %get3A_180] {strides = array<i32>} : memref<80x128xf32, #tpu.memory_space<vmem>>, vector<16xf32>,
          %mul3A_182 = arith.mulf %get3A_181, %gather3A : vector<16xf32>
          %swap3A_183 = arith.index_cast %add3A_127 : i32 to index
          %swap3A_184 = arith.constant 112 : index
          %swap3A_185 = tpu.vector_load %arg12[%swap3A_183, %swap3A_184] {strides = array<i32>} : memref<80x128xf32, #tpu.memory_space<vmem>>, vector<16xf32>,
          tpu.vector_store %arg12[%swap3A_183, %swap3A_184], %mul3A_182 {strides = array<i32>} : memref<80x128xf32, #tpu.memory_space<vmem>>, vector<16xf32>,
          %scan3A_186 = arith.constant 1 : i32
          %scan3A_187 = arith.addi %scan3A_123, %scan3A_186 : i32
          %mul3A_188 = arith.constant 1 : i32
          %mul3A_189 = arith.muli %scan3A_187, %mul3A_188 : i32
          %add3A_190 = arith.constant 0 : i32
          %add3A_191 = arith.addi %add3A_190, %mul3A_189 : i32
          %broadcast_in_dim3A_192 = arith.constant 0 : i32
          %broadcast_in_dim3A_193 = vector.broadcast %broadcast_in_dim3A_192 : i32 to vector<16xi32>
          %add3A_194 = vector.broadcast %add3A_191 : i32 to vector<16xi32>
          %add3A_195 = arith.addi %broadcast_in_dim3A_193, %add3A_194 : vector<16xi32>
          %gather3A_196 = tpu.vector_load_idx %arg10[%add3A_81, %add3A_195] : memref<50x80xf32, #tpu.memory_space<vmem>>[vector<16xi32>, vector<16xi32>], vector<16xf32>,
          %get3A_197 = arith.index_cast %add3A_191 : i32 to index
          %get3A_198 = arith.constant 0 : index
          %get3A_199 = tpu.vector_load %arg12[%get3A_197, %get3A_198] {strides = array<i32>} : memref<80x128xf32, #tpu.memory_space<vmem>>, vector<16xf32>,
          %mul3A_200 = arith.mulf %get3A_199, %gather3A_196 : vector<16xf32>
          %swap3A_201 = arith.index_cast %add3A_191 : i32 to index
          %swap3A_202 = arith.constant 0 : index
          %swap3A_203 = tpu.vector_load %arg12[%swap3A_201, %swap3A_202] {strides = array<i32>} : memref<80x128xf32, #tpu.memory_space<vmem>>, vector<16xf32>,
          tpu.vector_store %arg12[%swap3A_201, %swap3A_202], %mul3A_200 {strides = array<i32>} : memref<80x128xf32, #tpu.memory_space<vmem>>, vector<16xf32>,
          %get3A_204 = arith.index_cast %add3A_191 : i32 to index
          %get3A_205 = arith.constant 16 : index
          %get3A_206 = tpu.vector_load %arg12[%get3A_204, %get3A_205] {strides = array<i32>} : memref<80x128xf32, #tpu.memory_space<vmem>>, vector<16xf32>,
          %mul3A_207 = arith.mulf %get3A_206, %gather3A_196 : vector<16xf32>
          %swap3A_208 = arith.index_cast %add3A_191 : i32 to index
          %swap3A_209 = arith.constant 16 : index
          %swap3A_210 = tpu.vector_load %arg12[%swap3A_208, %swap3A_209] {strides = array<i32>} : memref<80x128xf32, #tpu.memory_space<vmem>>, vector<16xf32>,
          tpu.vector_store %arg12[%swap3A_208, %swap3A_209], %mul3A_207 {strides = array<i32>} : memref<80x128xf32, #tpu.memory_space<vmem>>, vector<16xf32>,
          %get3A_211 = arith.index_cast %add3A_191 : i32 to index
          %get3A_212 = arith.constant 32 : index
          %get3A_213 = tpu.vector_load %arg12[%get3A_211, %get3A_212] {strides = array<i32>} : memref<80x128xf32, #tpu.memory_space<vmem>>, vector<16xf32>,
          %mul3A_214 = arith.mulf %get3A_213, %gather3A_196 : vector<16xf32>
          %swap3A_215 = arith.index_cast %add3A_191 : i32 to index
          %swap3A_216 = arith.constant 32 : index
          %swap3A_217 = tpu.vector_load %arg12[%swap3A_215, %swap3A_216] {strides = array<i32>} : memref<80x128xf32, #tpu.memory_space<vmem>>, vector<16xf32>,
          tpu.vector_store %arg12[%swap3A_215, %swap3A_216], %mul3A_214 {strides = array<i32>} : memref<80x128xf32, #tpu.memory_space<vmem>>, vector<16xf32>,
          %get3A_218 = arith.index_cast %add3A_191 : i32 to index
          %get3A_219 = arith.constant 48 : index
          %get3A_220 = tpu.vector_load %arg12[%get3A_218, %get3A_219] {strides = array<i32>} : memref<80x128xf32, #tpu.memory_space<vmem>>, vector<16xf32>,
          %mul3A_221 = arith.mulf %get3A_220, %gather3A_196 : vector<16xf32>
          %swap3A_222 = arith.index_cast %add3A_191 : i32 to index
          %swap3A_223 = arith.constant 48 : index
          %swap3A_224 = tpu.vector_load %arg12[%swap3A_222, %swap3A_223] {strides = array<i32>} : memref<80x128xf32, #tpu.memory_space<vmem>>, vector<16xf32>,
          tpu.vector_store %arg12[%swap3A_222, %swap3A_223], %mul3A_221 {strides = array<i32>} : memref<80x128xf32, #tpu.memory_space<vmem>>, vector<16xf32>,
          %get3A_225 = arith.index_cast %add3A_191 : i32 to index
          %get3A_226 = arith.constant 64 : index
          %get3A_227 = tpu.vector_load %arg12[%get3A_225, %get3A_226] {strides = array<i32>} : memref<80x128xf32, #tpu.memory_space<vmem>>, vector<16xf32>,
          %mul3A_228 = arith.mulf %get3A_227, %gather3A_196 : vector<16xf32>
          %swap3A_229 = arith.index_cast %add3A_191 : i32 to index
          %swap3A_230 = arith.constant 64 : index
          %swap3A_231 = tpu.vector_load %arg12[%swap3A_229, %swap3A_230] {strides = array<i32>} : memref<80x128xf32, #tpu.memory_space<vmem>>, vector<16xf32>,
          tpu.vector_store %arg12[%swap3A_229, %swap3A_230], %mul3A_228 {strides = array<i32>} : memref<80x128xf32, #tpu.memory_space<vmem>>, vector<16xf32>,
          %get3A_232 = arith.index_cast %add3A_191 : i32 to index
          %get3A_233 = arith.constant 80 : index
          %get3A_234 = tpu.vector_load %arg12[%get3A_232, %get3A_233] {strides = array<i32>} : memref<80x128xf32, #tpu.memory_space<vmem>>, vector<16xf32>,
          %mul3A_235 = arith.mulf %get3A_234, %gather3A_196 : vector<16xf32>
          %swap3A_236 = arith.index_cast %add3A_191 : i32 to index
          %swap3A_237 = arith.constant 80 : index
          %swap3A_238 = tpu.vector_load %arg12[%swap3A_236, %swap3A_237] {strides = array<i32>} : memref<80x128xf32, #tpu.memory_space<vmem>>, vector<16xf32>,
          tpu.vector_store %arg12[%swap3A_236, %swap3A_237], %mul3A_235 {strides = array<i32>} : memref<80x128xf32, #tpu.memory_space<vmem>>, vector<16xf32>,
          %get3A_239 = arith.index_cast %add3A_191 : i32 to index
          %get3A_240 = arith.constant 96 : index
          %get3A_241 = tpu.vector_load %arg12[%get3A_239, %get3A_240] {strides = array<i32>} : memref<80x128xf32, #tpu.memory_space<vmem>>, vector<16xf32>,
          %mul3A_242 = arith.mulf %get3A_241, %gather3A_196 : vector<16xf32>
          %swap3A_243 = arith.index_cast %add3A_191 : i32 to index
          %swap3A_244 = arith.constant 96 : index
          %swap3A_245 = tpu.vector_load %arg12[%swap3A_243, %swap3A_244] {strides = array<i32>} : memref<80x128xf32, #tpu.memory_space<vmem>>, vector<16xf32>,
          tpu.vector_store %arg12[%swap3A_243, %swap3A_244], %mul3A_242 {strides = array<i32>} : memref<80x128xf32, #tpu.memory_space<vmem>>, vector<16xf32>,
          %get3A_246 = arith.index_cast %add3A_191 : i32 to index
          %get3A_247 = arith.constant 112 : index
          %get3A_248 = tpu.vector_load %arg12[%get3A_246, %get3A_247] {strides = array<i32>} : memref<80x128xf32, #tpu.memory_space<vmem>>, vector<16xf32>,
          %mul3A_249 = arith.mulf %get3A_248, %gather3A_196 : vector<16xf32>
          %swap3A_250 = arith.index_cast %add3A_191 : i32 to index
          %swap3A_251 = arith.constant 112 : index
          %swap3A_252 = tpu.vector_load %arg12[%swap3A_250, %swap3A_251] {strides = array<i32>} : memref<80x128xf32, #tpu.memory_space<vmem>>, vector<16xf32>,
          tpu.vector_store %arg12[%swap3A_250, %swap3A_251], %mul3A_249 {strides = array<i32>} : memref<80x128xf32, #tpu.memory_space<vmem>>, vector<16xf32>,
          %scan3A_253 = arith.constant 2 : i32
          %scan3A_254 = arith.addi %scan3A_123, %scan3A_253 : i32
          %mul3A_255 = arith.constant 1 : i32
          %mul3A_256 = arith.muli %scan3A_254, %mul3A_255 : i32
          %add3A_257 = arith.constant 0 : i32
          %add3A_258 = arith.addi %add3A_257, %mul3A_256 : i32
          %broadcast_in_dim3A_259 = arith.constant 0 : i32
          %broadcast_in_dim3A_260 = vector.broadcast %broadcast_in_dim3A_259 : i32 to vector<16xi32>
          %add3A_261 = vector.broadcast %add3A_258 : i32 to vector<16xi32>
          %add3A_262 = arith.addi %broadcast_in_dim3A_260, %add3A_261 : vector<16xi32>
          %gather3A_263 = tpu.vector_load_idx %arg10[%add3A_81, %add3A_262] : memref<50x80xf32, #tpu.memory_space<vmem>>[vector<16xi32>, vector<16xi32>], vector<16xf32>,
          %get3A_264 = arith.index_cast %add3A_258 : i32 to index
          %get3A_265 = arith.constant 0 : index
          %get3A_266 = tpu.vector_load %arg12[%get3A_264, %get3A_265] {strides = array<i32>} : memref<80x128xf32, #tpu.memory_space<vmem>>, vector<16xf32>,
          %mul3A_267 = arith.mulf %get3A_266, %gather3A_263 : vector<16xf32>
          %swap3A_268 = arith.index_cast %add3A_258 : i32 to index
          %swap3A_269 = arith.constant 0 : index
          %swap3A_270 = tpu.vector_load %arg12[%swap3A_268, %swap3A_269] {strides = array<i32>} : memref<80x128xf32, #tpu.memory_space<vmem>>, vector<16xf32>,
          tpu.vector_store %arg12[%swap3A_268, %swap3A_269], %mul3A_267 {strides = array<i32>} : memref<80x128xf32, #tpu.memory_space<vmem>>, vector<16xf32>,
          %get3A_271 = arith.index_cast %add3A_258 : i32 to index
          %get3A_272 = arith.constant 16 : index
          %get3A_273 = tpu.vector_load %arg12[%get3A_271, %get3A_272] {strides = array<i32>} : memref<80x128xf32, #tpu.memory_space<vmem>>, vector<16xf32>,
          %mul3A_274 = arith.mulf %get3A_273, %gather3A_263 : vector<16xf32>
          %swap3A_275 = arith.index_cast %add3A_258 : i32 to index
          %swap3A_276 = arith.constant 16 : index
          %swap3A_277 = tpu.vector_load %arg12[%swap3A_275, %swap3A_276] {strides = array<i32>} : memref<80x128xf32, #tpu.memory_space<vmem>>, vector<16xf32>,
          tpu.vector_store %arg12[%swap3A_275, %swap3A_276], %mul3A_274 {strides = array<i32>} : memref<80x128xf32, #tpu.memory_space<vmem>>, vector<16xf32>,
          %get3A_278 = arith.index_cast %add3A_258 : i32 to index
          %get3A_279 = arith.constant 32 : index
          %get3A_280 = tpu.vector_load %arg12[%get3A_278, %get3A_279] {strides = array<i32>} : memref<80x128xf32, #tpu.memory_space<vmem>>, vector<16xf32>,
          %mul3A_281 = arith.mulf %get3A_280, %gather3A_263 : vector<16xf32>
          %swap3A_282 = arith.index_cast %add3A_258 : i32 to index
          %swap3A_283 = arith.constant 32 : index
          %swap3A_284 = tpu.vector_load %arg12[%swap3A_282, %swap3A_283] {strides = array<i32>} : memref<80x128xf32, #tpu.memory_space<vmem>>, vector<16xf32>,
          tpu.vector_store %arg12[%swap3A_282, %swap3A_283], %mul3A_281 {strides = array<i32>} : memref<80x128xf32, #tpu.memory_space<vmem>>, vector<16xf32>,
          %get3A_285 = arith.index_cast %add3A_258 : i32 to index
          %get3A_286 = arith.constant 48 : index
          %get3A_287 = tpu.vector_load %arg12[%get3A_285, %get3A_286] {strides = array<i32>} : memref<80x128xf32, #tpu.memory_space<vmem>>, vector<16xf32>,
          %mul3A_288 = arith.mulf %get3A_287, %gather3A_263 : vector<16xf32>
          %swap3A_289 = arith.index_cast %add3A_258 : i32 to index
          %swap3A_290 = arith.constant 48 : index
          %swap3A_291 = tpu.vector_load %arg12[%swap3A_289, %swap3A_290] {strides = array<i32>} : memref<80x128xf32, #tpu.memory_space<vmem>>, vector<16xf32>,
          tpu.vector_store %arg12[%swap3A_289, %swap3A_290], %mul3A_288 {strides = array<i32>} : memref<80x128xf32, #tpu.memory_space<vmem>>, vector<16xf32>,
          %get3A_292 = arith.index_cast %add3A_258 : i32 to index
          %get3A_293 = arith.constant 64 : index
          %get3A_294 = tpu.vector_load %arg12[%get3A_292, %get3A_293] {strides = array<i32>} : memref<80x128xf32, #tpu.memory_space<vmem>>, vector<16xf32>,
          %mul3A_295 = arith.mulf %get3A_294, %gather3A_263 : vector<16xf32>
          %swap3A_296 = arith.index_cast %add3A_258 : i32 to index
          %swap3A_297 = arith.constant 64 : index
          %swap3A_298 = tpu.vector_load %arg12[%swap3A_296, %swap3A_297] {strides = array<i32>} : memref<80x128xf32, #tpu.memory_space<vmem>>, vector<16xf32>,
          tpu.vector_store %arg12[%swap3A_296, %swap3A_297], %mul3A_295 {strides = array<i32>} : memref<80x128xf32, #tpu.memory_space<vmem>>, vector<16xf32>,
          %get3A_299 = arith.index_cast %add3A_258 : i32 to index
          %get3A_300 = arith.constant 80 : index
          %get3A_301 = tpu.vector_load %arg12[%get3A_299, %get3A_300] {strides = array<i32>} : memref<80x128xf32, #tpu.memory_space<vmem>>, vector<16xf32>,
          %mul3A_302 = arith.mulf %get3A_301, %gather3A_263 : vector<16xf32>
          %swap3A_303 = arith.index_cast %add3A_258 : i32 to index
          %swap3A_304 = arith.constant 80 : index
          %swap3A_305 = tpu.vector_load %arg12[%swap3A_303, %swap3A_304] {strides = array<i32>} : memref<80x128xf32, #tpu.memory_space<vmem>>, vector<16xf32>,
          tpu.vector_store %arg12[%swap3A_303, %swap3A_304], %mul3A_302 {strides = array<i32>} : memref<80x128xf32, #tpu.memory_space<vmem>>, vector<16xf32>,
          %get3A_306 = arith.index_cast %add3A_258 : i32 to index
          %get3A_307 = arith.constant 96 : index
          %get3A_308 = tpu.vector_load %arg12[%get3A_306, %get3A_307] {strides = array<i32>} : memref<80x128xf32, #tpu.memory_space<vmem>>, vector<16xf32>,
          %mul3A_309 = arith.mulf %get3A_308, %gather3A_263 : vector<16xf32>
          %swap3A_310 = arith.index_cast %add3A_258 : i32 to index
          %swap3A_311 = arith.constant 96 : index
          %swap3A_312 = tpu.vector_load %arg12[%swap3A_310, %swap3A_311] {strides = array<i32>} : memref<80x128xf32, #tpu.memory_space<vmem>>, vector<16xf32>,
          tpu.vector_store %arg12[%swap3A_310, %swap3A_311], %mul3A_309 {strides = array<i32>} : memref<80x128xf32, #tpu.memory_space<vmem>>, vector<16xf32>,
          %get3A_313 = arith.index_cast %add3A_258 : i32 to index
          %get3A_314 = arith.constant 112 : index
          %get3A_315 = tpu.vector_load %arg12[%get3A_313, %get3A_314] {strides = array<i32>} : memref<80x128xf32, #tpu.memory_space<vmem>>, vector<16xf32>,
          %mul3A_316 = arith.mulf %get3A_315, %gather3A_263 : vector<16xf32>
          %swap3A_317 = arith.index_cast %add3A_258 : i32 to index
          %swap3A_318 = arith.constant 112 : index
          %swap3A_319 = tpu.vector_load %arg12[%swap3A_317, %swap3A_318] {strides = array<i32>} : memref<80x128xf32, #tpu.memory_space<vmem>>, vector<16xf32>,
          tpu.vector_store %arg12[%swap3A_317, %swap3A_318], %mul3A_316 {strides = array<i32>} : memref<80x128xf32, #tpu.memory_space<vmem>>, vector<16xf32>,
          %scan3A_320 = arith.constant 3 : i32
          %scan3A_321 = arith.addi %scan3A_123, %scan3A_320 : i32
          %mul3A_322 = arith.constant 1 : i32
          %mul3A_323 = arith.muli %scan3A_321, %mul3A_322 : i32
          %add3A_324 = arith.constant 0 : i32
          %add3A_325 = arith.addi %add3A_324, %mul3A_323 : i32
          %broadcast_in_dim3A_326 = arith.constant 0 : i32
          %broadcast_in_dim3A_327 = vector.broadcast %broadcast_in_dim3A_326 : i32 to vector<16xi32>
          %add3A_328 = vector.broadcast %add3A_325 : i32 to vector<16xi32>
          %add3A_329 = arith.addi %broadcast_in_dim3A_327, %add3A_328 : vector<16xi32>
          %gather3A_330 = tpu.vector_load_idx %arg10[%add3A_81, %add3A_329] : memref<50x80xf32, #tpu.memory_space<vmem>>[vector<16xi32>, vector<16xi32>], vector<16xf32>,
          %get3A_331 = arith.index_cast %add3A_325 : i32 to index
          %get3A_332 = arith.constant 0 : index
          %get3A_333 = tpu.vector_load %arg12[%get3A_331, %get3A_332] {strides = array<i32>} : memref<80x128xf32, #tpu.memory_space<vmem>>, vector<16xf32>,
          %mul3A_334 = arith.mulf %get3A_333, %gather3A_330 : vector<16xf32>
          %swap3A_335 = arith.index_cast %add3A_325 : i32 to index
          %swap3A_336 = arith.constant 0 : index
          %swap3A_337 = tpu.vector_load %arg12[%swap3A_335, %swap3A_336] {strides = array<i32>} : memref<80x128xf32, #tpu.memory_space<vmem>>, vector<16xf32>,
          tpu.vector_store %arg12[%swap3A_335, %swap3A_336], %mul3A_334 {strides = array<i32>} : memref<80x128xf32, #tpu.memory_space<vmem>>, vector<16xf32>,
          %get3A_338 = arith.index_cast %add3A_325 : i32 to index
          %get3A_339 = arith.constant 16 : index
          %get3A_340 = tpu.vector_load %arg12[%get3A_338, %get3A_339] {strides = array<i32>} : memref<80x128xf32, #tpu.memory_space<vmem>>, vector<16xf32>,
          %mul3A_341 = arith.mulf %get3A_340, %gather3A_330 : vector<16xf32>
          %swap3A_342 = arith.index_cast %add3A_325 : i32 to index
          %swap3A_343 = arith.constant 16 : index
          %swap3A_344 = tpu.vector_load %arg12[%swap3A_342, %swap3A_343] {strides = array<i32>} : memref<80x128xf32, #tpu.memory_space<vmem>>, vector<16xf32>,
          tpu.vector_store %arg12[%swap3A_342, %swap3A_343], %mul3A_341 {strides = array<i32>} : memref<80x128xf32, #tpu.memory_space<vmem>>, vector<16xf32>,
          %get3A_345 = arith.index_cast %add3A_325 : i32 to index
          %get3A_346 = arith.constant 32 : index
          %get3A_347 = tpu.vector_load %arg12[%get3A_345, %get3A_346] {strides = array<i32>} : memref<80x128xf32, #tpu.memory_space<vmem>>, vector<16xf32>,
          %mul3A_348 = arith.mulf %get3A_347, %gather3A_330 : vector<16xf32>
          %swap3A_349 = arith.index_cast %add3A_325 : i32 to index
          %swap3A_350 = arith.constant 32 : index
          %swap3A_351 = tpu.vector_load %arg12[%swap3A_349, %swap3A_350] {strides = array<i32>} : memref<80x128xf32, #tpu.memory_space<vmem>>, vector<16xf32>,
          tpu.vector_store %arg12[%swap3A_349, %swap3A_350], %mul3A_348 {strides = array<i32>} : memref<80x128xf32, #tpu.memory_space<vmem>>, vector<16xf32>,
          %get3A_352 = arith.index_cast %add3A_325 : i32 to index
          %get3A_353 = arith.constant 48 : index
          %get3A_354 = tpu.vector_load %arg12[%get3A_352, %get3A_353] {strides = array<i32>} : memref<80x128xf32, #tpu.memory_space<vmem>>, vector<16xf32>,
          %mul3A_355 = arith.mulf %get3A_354, %gather3A_330 : vector<16xf32>
          %swap3A_356 = arith.index_cast %add3A_325 : i32 to index
          %swap3A_357 = arith.constant 48 : index
          %swap3A_358 = tpu.vector_load %arg12[%swap3A_356, %swap3A_357] {strides = array<i32>} : memref<80x128xf32, #tpu.memory_space<vmem>>, vector<16xf32>,
          tpu.vector_store %arg12[%swap3A_356, %swap3A_357], %mul3A_355 {strides = array<i32>} : memref<80x128xf32, #tpu.memory_space<vmem>>, vector<16xf32>,
          %get3A_359 = arith.index_cast %add3A_325 : i32 to index
          %get3A_360 = arith.constant 64 : index
          %get3A_361 = tpu.vector_load %arg12[%get3A_359, %get3A_360] {strides = array<i32>} : memref<80x128xf32, #tpu.memory_space<vmem>>, vector<16xf32>,
          %mul3A_362 = arith.mulf %get3A_361, %gather3A_330 : vector<16xf32>
          %swap3A_363 = arith.index_cast %add3A_325 : i32 to index
          %swap3A_364 = arith.constant 64 : index
          %swap3A_365 = tpu.vector_load %arg12[%swap3A_363, %swap3A_364] {strides = array<i32>} : memref<80x128xf32, #tpu.memory_space<vmem>>, vector<16xf32>,
          tpu.vector_store %arg12[%swap3A_363, %swap3A_364], %mul3A_362 {strides = array<i32>} : memref<80x128xf32, #tpu.memory_space<vmem>>, vector<16xf32>,
          %get3A_366 = arith.index_cast %add3A_325 : i32 to index
          %get3A_367 = arith.constant 80 : index
          %get3A_368 = tpu.vector_load %arg12[%get3A_366, %get3A_367] {strides = array<i32>} : memref<80x128xf32, #tpu.memory_space<vmem>>, vector<16xf32>,
          %mul3A_369 = arith.mulf %get3A_368, %gather3A_330 : vector<16xf32>
          %swap3A_370 = arith.index_cast %add3A_325 : i32 to index
          %swap3A_371 = arith.constant 80 : index
          %swap3A_372 = tpu.vector_load %arg12[%swap3A_370, %swap3A_371] {strides = array<i32>} : memref<80x128xf32, #tpu.memory_space<vmem>>, vector<16xf32>,
          tpu.vector_store %arg12[%swap3A_370, %swap3A_371], %mul3A_369 {strides = array<i32>} : memref<80x128xf32, #tpu.memory_space<vmem>>, vector<16xf32>,
          %get3A_373 = arith.index_cast %add3A_325 : i32 to index
          %get3A_374 = arith.constant 96 : index
          %get3A_375 = tpu.vector_load %arg12[%get3A_373, %get3A_374] {strides = array<i32>} : memref<80x128xf32, #tpu.memory_space<vmem>>, vector<16xf32>,
          %mul3A_376 = arith.mulf %get3A_375, %gather3A_330 : vector<16xf32>
          %swap3A_377 = arith.index_cast %add3A_325 : i32 to index
          %swap3A_378 = arith.constant 96 : index
          %swap3A_379 = tpu.vector_load %arg12[%swap3A_377, %swap3A_378] {strides = array<i32>} : memref<80x128xf32, #tpu.memory_space<vmem>>, vector<16xf32>,
          tpu.vector_store %arg12[%swap3A_377, %swap3A_378], %mul3A_376 {strides = array<i32>} : memref<80x128xf32, #tpu.memory_space<vmem>>, vector<16xf32>,
          %get3A_380 = arith.index_cast %add3A_325 : i32 to index
          %get3A_381 = arith.constant 112 : index
          %get3A_382 = tpu.vector_load %arg12[%get3A_380, %get3A_381] {strides = array<i32>} : memref<80x128xf32, #tpu.memory_space<vmem>>, vector<16xf32>,
          %mul3A_383 = arith.mulf %get3A_382, %gather3A_330 : vector<16xf32>
          %swap3A_384 = arith.index_cast %add3A_325 : i32 to index
          %swap3A_385 = arith.constant 112 : index
          %swap3A_386 = tpu.vector_load %arg12[%swap3A_384, %swap3A_385] {strides = array<i32>} : memref<80x128xf32, #tpu.memory_space<vmem>>, vector<16xf32>,
          tpu.vector_store %arg12[%swap3A_384, %swap3A_385], %mul3A_383 {strides = array<i32>} : memref<80x128xf32, #tpu.memory_space<vmem>>, vector<16xf32>,
          %scan3A_387 = arith.constant 4 : i32
          %scan3A_388 = arith.addi %scan3A_123, %scan3A_387 : i32
          %mul3A_389 = arith.constant 1 : i32
          %mul3A_390 = arith.muli %scan3A_388, %mul3A_389 : i32
          %add3A_391 = arith.constant 0 : i32
          %add3A_392 = arith.addi %add3A_391, %mul3A_390 : i32
          %broadcast_in_dim3A_393 = arith.constant 0 : i32
          %broadcast_in_dim3A_394 = vector.broadcast %broadcast_in_dim3A_393 : i32 to vector<16xi32>
          %add3A_395 = vector.broadcast %add3A_392 : i32 to vector<16xi32>
          %add3A_396 = arith.addi %broadcast_in_dim3A_394, %add3A_395 : vector<16xi32>
          %gather3A_397 = tpu.vector_load_idx %arg10[%add3A_81, %add3A_396] : memref<50x80xf32, #tpu.memory_space<vmem>>[vector<16xi32>, vector<16xi32>], vector<16xf32>,
          %get3A_398 = arith.index_cast %add3A_392 : i32 to index
          %get3A_399 = arith.constant 0 : index
          %get3A_400 = tpu.vector_load %arg12[%get3A_398, %get3A_399] {strides = array<i32>} : memref<80x128xf32, #tpu.memory_space<vmem>>, vector<16xf32>,
          %mul3A_401 = arith.mulf %get3A_400, %gather3A_397 : vector<16xf32>
          %swap3A_402 = arith.index_cast %add3A_392 : i32 to index
          %swap3A_403 = arith.constant 0 : index
          %swap3A_404 = tpu.vector_load %arg12[%swap3A_402, %swap3A_403] {strides = array<i32>} : memref<80x128xf32, #tpu.memory_space<vmem>>, vector<16xf32>,
          tpu.vector_store %arg12[%swap3A_402, %swap3A_403], %mul3A_401 {strides = array<i32>} : memref<80x128xf32, #tpu.memory_space<vmem>>, vector<16xf32>,
          %get3A_405 = arith.index_cast %add3A_392 : i32 to index
          %get3A_406 = arith.constant 16 : index
          %get3A_407 = tpu.vector_load %arg12[%get3A_405, %get3A_406] {strides = array<i32>} : memref<80x128xf32, #tpu.memory_space<vmem>>, vector<16xf32>,
          %mul3A_408 = arith.mulf %get3A_407, %gather3A_397 : vector<16xf32>
          %swap3A_409 = arith.index_cast %add3A_392 : i32 to index
          %swap3A_410 = arith.constant 16 : index
          %swap3A_411 = tpu.vector_load %arg12[%swap3A_409, %swap3A_410] {strides = array<i32>} : memref<80x128xf32, #tpu.memory_space<vmem>>, vector<16xf32>,
          tpu.vector_store %arg12[%swap3A_409, %swap3A_410], %mul3A_408 {strides = array<i32>} : memref<80x128xf32, #tpu.memory_space<vmem>>, vector<16xf32>,
          %get3A_412 = arith.index_cast %add3A_392 : i32 to index
          %get3A_413 = arith.constant 32 : index
          %get3A_414 = tpu.vector_load %arg12[%get3A_412, %get3A_413] {strides = array<i32>} : memref<80x128xf32, #tpu.memory_space<vmem>>, vector<16xf32>,
          %mul3A_415 = arith.mulf %get3A_414, %gather3A_397 : vector<16xf32>
          %swap3A_416 = arith.index_cast %add3A_392 : i32 to index
          %swap3A_417 = arith.constant 32 : index
          %swap3A_418 = tpu.vector_load %arg12[%swap3A_416, %swap3A_417] {strides = array<i32>} : memref<80x128xf32, #tpu.memory_space<vmem>>, vector<16xf32>,
          tpu.vector_store %arg12[%swap3A_416, %swap3A_417], %mul3A_415 {strides = array<i32>} : memref<80x128xf32, #tpu.memory_space<vmem>>, vector<16xf32>,
          %get3A_419 = arith.index_cast %add3A_392 : i32 to index
          %get3A_420 = arith.constant 48 : index
          %get3A_421 = tpu.vector_load %arg12[%get3A_419, %get3A_420] {strides = array<i32>} : memref<80x128xf32, #tpu.memory_space<vmem>>, vector<16xf32>,
          %mul3A_422 = arith.mulf %get3A_421, %gather3A_397 : vector<16xf32>
          %swap3A_423 = arith.index_cast %add3A_392 : i32 to index
          %swap3A_424 = arith.constant 48 : index
          %swap3A_425 = tpu.vector_load %arg12[%swap3A_423, %swap3A_424] {strides = array<i32>} : memref<80x128xf32, #tpu.memory_space<vmem>>, vector<16xf32>,
          tpu.vector_store %arg12[%swap3A_423, %swap3A_424], %mul3A_422 {strides = array<i32>} : memref<80x128xf32, #tpu.memory_space<vmem>>, vector<16xf32>,
          %get3A_426 = arith.index_cast %add3A_392 : i32 to index
          %get3A_427 = arith.constant 64 : index
          %get3A_428 = tpu.vector_load %arg12[%get3A_426, %get3A_427] {strides = array<i32>} : memref<80x128xf32, #tpu.memory_space<vmem>>, vector<16xf32>,
          %mul3A_429 = arith.mulf %get3A_428, %gather3A_397 : vector<16xf32>
          %swap3A_430 = arith.index_cast %add3A_392 : i32 to index
          %swap3A_431 = arith.constant 64 : index
          %swap3A_432 = tpu.vector_load %arg12[%swap3A_430, %swap3A_431] {strides = array<i32>} : memref<80x128xf32, #tpu.memory_space<vmem>>, vector<16xf32>,
          tpu.vector_store %arg12[%swap3A_430, %swap3A_431], %mul3A_429 {strides = array<i32>} : memref<80x128xf32, #tpu.memory_space<vmem>>, vector<16xf32>,
          %get3A_433 = arith.index_cast %add3A_392 : i32 to index
          %get3A_434 = arith.constant 80 : index
          %get3A_435 = tpu.vector_load %arg12[%get3A_433, %get3A_434] {strides = array<i32>} : memref<80x128xf32, #tpu.memory_space<vmem>>, vector<16xf32>,
          %mul3A_436 = arith.mulf %get3A_435, %gather3A_397 : vector<16xf32>
          %swap3A_437 = arith.index_cast %add3A_392 : i32 to index
          %swap3A_438 = arith.constant 80 : index
          %swap3A_439 = tpu.vector_load %arg12[%swap3A_437, %swap3A_438] {strides = array<i32>} : memref<80x128xf32, #tpu.memory_space<vmem>>, vector<16xf32>,
          tpu.vector_store %arg12[%swap3A_437, %swap3A_438], %mul3A_436 {strides = array<i32>} : memref<80x128xf32, #tpu.memory_space<vmem>>, vector<16xf32>,
          %get3A_440 = arith.index_cast %add3A_392 : i32 to index
          %get3A_441 = arith.constant 96 : index
          %get3A_442 = tpu.vector_load %arg12[%get3A_440, %get3A_441] {strides = array<i32>} : memref<80x128xf32, #tpu.memory_space<vmem>>, vector<16xf32>,
          %mul3A_443 = arith.mulf %get3A_442, %gather3A_397 : vector<16xf32>
          %swap3A_444 = arith.index_cast %add3A_392 : i32 to index
          %swap3A_445 = arith.constant 96 : index
          %swap3A_446 = tpu.vector_load %arg12[%swap3A_444, %swap3A_445] {strides = array<i32>} : memref<80x128xf32, #tpu.memory_space<vmem>>, vector<16xf32>,
          tpu.vector_store %arg12[%swap3A_444, %swap3A_445], %mul3A_443 {strides = array<i32>} : memref<80x128xf32, #tpu.memory_space<vmem>>, vector<16xf32>,
          %get3A_447 = arith.index_cast %add3A_392 : i32 to index
          %get3A_448 = arith.constant 112 : index
          %get3A_449 = tpu.vector_load %arg12[%get3A_447, %get3A_448] {strides = array<i32>} : memref<80x128xf32, #tpu.memory_space<vmem>>, vector<16xf32>,
          %mul3A_450 = arith.mulf %get3A_449, %gather3A_397 : vector<16xf32>
          %swap3A_451 = arith.index_cast %add3A_392 : i32 to index
          %swap3A_452 = arith.constant 112 : index
          %swap3A_453 = tpu.vector_load %arg12[%swap3A_451, %swap3A_452] {strides = array<i32>} : memref<80x128xf32, #tpu.memory_space<vmem>>, vector<16xf32>,
          tpu.vector_store %arg12[%swap3A_451, %swap3A_452], %mul3A_450 {strides = array<i32>} : memref<80x128xf32, #tpu.memory_space<vmem>>, vector<16xf32>,
          %scan3A_454 = arith.constant 5 : i32
          %scan3A_455 = arith.addi %scan3A_123, %scan3A_454 : i32
          %mul3A_456 = arith.constant 1 : i32
          %mul3A_457 = arith.muli %scan3A_455, %mul3A_456 : i32
          %add3A_458 = arith.constant 0 : i32
          %add3A_459 = arith.addi %add3A_458, %mul3A_457 : i32
          %broadcast_in_dim3A_460 = arith.constant 0 : i32
          %broadcast_in_dim3A_461 = vector.broadcast %broadcast_in_dim3A_460 : i32 to vector<16xi32>
          %add3A_462 = vector.broadcast %add3A_459 : i32 to vector<16xi32>
          %add3A_463 = arith.addi %broadcast_in_dim3A_461, %add3A_462 : vector<16xi32>
          %gather3A_464 = tpu.vector_load_idx %arg10[%add3A_81, %add3A_463] : memref<50x80xf32, #tpu.memory_space<vmem>>[vector<16xi32>, vector<16xi32>], vector<16xf32>,
          %get3A_465 = arith.index_cast %add3A_459 : i32 to index
          %get3A_466 = arith.constant 0 : index
          %get3A_467 = tpu.vector_load %arg12[%get3A_465, %get3A_466] {strides = array<i32>} : memref<80x128xf32, #tpu.memory_space<vmem>>, vector<16xf32>,
          %mul3A_468 = arith.mulf %get3A_467, %gather3A_464 : vector<16xf32>
          %swap3A_469 = arith.index_cast %add3A_459 : i32 to index
          %swap3A_470 = arith.constant 0 : index
          %swap3A_471 = tpu.vector_load %arg12[%swap3A_469, %swap3A_470] {strides = array<i32>} : memref<80x128xf32, #tpu.memory_space<vmem>>, vector<16xf32>,
          tpu.vector_store %arg12[%swap3A_469, %swap3A_470], %mul3A_468 {strides = array<i32>} : memref<80x128xf32, #tpu.memory_space<vmem>>, vector<16xf32>,
          %get3A_472 = arith.index_cast %add3A_459 : i32 to index
          %get3A_473 = arith.constant 16 : index
          %get3A_474 = tpu.vector_load %arg12[%get3A_472, %get3A_473] {strides = array<i32>} : memref<80x128xf32, #tpu.memory_space<vmem>>, vector<16xf32>,
          %mul3A_475 = arith.mulf %get3A_474, %gather3A_464 : vector<16xf32>
          %swap3A_476 = arith.index_cast %add3A_459 : i32 to index
          %swap3A_477 = arith.constant 16 : index
          %swap3A_478 = tpu.vector_load %arg12[%swap3A_476, %swap3A_477] {strides = array<i32>} : memref<80x128xf32, #tpu.memory_space<vmem>>, vector<16xf32>,
          tpu.vector_store %arg12[%swap3A_476, %swap3A_477], %mul3A_475 {strides = array<i32>} : memref<80x128xf32, #tpu.memory_space<vmem>>, vector<16xf32>,
          %get3A_479 = arith.index_cast %add3A_459 : i32 to index
          %get3A_480 = arith.constant 32 : index
          %get3A_481 = tpu.vector_load %arg12[%get3A_479, %get3A_480] {strides = array<i32>} : memref<80x128xf32, #tpu.memory_space<vmem>>, vector<16xf32>,
          %mul3A_482 = arith.mulf %get3A_481, %gather3A_464 : vector<16xf32>
          %swap3A_483 = arith.index_cast %add3A_459 : i32 to index
          %swap3A_484 = arith.constant 32 : index
          %swap3A_485 = tpu.vector_load %arg12[%swap3A_483, %swap3A_484] {strides = array<i32>} : memref<80x128xf32, #tpu.memory_space<vmem>>, vector<16xf32>,
          tpu.vector_store %arg12[%swap3A_483, %swap3A_484], %mul3A_482 {strides = array<i32>} : memref<80x128xf32, #tpu.memory_space<vmem>>, vector<16xf32>,
          %get3A_486 = arith.index_cast %add3A_459 : i32 to index
          %get3A_487 = arith.constant 48 : index
          %get3A_488 = tpu.vector_load %arg12[%get3A_486, %get3A_487] {strides = array<i32>} : memref<80x128xf32, #tpu.memory_space<vmem>>, vector<16xf32>,
          %mul3A_489 = arith.mulf %get3A_488, %gather3A_464 : vector<16xf32>
          %swap3A_490 = arith.index_cast %add3A_459 : i32 to index
          %swap3A_491 = arith.constant 48 : index
          %swap3A_492 = tpu.vector_load %arg12[%swap3A_490, %swap3A_491] {strides = array<i32>} : memref<80x128xf32, #tpu.memory_space<vmem>>, vector<16xf32>,
          tpu.vector_store %arg12[%swap3A_490, %swap3A_491], %mul3A_489 {strides = array<i32>} : memref<80x128xf32, #tpu.memory_space<vmem>>, vector<16xf32>,
          %get3A_493 = arith.index_cast %add3A_459 : i32 to index
          %get3A_494 = arith.constant 64 : index
          %get3A_495 = tpu.vector_load %arg12[%get3A_493, %get3A_494] {strides = array<i32>} : memref<80x128xf32, #tpu.memory_space<vmem>>, vector<16xf32>,
          %mul3A_496 = arith.mulf %get3A_495, %gather3A_464 : vector<16xf32>
          %swap3A_497 = arith.index_cast %add3A_459 : i32 to index
          %swap3A_498 = arith.constant 64 : index
          %swap3A_499 = tpu.vector_load %arg12[%swap3A_497, %swap3A_498] {strides = array<i32>} : memref<80x128xf32, #tpu.memory_space<vmem>>, vector<16xf32>,
          tpu.vector_store %arg12[%swap3A_497, %swap3A_498], %mul3A_496 {strides = array<i32>} : memref<80x128xf32, #tpu.memory_space<vmem>>, vector<16xf32>,
          %get3A_500 = arith.index_cast %add3A_459 : i32 to index
          %get3A_501 = arith.constant 80 : index
          %get3A_502 = tpu.vector_load %arg12[%get3A_500, %get3A_501] {strides = array<i32>} : memref<80x128xf32, #tpu.memory_space<vmem>>, vector<16xf32>,
          %mul3A_503 = arith.mulf %get3A_502, %gather3A_464 : vector<16xf32>
          %swap3A_504 = arith.index_cast %add3A_459 : i32 to index
          %swap3A_505 = arith.constant 80 : index
          %swap3A_506 = tpu.vector_load %arg12[%swap3A_504, %swap3A_505] {strides = array<i32>} : memref<80x128xf32, #tpu.memory_space<vmem>>, vector<16xf32>,
          tpu.vector_store %arg12[%swap3A_504, %swap3A_505], %mul3A_503 {strides = array<i32>} : memref<80x128xf32, #tpu.memory_space<vmem>>, vector<16xf32>,
          %get3A_507 = arith.index_cast %add3A_459 : i32 to index
          %get3A_508 = arith.constant 96 : index
          %get3A_509 = tpu.vector_load %arg12[%get3A_507, %get3A_508] {strides = array<i32>} : memref<80x128xf32, #tpu.memory_space<vmem>>, vector<16xf32>,
          %mul3A_510 = arith.mulf %get3A_509, %gather3A_464 : vector<16xf32>
          %swap3A_511 = arith.index_cast %add3A_459 : i32 to index
          %swap3A_512 = arith.constant 96 : index
          %swap3A_513 = tpu.vector_load %arg12[%swap3A_511, %swap3A_512] {strides = array<i32>} : memref<80x128xf32, #tpu.memory_space<vmem>>, vector<16xf32>,
          tpu.vector_store %arg12[%swap3A_511, %swap3A_512], %mul3A_510 {strides = array<i32>} : memref<80x128xf32, #tpu.memory_space<vmem>>, vector<16xf32>,
          %get3A_514 = arith.index_cast %add3A_459 : i32 to index
          %get3A_515 = arith.constant 112 : index
          %get3A_516 = tpu.vector_load %arg12[%get3A_514, %get3A_515] {strides = array<i32>} : memref<80x128xf32, #tpu.memory_space<vmem>>, vector<16xf32>,
          %mul3A_517 = arith.mulf %get3A_516, %gather3A_464 : vector<16xf32>
          %swap3A_518 = arith.index_cast %add3A_459 : i32 to index
          %swap3A_519 = arith.constant 112 : index
          %swap3A_520 = tpu.vector_load %arg12[%swap3A_518, %swap3A_519] {strides = array<i32>} : memref<80x128xf32, #tpu.memory_space<vmem>>, vector<16xf32>,
          tpu.vector_store %arg12[%swap3A_518, %swap3A_519], %mul3A_517 {strides = array<i32>} : memref<80x128xf32, #tpu.memory_space<vmem>>, vector<16xf32>,
          %scan3A_521 = arith.constant 6 : i32
          %scan3A_522 = arith.addi %scan3A_123, %scan3A_521 : i32
          %mul3A_523 = arith.constant 1 : i32
          %mul3A_524 = arith.muli %scan3A_522, %mul3A_523 : i32
          %add3A_525 = arith.constant 0 : i32
          %add3A_526 = arith.addi %add3A_525, %mul3A_524 : i32
          %broadcast_in_dim3A_527 = arith.constant 0 : i32
          %broadcast_in_dim3A_528 = vector.broadcast %broadcast_in_dim3A_527 : i32 to vector<16xi32>
          %add3A_529 = vector.broadcast %add3A_526 : i32 to vector<16xi32>
          %add3A_530 = arith.addi %broadcast_in_dim3A_528, %add3A_529 : vector<16xi32>
          %gather3A_531 = tpu.vector_load_idx %arg10[%add3A_81, %add3A_530] : memref<50x80xf32, #tpu.memory_space<vmem>>[vector<16xi32>, vector<16xi32>], vector<16xf32>,
          %get3A_532 = arith.index_cast %add3A_526 : i32 to index
          %get3A_533 = arith.constant 0 : index
          %get3A_534 = tpu.vector_load %arg12[%get3A_532, %get3A_533] {strides = array<i32>} : memref<80x128xf32, #tpu.memory_space<vmem>>, vector<16xf32>,
          %mul3A_535 = arith.mulf %get3A_534, %gather3A_531 : vector<16xf32>
          %swap3A_536 = arith.index_cast %add3A_526 : i32 to index
          %swap3A_537 = arith.constant 0 : index
          %swap3A_538 = tpu.vector_load %arg12[%swap3A_536, %swap3A_537] {strides = array<i32>} : memref<80x128xf32, #tpu.memory_space<vmem>>, vector<16xf32>,
          tpu.vector_store %arg12[%swap3A_536, %swap3A_537], %mul3A_535 {strides = array<i32>} : memref<80x128xf32, #tpu.memory_space<vmem>>, vector<16xf32>,
          %get3A_539 = arith.index_cast %add3A_526 : i32 to index
          %get3A_540 = arith.constant 16 : index
          %get3A_541 = tpu.vector_load %arg12[%get3A_539, %get3A_540] {strides = array<i32>} : memref<80x128xf32, #tpu.memory_space<vmem>>, vector<16xf32>,
          %mul3A_542 = arith.mulf %get3A_541, %gather3A_531 : vector<16xf32>
          %swap3A_543 = arith.index_cast %add3A_526 : i32 to index
          %swap3A_544 = arith.constant 16 : index
          %swap3A_545 = tpu.vector_load %arg12[%swap3A_543, %swap3A_544] {strides = array<i32>} : memref<80x128xf32, #tpu.memory_space<vmem>>, vector<16xf32>,
          tpu.vector_store %arg12[%swap3A_543, %swap3A_544], %mul3A_542 {strides = array<i32>} : memref<80x128xf32, #tpu.memory_space<vmem>>, vector<16xf32>,
          %get3A_546 = arith.index_cast %add3A_526 : i32 to index
          %get3A_547 = arith.constant 32 : index
          %get3A_548 = tpu.vector_load %arg12[%get3A_546, %get3A_547] {strides = array<i32>} : memref<80x128xf32, #tpu.memory_space<vmem>>, vector<16xf32>,
          %mul3A_549 = arith.mulf %get3A_548, %gather3A_531 : vector<16xf32>
          %swap3A_550 = arith.index_cast %add3A_526 : i32 to index
          %swap3A_551 = arith.constant 32 : index
          %swap3A_552 = tpu.vector_load %arg12[%swap3A_550, %swap3A_551] {strides = array<i32>} : memref<80x128xf32, #tpu.memory_space<vmem>>, vector<16xf32>,
          tpu.vector_store %arg12[%swap3A_550, %swap3A_551], %mul3A_549 {strides = array<i32>} : memref<80x128xf32, #tpu.memory_space<vmem>>, vector<16xf32>,
          %get3A_553 = arith.index_cast %add3A_526 : i32 to index
          %get3A_554 = arith.constant 48 : index
          %get3A_555 = tpu.vector_load %arg12[%get3A_553, %get3A_554] {strides = array<i32>} : memref<80x128xf32, #tpu.memory_space<vmem>>, vector<16xf32>,
          %mul3A_556 = arith.mulf %get3A_555, %gather3A_531 : vector<16xf32>
          %swap3A_557 = arith.index_cast %add3A_526 : i32 to index
          %swap3A_558 = arith.constant 48 : index
          %swap3A_559 = tpu.vector_load %arg12[%swap3A_557, %swap3A_558] {strides = array<i32>} : memref<80x128xf32, #tpu.memory_space<vmem>>, vector<16xf32>,
          tpu.vector_store %arg12[%swap3A_557, %swap3A_558], %mul3A_556 {strides = array<i32>} : memref<80x128xf32, #tpu.memory_space<vmem>>, vector<16xf32>,
          %get3A_560 = arith.index_cast %add3A_526 : i32 to index
          %get3A_561 = arith.constant 64 : index
          %get3A_562 = tpu.vector_load %arg12[%get3A_560, %get3A_561] {strides = array<i32>} : memref<80x128xf32, #tpu.memory_space<vmem>>, vector<16xf32>,
          %mul3A_563 = arith.mulf %get3A_562, %gather3A_531 : vector<16xf32>
          %swap3A_564 = arith.index_cast %add3A_526 : i32 to index
          %swap3A_565 = arith.constant 64 : index
          %swap3A_566 = tpu.vector_load %arg12[%swap3A_564, %swap3A_565] {strides = array<i32>} : memref<80x128xf32, #tpu.memory_space<vmem>>, vector<16xf32>,
          tpu.vector_store %arg12[%swap3A_564, %swap3A_565], %mul3A_563 {strides = array<i32>} : memref<80x128xf32, #tpu.memory_space<vmem>>, vector<16xf32>,
          %get3A_567 = arith.index_cast %add3A_526 : i32 to index
          %get3A_568 = arith.constant 80 : index
          %get3A_569 = tpu.vector_load %arg12[%get3A_567, %get3A_568] {strides = array<i32>} : memref<80x128xf32, #tpu.memory_space<vmem>>, vector<16xf32>,
          %mul3A_570 = arith.mulf %get3A_569, %gather3A_531 : vector<16xf32>
          %swap3A_571 = arith.index_cast %add3A_526 : i32 to index
          %swap3A_572 = arith.constant 80 : index
          %swap3A_573 = tpu.vector_load %arg12[%swap3A_571, %swap3A_572] {strides = array<i32>} : memref<80x128xf32, #tpu.memory_space<vmem>>, vector<16xf32>,
          tpu.vector_store %arg12[%swap3A_571, %swap3A_572], %mul3A_570 {strides = array<i32>} : memref<80x128xf32, #tpu.memory_space<vmem>>, vector<16xf32>,
          %get3A_574 = arith.index_cast %add3A_526 : i32 to index
          %get3A_575 = arith.constant 96 : index
          %get3A_576 = tpu.vector_load %arg12[%get3A_574, %get3A_575] {strides = array<i32>} : memref<80x128xf32, #tpu.memory_space<vmem>>, vector<16xf32>,
          %mul3A_577 = arith.mulf %get3A_576, %gather3A_531 : vector<16xf32>
          %swap3A_578 = arith.index_cast %add3A_526 : i32 to index
          %swap3A_579 = arith.constant 96 : index
          %swap3A_580 = tpu.vector_load %arg12[%swap3A_578, %swap3A_579] {strides = array<i32>} : memref<80x128xf32, #tpu.memory_space<vmem>>, vector<16xf32>,
          tpu.vector_store %arg12[%swap3A_578, %swap3A_579], %mul3A_577 {strides = array<i32>} : memref<80x128xf32, #tpu.memory_space<vmem>>, vector<16xf32>,
          %get3A_581 = arith.index_cast %add3A_526 : i32 to index
          %get3A_582 = arith.constant 112 : index
          %get3A_583 = tpu.vector_load %arg12[%get3A_581, %get3A_582] {strides = array<i32>} : memref<80x128xf32, #tpu.memory_space<vmem>>, vector<16xf32>,
          %mul3A_584 = arith.mulf %get3A_583, %gather3A_531 : vector<16xf32>
          %swap3A_585 = arith.index_cast %add3A_526 : i32 to index
          %swap3A_586 = arith.constant 112 : index
          %swap3A_587 = tpu.vector_load %arg12[%swap3A_585, %swap3A_586] {strides = array<i32>} : memref<80x128xf32, #tpu.memory_space<vmem>>, vector<16xf32>,
          tpu.vector_store %arg12[%swap3A_585, %swap3A_586], %mul3A_584 {strides = array<i32>} : memref<80x128xf32, #tpu.memory_space<vmem>>, vector<16xf32>,
          %scan3A_588 = arith.constant 7 : i32
          %scan3A_589 = arith.addi %scan3A_123, %scan3A_588 : i32
          %mul3A_590 = arith.constant 1 : i32
          %mul3A_591 = arith.muli %scan3A_589, %mul3A_590 : i32
          %add3A_592 = arith.constant 0 : i32
          %add3A_593 = arith.addi %add3A_592, %mul3A_591 : i32
          %broadcast_in_dim3A_594 = arith.constant 0 : i32
          %broadcast_in_dim3A_595 = vector.broadcast %broadcast_in_dim3A_594 : i32 to vector<16xi32>
          %add3A_596 = vector.broadcast %add3A_593 : i32 to vector<16xi32>
          %add3A_597 = arith.addi %broadcast_in_dim3A_595, %add3A_596 : vector<16xi32>
          %gather3A_598 = tpu.vector_load_idx %arg10[%add3A_81, %add3A_597] : memref<50x80xf32, #tpu.memory_space<vmem>>[vector<16xi32>, vector<16xi32>], vector<16xf32>,
          %get3A_599 = arith.index_cast %add3A_593 : i32 to index
          %get3A_600 = arith.constant 0 : index
          %get3A_601 = tpu.vector_load %arg12[%get3A_599, %get3A_600] {strides = array<i32>} : memref<80x128xf32, #tpu.memory_space<vmem>>, vector<16xf32>,
          %mul3A_602 = arith.mulf %get3A_601, %gather3A_598 : vector<16xf32>
          %swap3A_603 = arith.index_cast %add3A_593 : i32 to index
          %swap3A_604 = arith.constant 0 : index
          %swap3A_605 = tpu.vector_load %arg12[%swap3A_603, %swap3A_604] {strides = array<i32>} : memref<80x128xf32, #tpu.memory_space<vmem>>, vector<16xf32>,
          tpu.vector_store %arg12[%swap3A_603, %swap3A_604], %mul3A_602 {strides = array<i32>} : memref<80x128xf32, #tpu.memory_space<vmem>>, vector<16xf32>,
          %get3A_606 = arith.index_cast %add3A_593 : i32 to index
          %get3A_607 = arith.constant 16 : index
          %get3A_608 = tpu.vector_load %arg12[%get3A_606, %get3A_607] {strides = array<i32>} : memref<80x128xf32, #tpu.memory_space<vmem>>, vector<16xf32>,
          %mul3A_609 = arith.mulf %get3A_608, %gather3A_598 : vector<16xf32>
          %swap3A_610 = arith.index_cast %add3A_593 : i32 to index
          %swap3A_611 = arith.constant 16 : index
          %swap3A_612 = tpu.vector_load %arg12[%swap3A_610, %swap3A_611] {strides = array<i32>} : memref<80x128xf32, #tpu.memory_space<vmem>>, vector<16xf32>,
          tpu.vector_store %arg12[%swap3A_610, %swap3A_611], %mul3A_609 {strides = array<i32>} : memref<80x128xf32, #tpu.memory_space<vmem>>, vector<16xf32>,
          %get3A_613 = arith.index_cast %add3A_593 : i32 to index
          %get3A_614 = arith.constant 32 : index
          %get3A_615 = tpu.vector_load %arg12[%get3A_613, %get3A_614] {strides = array<i32>} : memref<80x128xf32, #tpu.memory_space<vmem>>, vector<16xf32>,
          %mul3A_616 = arith.mulf %get3A_615, %gather3A_598 : vector<16xf32>
          %swap3A_617 = arith.index_cast %add3A_593 : i32 to index
          %swap3A_618 = arith.constant 32 : index
          %swap3A_619 = tpu.vector_load %arg12[%swap3A_617, %swap3A_618] {strides = array<i32>} : memref<80x128xf32, #tpu.memory_space<vmem>>, vector<16xf32>,
          tpu.vector_store %arg12[%swap3A_617, %swap3A_618], %mul3A_616 {strides = array<i32>} : memref<80x128xf32, #tpu.memory_space<vmem>>, vector<16xf32>,
          %get3A_620 = arith.index_cast %add3A_593 : i32 to index
          %get3A_621 = arith.constant 48 : index
          %get3A_622 = tpu.vector_load %arg12[%get3A_620, %get3A_621] {strides = array<i32>} : memref<80x128xf32, #tpu.memory_space<vmem>>, vector<16xf32>,
          %mul3A_623 = arith.mulf %get3A_622, %gather3A_598 : vector<16xf32>
          %swap3A_624 = arith.index_cast %add3A_593 : i32 to index
          %swap3A_625 = arith.constant 48 : index
          %swap3A_626 = tpu.vector_load %arg12[%swap3A_624, %swap3A_625] {strides = array<i32>} : memref<80x128xf32, #tpu.memory_space<vmem>>, vector<16xf32>,
          tpu.vector_store %arg12[%swap3A_624, %swap3A_625], %mul3A_623 {strides = array<i32>} : memref<80x128xf32, #tpu.memory_space<vmem>>, vector<16xf32>,
          %get3A_627 = arith.index_cast %add3A_593 : i32 to index
          %get3A_628 = arith.constant 64 : index
          %get3A_629 = tpu.vector_load %arg12[%get3A_627, %get3A_628] {strides = array<i32>} : memref<80x128xf32, #tpu.memory_space<vmem>>, vector<16xf32>,
          %mul3A_630 = arith.mulf %get3A_629, %gather3A_598 : vector<16xf32>
          %swap3A_631 = arith.index_cast %add3A_593 : i32 to index
          %swap3A_632 = arith.constant 64 : index
          %swap3A_633 = tpu.vector_load %arg12[%swap3A_631, %swap3A_632] {strides = array<i32>} : memref<80x128xf32, #tpu.memory_space<vmem>>, vector<16xf32>,
          tpu.vector_store %arg12[%swap3A_631, %swap3A_632], %mul3A_630 {strides = array<i32>} : memref<80x128xf32, #tpu.memory_space<vmem>>, vector<16xf32>,
          %get3A_634 = arith.index_cast %add3A_593 : i32 to index
          %get3A_635 = arith.constant 80 : index
          %get3A_636 = tpu.vector_load %arg12[%get3A_634, %get3A_635] {strides = array<i32>} : memref<80x128xf32, #tpu.memory_space<vmem>>, vector<16xf32>,
          %mul3A_637 = arith.mulf %get3A_636, %gather3A_598 : vector<16xf32>
          %swap3A_638 = arith.index_cast %add3A_593 : i32 to index
          %swap3A_639 = arith.constant 80 : index
          %swap3A_640 = tpu.vector_load %arg12[%swap3A_638, %swap3A_639] {strides = array<i32>} : memref<80x128xf32, #tpu.memory_space<vmem>>, vector<16xf32>,
          tpu.vector_store %arg12[%swap3A_638, %swap3A_639], %mul3A_637 {strides = array<i32>} : memref<80x128xf32, #tpu.memory_space<vmem>>, vector<16xf32>,
          %get3A_641 = arith.index_cast %add3A_593 : i32 to index
          %get3A_642 = arith.constant 96 : index
          %get3A_643 = tpu.vector_load %arg12[%get3A_641, %get3A_642] {strides = array<i32>} : memref<80x128xf32, #tpu.memory_space<vmem>>, vector<16xf32>,
          %mul3A_644 = arith.mulf %get3A_643, %gather3A_598 : vector<16xf32>
          %swap3A_645 = arith.index_cast %add3A_593 : i32 to index
          %swap3A_646 = arith.constant 96 : index
          %swap3A_647 = tpu.vector_load %arg12[%swap3A_645, %swap3A_646] {strides = array<i32>} : memref<80x128xf32, #tpu.memory_space<vmem>>, vector<16xf32>,
          tpu.vector_store %arg12[%swap3A_645, %swap3A_646], %mul3A_644 {strides = array<i32>} : memref<80x128xf32, #tpu.memory_space<vmem>>, vector<16xf32>,
          %get3A_648 = arith.index_cast %add3A_593 : i32 to index
          %get3A_649 = arith.constant 112 : index
          %get3A_650 = tpu.vector_load %arg12[%get3A_648, %get3A_649] {strides = array<i32>} : memref<80x128xf32, #tpu.memory_space<vmem>>, vector<16xf32>,
          %mul3A_651 = arith.mulf %get3A_650, %gather3A_598 : vector<16xf32>
          %swap3A_652 = arith.index_cast %add3A_593 : i32 to index
          %swap3A_653 = arith.constant 112 : index
          %swap3A_654 = tpu.vector_load %arg12[%swap3A_652, %swap3A_653] {strides = array<i32>} : memref<80x128xf32, #tpu.memory_space<vmem>>, vector<16xf32>,
          tpu.vector_store %arg12[%swap3A_652, %swap3A_653], %mul3A_651 {strides = array<i32>} : memref<80x128xf32, #tpu.memory_space<vmem>>, vector<16xf32>,
        }
        %scan3A_86 = arith.constant 80 : i32
        %dma_start3A_87 = arith.constant 0 : i32
        %dma_start3A_88 = tpu.memref_slice %arg9[%add3A_71, %dma_start3A_87] : memref<50x80xi32, #tpu.memory_space<vmem>> -> memref<1x80xi32, #tpu.memory_space<vmem>>
        %dma_start3A_89 = tpu.memref_squeeze %dma_start3A_88 : memref<1x80xi32, #tpu.memory_space<vmem>> -> memref<80xi32, #tpu.memory_space<vmem>>
        %dma_start3A_90 = arith.constant 0 : i32
        %dma_start3A_91 = arith.constant 0 : i32
        %dma_start3A_92 = tpu.memref_slice %arg13[%dma_start3A_90, %dma_start3A_91] : memref<10000x128xf32, #tpu.memory_space<vmem_shared>> -> memref<10000x128xf32, #tpu.memory_space<vmem_shared>>
        tpu.enqueue_indirect_dma source(%arg12 : memref<80x128xf32, #tpu.memory_space<vmem>>) target(%dma_start3A_92 : memref<10000x128xf32, #tpu.memory_space<vmem_shared>>) offsets(%dma_start3A_89 : memref<80xi32, #tpu.memory_space<vmem>>) semaphore(%arg17 : memref<!tpu.dma_semaphore, #tpu.memory_space<semaphore_mem>>) {add = true}
        %add3A_93 = arith.constant 0 : i32
        %add3A_94 = arith.addi %add3A_48, %add3A_93 : i32
        %dma_wait3A_95 = arith.constant 0 : i32
        %dma_wait3A_96 = tpu.memref_slice %arg9[%add3A_94, %dma_wait3A_95] : memref<50x80xi32, #tpu.memory_space<vmem>> -> memref<1x80xi32, #tpu.memory_space<vmem>>
        %dma_wait3A_97 = tpu.memref_squeeze %dma_wait3A_96 : memref<1x80xi32, #tpu.memory_space<vmem>> -> memref<80xi32, #tpu.memory_space<vmem>>
        %dma_wait3A_98 = arith.constant 0 : i32
        %dma_wait3A_99 = arith.constant 0 : i32
        %dma_wait3A_100 = tpu.memref_slice %arg13[%dma_wait3A_98, %dma_wait3A_99] : memref<10000x128xf32, #tpu.memory_space<vmem_shared>> -> memref<10000x128xf32, #tpu.memory_space<vmem_shared>>
        tpu.wait_indirect_dma semaphore(%arg16 : memref<!tpu.dma_semaphore, #tpu.memory_space<semaphore_mem>>) src(%arg11 : memref<80x128xf32, #tpu.memory_space<vmem>>) dst(%dma_wait3A_100 : memref<10000x128xf32, #tpu.memory_space<vmem_shared>>)
        %add3A_101 = arith.constant 2 : i32
        %add3A_102 = arith.addi %add3A_94, %add3A_101 : i32
        %lt3A_103 = arith.constant 50 : i32
        %lt3A_104 = arith.cmpi slt, %add3A_102, %lt3A_103 : i32
        %convert_element_type3A_105 = arith.extui %lt3A_104 : i1 to i32
        %cond3A_106 = arith.constant 0 : i32
        %cond3A_107 = arith.cmpi ne, %convert_element_type3A_105, %cond3A_106 : i32
        scf.if %cond3A_107 {
          %add3A_123 = arith.constant 2 : i32
          %add3A_124 = arith.addi %add3A_94, %add3A_123 : i32
          %dma_start3A_125 = arith.constant 0 : i32
          %dma_start3A_126 = tpu.memref_slice %arg8[%add3A_124, %dma_start3A_125] : memref<50x80xi32, #tpu.memory_space<vmem>> -> memref<1x80xi32, #tpu.memory_space<vmem>>
          %dma_start3A_127 = tpu.memref_squeeze %dma_start3A_126 : memref<1x80xi32, #tpu.memory_space<vmem>> -> memref<80xi32, #tpu.memory_space<vmem>>
          %dma_start3A_128 = arith.constant 0 : i32
          %dma_start3A_129 = arith.constant 0 : i32
          %dma_start3A_130 = tpu.memref_slice %arg2[%dma_start3A_128, %dma_start3A_129] : memref<10000x128xf32, #tpu.memory_space<hbm>> -> memref<10000x128xf32, #tpu.memory_space<hbm>>
          tpu.enqueue_indirect_dma source(%dma_start3A_130 : memref<10000x128xf32, #tpu.memory_space<hbm>>) target(%arg11 : memref<80x128xf32, #tpu.memory_space<vmem>>) offsets(%dma_start3A_127 : memref<80xi32, #tpu.memory_space<vmem>>) semaphore(%arg14 : memref<!tpu.dma_semaphore, #tpu.memory_space<semaphore_mem>>)
        } else {
        }
        %add3A_108 = arith.constant 1 : i32
        %add3A_109 = arith.addi %add3A_48, %add3A_108 : i32
        %dma_wait3A_110 = arith.constant 0 : i32
        %dma_wait3A_111 = tpu.memref_slice %arg9[%add3A_109, %dma_wait3A_110] : memref<50x80xi32, #tpu.memory_space<vmem>> -> memref<1x80xi32, #tpu.memory_space<vmem>>
        %dma_wait3A_112 = tpu.memref_squeeze %dma_wait3A_111 : memref<1x80xi32, #tpu.memory_space<vmem>> -> memref<80xi32, #tpu.memory_space<vmem>>
        %dma_wait3A_113 = arith.constant 0 : i32
        %dma_wait3A_114 = arith.constant 0 : i32
        %dma_wait3A_115 = tpu.memref_slice %arg13[%dma_wait3A_113, %dma_wait3A_114] : memref<10000x128xf32, #tpu.memory_space<vmem_shared>> -> memref<10000x128xf32, #tpu.memory_space<vmem_shared>>
        tpu.wait_indirect_dma semaphore(%arg17 : memref<!tpu.dma_semaphore, #tpu.memory_space<semaphore_mem>>) src(%arg12 : memref<80x128xf32, #tpu.memory_space<vmem>>) dst(%dma_wait3A_115 : memref<10000x128xf32, #tpu.memory_space<vmem_shared>>)
        %add3A_116 = arith.constant 2 : i32
        %add3A_117 = arith.addi %add3A_109, %add3A_116 : i32
        %lt3A_118 = arith.constant 50 : i32
        %lt3A_119 = arith.cmpi slt, %add3A_117, %lt3A_118 : i32
        %convert_element_type3A_120 = arith.extui %lt3A_119 : i1 to i32
        %cond3A_121 = arith.constant 0 : i32
        %cond3A_122 = arith.cmpi ne, %convert_element_type3A_120, %cond3A_121 : i32
        scf.if %cond3A_122 {
          %add3A_123 = arith.constant 2 : i32
          %add3A_124 = arith.addi %add3A_109, %add3A_123 : i32
          %dma_start3A_125 = arith.constant 0 : i32
          %dma_start3A_126 = tpu.memref_slice %arg8[%add3A_124, %dma_start3A_125] : memref<50x80xi32, #tpu.memory_space<vmem>> -> memref<1x80xi32, #tpu.memory_space<vmem>>
          %dma_start3A_127 = tpu.memref_squeeze %dma_start3A_126 : memref<1x80xi32, #tpu.memory_space<vmem>> -> memref<80xi32, #tpu.memory_space<vmem>>
          %dma_start3A_128 = arith.constant 0 : i32
          %dma_start3A_129 = arith.constant 0 : i32
          %dma_start3A_130 = tpu.memref_slice %arg2[%dma_start3A_128, %dma_start3A_129] : memref<10000x128xf32, #tpu.memory_space<hbm>> -> memref<10000x128xf32, #tpu.memory_space<hbm>>
          tpu.enqueue_indirect_dma source(%dma_start3A_130 : memref<10000x128xf32, #tpu.memory_space<hbm>>) target(%arg12 : memref<80x128xf32, #tpu.memory_space<vmem>>) offsets(%dma_start3A_127 : memref<80xi32, #tpu.memory_space<vmem>>) semaphore(%arg15 : memref<!tpu.dma_semaphore, #tpu.memory_space<semaphore_mem>>)
        } else {
        }
      }
      %scan3A_43 = arith.constant 25 : i32
    }
    %scan3A_10 = arith.constant 5 : i32
    %barrier3A_11 = arith.constant 0 : index
    tpu.barrier barrier_id(%barrier3A_11)
    %lt3A_12 = arith.constant 15 : i32
    %lt3A_13 = arith.cmpi slt, %arg1, %lt3A_12 : i32
    %convert_element_type3A_14 = arith.extui %lt3A_13 : i1 to i32
    %cond3A_15 = arith.constant 0 : i32
    %cond3A_16 = arith.cmpi ne, %convert_element_type3A_14, %cond3A_15 : i32
    scf.if %cond3A_16 {
      "tpu.region"() ({
        %run_scoped3A = tpu.sem_alloc : memref<!tpu.dma_semaphore, #tpu.memory_space<semaphore_mem>>
        %dma_start3A = arith.constant 0 : i32
        %dma_start3A_22 = tpu.memref_slice %arg7[%arg0, %mul3A_0, %dma_start3A] : memref<2x10000x128xf32, #tpu.memory_space<hbm>> -> memref<1x632x128xf32, #tpu.memory_space<hbm>>
        %dma_start3A_23 = tpu.memref_squeeze %dma_start3A_22 : memref<1x632x128xf32, #tpu.memory_space<hbm>> -> memref<632x128xf32, #tpu.memory_space<hbm>>
        %dma_start3A_24 = arith.constant 0 : i32
        %dma_start3A_25 = tpu.memref_slice %arg13[%mul3A_0, %dma_start3A_24] : memref<10000x128xf32, #tpu.memory_space<vmem_shared>> -> memref<632x128xf32, #tpu.memory_space<vmem_shared>>
        tpu.enqueue_dma source(%dma_start3A_25 : memref<632x128xf32, #tpu.memory_space<vmem_shared>>) target(%dma_start3A_23 : memref<632x128xf32, #tpu.memory_space<hbm>>) target_semaphore(%run_scoped3A : memref<!tpu.dma_semaphore, #tpu.memory_space<semaphore_mem>>)
        %dma_wait3A = arith.constant 0 : i32
        %dma_wait3A_26 = tpu.memref_slice %arg7[%arg0, %mul3A_0, %dma_wait3A] : memref<2x10000x128xf32, #tpu.memory_space<hbm>> -> memref<1x632x128xf32, #tpu.memory_space<hbm>>
        %dma_wait3A_27 = tpu.memref_squeeze %dma_wait3A_26 : memref<1x632x128xf32, #tpu.memory_space<hbm>> -> memref<632x128xf32, #tpu.memory_space<hbm>>
        %dma_wait3A_28 = arith.constant 0 : i32
        %dma_wait3A_29 = tpu.memref_slice %arg13[%mul3A_0, %dma_wait3A_28] : memref<10000x128xf32, #tpu.memory_space<vmem_shared>> -> memref<632x128xf32, #tpu.memory_space<vmem_shared>>
        tpu.wait_dma2 semaphore(%run_scoped3A : memref<!tpu.dma_semaphore, #tpu.memory_space<semaphore_mem>>) src(%dma_wait3A_29 : memref<632x128xf32, #tpu.memory_space<vmem_shared>>) dst(%dma_wait3A_27 : memref<632x128xf32, #tpu.memory_space<hbm>>)
        tpu.yield
      }) : () -> ()
    } else {
    }
    %eq3A_17 = arith.constant 15 : i32
    %eq3A_18 = arith.cmpi eq, %arg1, %eq3A_17 : i32
    %convert_element_type3A_19 = arith.extui %eq3A_18 : i1 to i32
    %cond3A_20 = arith.constant 0 : i32
    %cond3A_21 = arith.cmpi ne, %convert_element_type3A_19, %cond3A_20 : i32
    scf.if %cond3A_21 {
      "tpu.region"() ({
        %run_scoped3A = tpu.sem_alloc : memref<!tpu.dma_semaphore, #tpu.memory_space<semaphore_mem>>
        %dma_start3A = arith.constant 9480 : i32
        %dma_start3A_22 = arith.constant 0 : i32
        %dma_start3A_23 = tpu.memref_slice %arg7[%arg0, %dma_start3A, %dma_start3A_22] : memref<2x10000x128xf32, #tpu.memory_space<hbm>> -> memref<1x520x128xf32, #tpu.memory_space<hbm>>
        %dma_start3A_24 = tpu.memref_squeeze %dma_start3A_23 : memref<1x520x128xf32, #tpu.memory_space<hbm>> -> memref<520x128xf32, #tpu.memory_space<hbm>>
        %dma_start3A_25 = arith.constant 9480 : i32
        %dma_start3A_26 = arith.constant 0 : i32
        %dma_start3A_27 = tpu.memref_slice %arg13[%dma_start3A_25, %dma_start3A_26] : memref<10000x128xf32, #tpu.memory_space<vmem_shared>> -> memref<520x128xf32, #tpu.memory_space<vmem_shared>>
        tpu.enqueue_dma source(%dma_start3A_27 : memref<520x128xf32, #tpu.memory_space<vmem_shared>>) target(%dma_start3A_24 : memref<520x128xf32, #tpu.memory_space<hbm>>) target_semaphore(%run_scoped3A : memref<!tpu.dma_semaphore, #tpu.memory_space<semaphore_mem>>)
        %dma_wait3A = arith.constant 9480 : i32
        %dma_wait3A_28 = arith.constant 0 : i32
        %dma_wait3A_29 = tpu.memref_slice %arg7[%arg0, %dma_wait3A, %dma_wait3A_28] : memref<2x10000x128xf32, #tpu.memory_space<hbm>> -> memref<1x520x128xf32, #tpu.memory_space<hbm>>
        %dma_wait3A_30 = tpu.memref_squeeze %dma_wait3A_29 : memref<1x520x128xf32, #tpu.memory_space<hbm>> -> memref<520x128xf32, #tpu.memory_space<hbm>>
        %dma_wait3A_31 = arith.constant 9480 : i32
        %dma_wait3A_32 = arith.constant 0 : i32
        %dma_wait3A_33 = tpu.memref_slice %arg13[%dma_wait3A_31, %dma_wait3A_32] : memref<10000x128xf32, #tpu.memory_space<vmem_shared>> -> memref<520x128xf32, #tpu.memory_space<vmem_shared>>
        tpu.wait_dma2 semaphore(%run_scoped3A : memref<!tpu.dma_semaphore, #tpu.memory_space<semaphore_mem>>) src(%dma_wait3A_33 : memref<520x128xf32, #tpu.memory_space<vmem_shared>>) dst(%dma_wait3A_30 : memref<520x128xf32, #tpu.memory_space<hbm>>)
        tpu.yield
      }) : () -> ()
    } else {
    }
    return
  }
}

module attributes {stable_mosaic.version = 14 : i64} {
  func.func @_lin_body(%arg0: i32, %arg1: memref<2000x128xf32, #tpu.memory_space<vmem>>, %arg2: memref<2000x128xf32, #tpu.memory_space<vmem>>, %arg3: memref<128x128xf32, #tpu.memory_space<vmem>>, %arg4: memref<128x128xf32, #tpu.memory_space<vmem>>, %arg5: memref<128x128xf32, #tpu.memory_space<vmem>>, %arg6: memref<1x128xf32, #tpu.memory_space<vmem>>, %arg7: memref<1x128xf32, #tpu.memory_space<vmem>>, %arg8: memref<1x128xf32, #tpu.memory_space<vmem>>, %arg9: memref<2000x128xf32, #tpu.memory_space<vmem>>) attributes {dimension_semantics = [#tpu.dimension_semantics<arbitrary>], iteration_bounds = array<i64: 5>, scalar_prefetch = 0 : i64, scratch_operands = 0 : i64, tpu.core_type = #tpu.core_type<tc>, window_params = [{transform_indices = @transform_0, window_bounds = array<i64: 2000, 128>}, {transform_indices = @transform_1, window_bounds = array<i64: 2000, 128>}, {pipeline_mode = #tpu.pipeline_mode<synchronous>, transform_indices = @transform_2, window_bounds = array<i64: 128, 128>}, {pipeline_mode = #tpu.pipeline_mode<synchronous>, transform_indices = @transform_3, window_bounds = array<i64: 128, 128>}, {pipeline_mode = #tpu.pipeline_mode<synchronous>, transform_indices = @transform_4, window_bounds = array<i64: 128, 128>}, {pipeline_mode = #tpu.pipeline_mode<synchronous>, transform_indices = @transform_5, window_bounds = array<i64: 1, 128>}, {pipeline_mode = #tpu.pipeline_mode<synchronous>, transform_indices = @transform_6, window_bounds = array<i64: 1, 128>}, {pipeline_mode = #tpu.pipeline_mode<synchronous>, transform_indices = @transform_7, window_bounds = array<i64: 1, 128>}, {transform_indices = @transform_8, window_bounds = array<i64: 2000, 128>}]} {
    %get3A = arith.constant 0 : index
    %get3A_0 = arith.constant 0 : index
    %get3A_1 = vector.load %arg1[%get3A, %get3A_0] : memref<2000x128xf32, #tpu.memory_space<vmem>>, vector<2000x128xf32>
    %get3A_2 = arith.constant 0 : index
    %get3A_3 = arith.constant 0 : index
    %get3A_4 = vector.load %arg3[%get3A_2, %get3A_3] : memref<128x128xf32, #tpu.memory_space<vmem>>, vector<128x128xf32>
    %dot_general3A = arith.constant dense<0.000000e+00> : vector<2000x128xf32>
    %dot_general3A_5 = tpu.matmul %get3A_1, %get3A_4, %dot_general3A {dimension_numbers = #tpu.dot_dimension_numbers<[1], [0], [0], [1], [0, 0, 1, 1], [], []>, transpose_lhs_hint = false} : vector<2000x128xf32>, vector<128x128xf32>, vector<2000x128xf32> -> vector<2000x128xf32>
    %get3A_6 = arith.constant 0 : index
    %get3A_7 = arith.constant 0 : index
    %get3A_8 = vector.load %arg2[%get3A_6, %get3A_7] : memref<2000x128xf32, #tpu.memory_space<vmem>>, vector<2000x128xf32>
    %get3A_9 = arith.constant 0 : index
    %get3A_10 = arith.constant 0 : index
    %get3A_11 = vector.load %arg4[%get3A_9, %get3A_10] : memref<128x128xf32, #tpu.memory_space<vmem>>, vector<128x128xf32>
    %dot_general3A_12 = arith.constant dense<0.000000e+00> : vector<2000x128xf32>
    %dot_general3A_13 = tpu.matmul %get3A_8, %get3A_11, %dot_general3A_12 {dimension_numbers = #tpu.dot_dimension_numbers<[1], [0], [0], [1], [0, 0, 1, 1], [], []>, transpose_lhs_hint = false} : vector<2000x128xf32>, vector<128x128xf32>, vector<2000x128xf32> -> vector<2000x128xf32>
    %mul3A = arith.constant 5.000000e-01 : f32
    %mul3A_14 = vector.broadcast %mul3A : f32 to vector<2000x128xf32>
    %mul3A_15 = arith.mulf %mul3A_14, %dot_general3A_13 : vector<2000x128xf32>
    %add3A = arith.addf %dot_general3A_5, %mul3A_15 : vector<2000x128xf32>
    %get3A_16 = arith.constant 0 : index
    %get3A_17 = arith.constant 0 : index
    %get3A_18 = vector.load %arg6[%get3A_16, %get3A_17] : memref<1x128xf32, #tpu.memory_space<vmem>>, vector<1x128xf32>
    %get3A_19 = arith.constant 0 : index
    %get3A_20 = arith.constant 0 : index
    %get3A_21 = vector.load %arg7[%get3A_19, %get3A_20] : memref<1x128xf32, #tpu.memory_space<vmem>>, vector<1x128xf32>
    %mul3A_22 = arith.constant 5.000000e-01 : f32
    %mul3A_23 = vector.broadcast %mul3A_22 : f32 to vector<1x128xf32>
    %mul3A_24 = arith.mulf %mul3A_23, %get3A_21 : vector<1x128xf32>
    %add3A_25 = arith.addf %get3A_18, %mul3A_24 : vector<1x128xf32>
    %add3A_26 = vector.broadcast %add3A_25 : vector<1x128xf32> to vector<2000x128xf32>
    %add3A_27 = arith.addf %add3A, %add3A_26 : vector<2000x128xf32>
    %get3A_28 = arith.constant 0 : index
    %get3A_29 = arith.constant 0 : index
    %get3A_30 = vector.load %arg5[%get3A_28, %get3A_29] : memref<128x128xf32, #tpu.memory_space<vmem>>, vector<128x128xf32>
    %dot_general3A_31 = arith.constant dense<0.000000e+00> : vector<2000x128xf32>
    %dot_general3A_32 = tpu.matmul %add3A_27, %get3A_30, %dot_general3A_31 {dimension_numbers = #tpu.dot_dimension_numbers<[1], [0], [0], [1], [0, 0, 1, 1], [], []>, transpose_lhs_hint = false} : vector<2000x128xf32>, vector<128x128xf32>, vector<2000x128xf32> -> vector<2000x128xf32>
    %get3A_33 = arith.constant 0 : index
    %get3A_34 = arith.constant 0 : index
    %get3A_35 = vector.load %arg8[%get3A_33, %get3A_34] : memref<1x128xf32, #tpu.memory_space<vmem>>, vector<1x128xf32>
    %add3A_36 = vector.broadcast %get3A_35 : vector<1x128xf32> to vector<2000x128xf32>
    %add3A_37 = arith.addf %dot_general3A_32, %add3A_36 : vector<2000x128xf32>
    %swap3A = arith.constant 0 : index
    %swap3A_38 = arith.constant 0 : index
    %swap3A_39 = vector.load %arg9[%swap3A, %swap3A_38] : memref<2000x128xf32, #tpu.memory_space<vmem>>, vector<2000x128xf32>
    tpu.vector_store %arg9[%swap3A, %swap3A_38], %add3A_37 {strides = array<i32>} : memref<2000x128xf32, #tpu.memory_space<vmem>>, vector<2000x128xf32>,
    return
  }
  func.func @transform_0(%arg0: i32) -> (i32, i32) {
    %c0_i32 = arith.constant 0 : i32
    %c0_i32_0 = arith.constant 0 : i32
    return %arg0, %c0_i32 : i32, i32
  }
  func.func @transform_1(%arg0: i32) -> (i32, i32) {
    %c0_i32 = arith.constant 0 : i32
    %c0_i32_0 = arith.constant 0 : i32
    return %arg0, %c0_i32 : i32, i32
  }
  func.func @transform_2(%arg0: i32) -> (i32, i32) {
    %c0_i32 = arith.constant 0 : i32
    %c0_i32_0 = arith.constant 0 : i32
    %c0_i32_1 = arith.constant 0 : i32
    return %c0_i32, %c0_i32_0 : i32, i32
  }
  func.func @transform_3(%arg0: i32) -> (i32, i32) {
    %c0_i32 = arith.constant 0 : i32
    %c0_i32_0 = arith.constant 0 : i32
    %c0_i32_1 = arith.constant 0 : i32
    return %c0_i32, %c0_i32_0 : i32, i32
  }
  func.func @transform_4(%arg0: i32) -> (i32, i32) {
    %c0_i32 = arith.constant 0 : i32
    %c0_i32_0 = arith.constant 0 : i32
    %c0_i32_1 = arith.constant 0 : i32
    return %c0_i32, %c0_i32_0 : i32, i32
  }
  func.func @transform_5(%arg0: i32) -> (i32, i32) {
    %c0_i32 = arith.constant 0 : i32
    %c0_i32_0 = arith.constant 0 : i32
    %c0_i32_1 = arith.constant 0 : i32
    return %c0_i32, %c0_i32_0 : i32, i32
  }
  func.func @transform_6(%arg0: i32) -> (i32, i32) {
    %c0_i32 = arith.constant 0 : i32
    %c0_i32_0 = arith.constant 0 : i32
    %c0_i32_1 = arith.constant 0 : i32
    return %c0_i32, %c0_i32_0 : i32, i32
  }
  func.func @transform_7(%arg0: i32) -> (i32, i32) {
    %c0_i32 = arith.constant 0 : i32
    %c0_i32_0 = arith.constant 0 : i32
    %c0_i32_1 = arith.constant 0 : i32
    return %c0_i32, %c0_i32_0 : i32, i32
  }
  func.func @transform_8(%arg0: i32) -> (i32, i32) {
    %c0_i32 = arith.constant 0 : i32
    %c0_i32_0 = arith.constant 0 : i32
    return %arg0, %c0_i32 : i32, i32
  }
}

</mosaic_0001>

<sc_bundles>
// kernel: kernel.4.cloned.1.call-start
scs
__scs_entry_jumppad:
0x0: {  	(pc) =	sbr.rel $0x88, $3  }
0x1: {  	(tag) =	ssettag $0x0;
	lr =	simm.s32 $0x1  }
0x2: {  	[smem:$0x3F96] =	sst lr;
	_ =	strace $0xD0000000  }
0x3: {  	_ = 	snop  }
0x4: {  	_ = 	snop  }
0x5: {  	_ = 	snop  }
0x6: {  	_ = 	snop  }
0x7: {  	_ = 	snop  }
__scs_overlays_trampoline_lowered:
0x8: {  	[smem:$0x3FA5] =	sst s0  }
0x9: {  	[smem:$0x3FA6] =	sst s1  }
0xa: {  	[smem:$0x3FA7] =	sst s2  }
0xb: {  	[smem:$0x3FA8] =	sst s3  }
0xc: {  	[smem:$0x3FA9] =	sst s4  }
0xd: {  	[smem:$0x3FAA] =	sst s5  }
0xe: {  	[smem:$0x3FAB] =	sst s6  }
0xf: {  	[smem:$0x3FAC] =	sst s7  }
0x10: {  	[smem:$0x3FAD] =	sst s8  }
0x11: {  	[smem:$0x3FAE] =	sst s9;
	s0 =	simm.s32 @!p0 $0x0  }
0x12: {  	s1 =	sld [smem:$0x3F94];
	s0 =	simm.s32 @p0 $0x1  }
0x13: {  	[smem:$0x3FAF] =	sst s0;
	s0 =	simm.s32 @!p1 $0x0  }
0x14: {  	s2 =	sld [smem:$0x3F93];
	s0 =	simm.s32 @p1 $0x1  }
0x15: {  	[smem:$0x3FB0] =	sst s0;
	s0 =	simm.s32 @!p2 $0x0  }
0x16: {  	s3 =	sld [smem:$0x3FDB];
	s0 =	simm.s32 @p2 $0x1  }
0x17: {  	s4 =	simm.s32 $0x1BF5;
	[smem:$0x3FB2] =	sst s0  }
0x18: {  	s0 =	sld [smem:$0x3F95];
	_ =	swait.ge [sflag:s4], $0x0  }
0x19: {  	s7 =	sld [smem:$0x3F96]  }
0x1a: {  	s8 =	sadd.s32 $0xFFFFE003, lr  }
0x1b: {  	s9 =	sadd.s32 $0xFFFFFEF7, lr;
	s5 =	simm.s32 $0xFFFFFFFF;
	p2 =	slt.u32 s8, $0xFFFFF086  }
0x1c: {  	p1 =	slt.u32 s9, $0xF7A;
	s5 =	simm.s32 @!p2 $0x0  }
0x1d: {  	s5 =	simm.s32 @p1 $0x1;
	p0 =	seq.s32 s7, s2  }
0x1e: {  	s7 =	smul.u32 @!p0 $0xF7A, s2;
	p2 =	seq.s32 @!p0 s5, $0x0  }
0x1f: {  	s9 =	smul.u32 $0xF7A, s1;
	s8 =	simm.s32 @!p0 $0x1BF5;
	p2 =	por !p2, p0  }
0x20: {  	[sflag:s8] =	ssyncset.s32 @!p0 $0xFFFFF086;
	s6 =	sadd.s32 @!p0 s3, s7;
	s7 =	simm.s32 @!p0 $0x108  }
0x21: {  	s3 =	sadd.s32 s3, s9;
	s6 =	sadd.s32 @!p0 $0x88, s6;
	s7 =	simm.s32 @p2 $0x1082  }
0x22: {  	[simem:s7], [sflag:s8] =	dma.local @!p0 [hbm:s6], $0xF7A  }
0x23: {  	s9 =	sor.u32 $0xD0000000, s2;
	s6 =	simm.s32 $0x108;
	_ =	swait.ge @!p0 [sflag:s8], $0x0  }
0x24: {  	s3 =	sadd.s32 $0x88, s3;
	s6 =	simm.s32 @!p1 $0x1082;
	[sflag:s4] =	ssyncset.s32 $0xFFFFF086  }
0x25: {  	[simem:s6], [sflag:s4] =	dma.local [hbm:s3], $0xF7A  }
0x26: {  	[smem:$0x3F96] =	sst s1;
	(tag) =	ssettag s2;
	_ =	strace s9  }
0x27: {  	s1 =	sld [smem:$0x3FA6]  }
0x28: {  	s2 =	sld [smem:$0x3FA7]  }
0x29: {  	s4 =	sld [smem:$0x3FA9]  }
0x2a: {  	p0 =	seq.s32 s5, $0x0;
	s5 =	sld [smem:$0x3FAA]  }
0x2b: {  	s6 =	sld [smem:$0x3FAB]  }
0x2c: {  	s7 =	sld [smem:$0x3FAC]  }
0x2d: {  	s3 =	simm.s32 $0x108;
	s8 =	sld [smem:$0x3FAD]  }
0x2e: {  	s3 =	simm.s32 @!p0 $0x1082;
	s9 =	sld [smem:$0x3FAE]  }
0x2f: {  	lr =	sadd.s32 s0, s3;
	s0 =	sld [smem:$0x3FA5]  }
0x30: {  	s3 =	sld [smem:$0x3FA8]  }
0x31: {  	[smem:$0x3FB1] =	sst s10  }
0x32: {  	s10 =	sld [smem:$0x3FAF];
	_ =	sdelay $0x3  }
0x33: {  	p0 =	seq.s32 s10, $0x1;
	s10 =	sld [smem:$0x3FB1];
	_ =	sdelay $0x3  }
0x34: {  	[smem:$0x3FB1] =	sst s10  }
0x35: {  	s10 =	sld [smem:$0x3FB0];
	_ =	sdelay $0x3  }
0x36: {  	p1 =	seq.s32 s10, $0x1;
	s10 =	sld [smem:$0x3FB1];
	_ =	sdelay $0x3  }
0x37: {  	[smem:$0x3FB1] =	sst s10  }
0x38: {  	s10 =	sld [smem:$0x3FB2]  }
0x39: {  	_ = 	snop;
	(pc) =	sbr.ind lr, $3  }
0x3a: {  	_ = 	snop  }
0x3b: {  	_ = 	snop  }
0x3c: {  	p2 =	seq.s32 s10, $0x1;
	s10 =	sld [smem:$0x3FB1]  }
0x3d: {  	_ =	shalt  }
0x3e: {  	_ =	shalt  }
0x3f: {  	_ =	shalt  }
0x40: {  	_ =	shalt  }
0x41: {  	_ =	shalt  }
0x42: {  	_ =	shalt  }
0x43: {  	_ =	shalt  }
0x44: {  	_ =	shalt  }
0x45: {  	_ =	shalt  }
0x46: {  	_ =	shalt  }
0x47: {  	_ =	shalt  }
0x48: {  	_ =	shalt  }
0x49: {  	_ =	shalt  }
0x4a: {  	_ =	shalt  }
0x4b: {  	_ =	shalt  }
0x4c: {  	_ =	shalt  }
0x4d: {  	_ =	shalt  }
0x4e: {  	_ =	shalt  }
0x4f: {  	_ =	shalt  }
0x50: {  	_ =	shalt  }
0x51: {  	_ =	shalt  }
0x52: {  	_ =	shalt  }
0x53: {  	_ =	shalt  }
0x54: {  	_ =	shalt  }
0x55: {  	_ =	shalt  }
0x56: {  	_ =	shalt  }
0x57: {  	_ =	shalt  }
0x58: {  	_ =	shalt  }
0x59: {  	_ =	shalt  }
0x5a: {  	_ =	shalt  }
0x5b: {  	_ =	shalt  }
0x5c: {  	_ =	shalt  }
0x5d: {  	_ =	shalt  }
0x5e: {  	_ =	shalt  }
0x5f: {  	_ =	shalt  }
0x60: {  	_ =	shalt  }
0x61: {  	_ =	shalt  }
0x62: {  	_ =	shalt  }
0x63: {  	_ =	shalt  }
0x64: {  	_ =	shalt  }
0x65: {  	_ =	shalt  }
0x66: {  	_ =	shalt  }
0x67: {  	_ =	shalt  }
0x68: {  	_ =	shalt  }
0x69: {  	_ =	shalt  }
0x6a: {  	_ =	shalt  }
0x6b: {  	_ =	shalt  }
0x6c: {  	_ =	shalt  }
0x6d: {  	_ =	shalt  }
0x6e: {  	_ =	shalt  }
0x6f: {  	_ =	shalt  }
0x70: {  	_ =	shalt  }
0x71: {  	_ =	shalt  }
0x72: {  	_ =	shalt  }
0x73: {  	_ =	shalt  }
0x74: {  	_ =	shalt  }
0x75: {  	_ =	shalt  }
0x76: {  	_ =	shalt  }
0x77: {  	_ =	shalt  }
0x78: {  	_ =	shalt  }
0x79: {  	_ =	shalt  }
0x7a: {  	_ =	shalt  }
0x7b: {  	_ =	shalt  }
0x7c: {  	_ =	shalt  }
0x7d: {  	_ =	shalt  }
0x7e: {  	_ =	shalt  }
0x7f: {  	_ =	shalt  }
0x80: {  	_ =	shalt  }
0x81: {  	_ =	shalt  }
0x82: {  	_ =	shalt  }
0x83: {  	_ =	shalt  }
0x84: {  	_ =	shalt  }
0x85: {  	_ =	shalt  }
0x86: {  	_ =	shalt  }
0x87: {  	_ =	shalt  }
.Lfunc_end0:
.L_simem_size_0:
called_computation_lowered:
.L_overlay_start_0:
0x88: {  	s2 =	sld [smem:$0x3FD9]  }
0x89: {  	s3 =	sld [smem:$0x3FFE];
	_ =	sdelay $0x1  }
0x8a: {  	s1 =	srdreg.scid  }
0x8b: {  	s0 =	sand.u32 $0x1, s1  }
0x8c: {  	s17 =	sshll.u32 s0, $0xA;
	s2 =	sadd.s32 s3, s2  }
0x8d: {  	s2 =	sadd.s32 s2, s17  }
0x8e: {  	[smem:$0x3FBD] =	sst s2  }
0x8f: {  	_ = 	snop  }
0x90: {  	s2 =	sld [smem:$0x3FC9]  }
0x91: {  	s18 =	sld [smem:$0x3FD0];
	(tm) =	ssettm $0x1  }
0x92: {  	s4 =	sld [smem:$0x3FFB];
	_ =	sdelay $0x3  }
0x93: {  	_ =	strace s4  }
0x94: {  	s4 =	sld [smem:$0x3FFC];
	_ =	sdelay $0x3  }
0x95: {  	_ =	strace s4  }
0x96: {  	s4 =	sld [smem:$0x3FFD];
	_ =	sdelay $0x3  }
0x97: {  	_ =	strace s4  }
0x98: {  	_ =	strace $0x8FFFFFFF  }
0x99: {  	s19 =	sld [smem:$0x3FDB];
	_ =	sdelay $0x1  }
0x9a: {  	s5 =	simm.s32 $_scs_section_size  }
0x9b: {  	s6 =	simm.s32 $_size__tile_overlayer_lowered;
	s7 =	simm.s32 $_tile_overlayer_lowered  }
0x9c: {  	s22 =	simm.s32 $0x1BFF;
	s21 =	sshll.u32 s7, $0x1;
	s4 =	sadd.s32 s5, s19  }
0x9d: {  	s8 =	simm.s32 $0x0;
	s20 =	sshll.u32 s6, $0x1;
	s6 =	sadd.s32 s21, s4  }
0x9e: {  	[timem:s8], [sflag:s22] =	dma.local [hbm:s6], s20  }
0x9f: {  	_ =	swait.ge [sflag:s22], s20  }
0xa0: {  	s5 =	ssub.s32 $0x0, s20;
	[sflag:s22] =	ssyncset.done $0x0  }
0xa1: {  	[sflag:s22] =	ssyncadd.s32 s5;
	_ =	sdelay $0x1  }
0xa2: {  	s23 =	simm.s32 $0x1B8B  }
0xa3: {  	_ =	swait.ge [sflag:s23], $0x1  }
0xa4: {  	[sflag:s23] =	ssyncset.done $0x0  }
0xa5: {  	s25 =	simm.s32 $0x1B8E;
	s24 =	sld [smem:$0x3FFE];
	[sflag:s23] =	ssyncadd.s32 $0xFFFFFFFF  }
0xa6: {  	s26 =	simm.s32 $execute0_lowered;
	[smem:$0x3FD2] =	sst s25  }
0xa7: {  	s6 =	sshll.u32 s26, $0x1;
	_ =	strace $0x80000046;
	[dreg:$0x1] =	wrdreg $0xFFFFFFFF  }
0xa8: {  	s28 =	simm.s32 $_size_execute0_lowered;
	s4 =	sadd.s32 s4, s6;
	[dreg:$0x0] =	wrdreg $0x0  }
0xa9: {  	s6 =	sshll.u32 s28, $0x1;
	[dreg:$0x2] =	wrdreg s4  }
0xaa: {  	[dreg:$0x3] =	wrdreg s6  }
0xab: {  	[dreg:$0x4] =	wrdreg $0xC0  }
0xac: {  	_ =	task [dreg:s8], $0x5FFFF  }
0xad: {  	[dreg:$0x1] =	wrdreg $0xFFFFFFFF  }
0xae: {  	[dreg:$0x0] =	wrdreg $0x60  }
0xaf: {  	[dreg:$0x2] =	wrdreg s2  }
0xb0: {  	[dreg:$0x3] =	wrdreg s24  }
0xb1: {  	[dreg:$0x4] =	wrdreg s18  }
0xb2: {  	[dreg:$0x5] =	wrdreg $0xA4000  }
0xb3: {  	[dreg:$0x6] =	wrdreg $0x9  }
0xb4: {  	_ =	task.clear_ibuf [dreg:s8], $0x7FFFF;
	_ =	strace $0x90000046  }
0xb5: {  	s29 =	simm.s32 $0x9;
	_ =	strace $0x80000048  }
0xb6: {  	_ =	swait.ge [sflag:s29], $0x1  }
0xb7: {  	[sflag:s29] =	ssyncadd.s32 $0xFFFFFFFF  }
0xb8: {  	_ =	strace $0x90000048  }
0xb9: {  	_ =	sfence  }
0xba: {  	s30 =	sld [smem:$0x0];
	_ =	sdelay $0x2  }
0xbb: {  	s31 =	sshll.u32 s1, $0xD;
	s1 =	sshrl.u32 s1, $0x2  }
0xbc: {  	s3 =	sand.u32 $0x4000, s31;
	s1 =	sadd.s32 s1, s30  }
0xbd: {  	s0 =	sor.u32 s3, s0;
	s1 =	sshll.u32 s1, $0x11  }
0xbe: {  	s0 =	sor.u32 s1, s0  }
0xbf: {  	s0 =	sadd.s32 $0x8F2B, s0  }
0xc0: {  	[sflag:s0] =	ssyncadd.remote.s32 $0x1  }
0xc1: {  	_ =	sfence.sel $0xFFFF  }
0xc2: {  	[dreg:$0x0] =	wrdreg $0xFFFFFFFF;
	(pc) =	sbr.abs _section_cstart, $3  }
0xc3: {  	[dreg:$0x1] =	wrdreg $0xFFFFFFFF  }
0xc4: {  	_ =	task.clear_ibuf [dreg:s8], $0x2FFFF;
	_ =	strace $0x9FFFFFFF  }
0xc5: {  	(tm) =	ssettm $0x7FFFFFFF  }
tec
execute0_lowered:
.L_overlay_start_1:
0x0: {  	(tag) =	ssettag $0x1  }
0x1: {  	s1 =	rddreg [dreg:$0x0]  }
0x2: {  	s0 =	rddreg [dreg:$0x1]  }
0x3: {  	s2 =	rddreg [dreg:$0x2]  }
0x4: {  	s3 =	rddreg [dreg:$0x3];
	s4 =	simm.s32 $0x0;
	s16 =	stileid.u32  }
0x5: {  	s6 =	srdreg.scid;
	s17 =	simm.s32 $0x5;
	s18 =	simm.s32 $0x1C00  }
0x6: {  	s19 =	simm.s32 $0x3800;
	s20 =	simm.s32 $0x50;
	s21 =	simm.s32 $0x5400  }
0x7: {  	s22 =	simm.s32 $0x80;
	s23 =	simm.s32 $0x7C00;
	s24 =	simm.s32 $0x1  }
0x8: {  	s28 =	simm.s32 $0x4;
	s30 =	simm.s32 $0x0;
	s8 =	smul.u32 $0x4F000, s16  }
0x9: {  	[smem:$0x7FF] =	sst s4;
	s5 =	sadd.s32 $0x1E00, s0;
	s10 =	smul.u32 $0x2780, s16  }
0xa: {  	s9 =	sand.u32 $0x1, s6;
	s6 =	sadd.s32 $0x24E00, s0;
	s13 =	smul.u32 $0x8C00, s16  }
0xb: {  	s7 =	sadd.s32 $0x47E00, s0;
	s0 =	sadd.s32 $0x6AE00, s0;
	s25 =	smul.u32 $0x13C00, s16  }
0xc: {  	s15 =	sadd.s32 $0x128400, s3;
	p0 =	seq.s32 s16, $0xF;
	s11 =	smul.u32 $0x8C000, s9  }
0xd: {  	_ =	strace $0x80000047;
	s12 =	ssub.s32 $0x2, s9;
	s9 =	smul.u32 $0x138800, s9  }
0xe: {  	s14 =	sshrl.u32 s12, $0x1;
	s8 =	sshrl.u32 s8, $0x2;
	s10 =	sadd.s32 s2, s10  }
0xf: {  	s2 =	sadd.s32 $0x25080, s2;
	s12 =	ssub.s32 s12, s14;
	[dreg:$0x5] =	wrdreg s10  }
0x10: {  	s8 =	sadd.s32 s8, s3;
	[dreg:$0x6] =	wrdreg s2;
	s10 =	sadd.s32 s13, s11  }
0x11: {  	s26 =	sadd.s32 s25, s9;
	s9 =	sshrl.u32 s9, $0x3;
	s25 =	simm.s32 $0x2  }
.Ltmp0:
0x12: {  	s2 =	sshrl.u32 s26, $0x3;
	s31 =	smax.u32 s12, $0x1;
	(pc) =	sbr.rel .LBB2_1-.Ltmp0, $4  }
0x13: {  	s9 =	sadd.s32 s0, s9;
	s8 =	sshrl.u32 @!p0 s8, $0x3;
	[dreg:$0x9] =	wrdreg s31  }
0x14: {  	s26 =	simm.s32 $0x3;
	s0 =	sadd.s32 s0, s2;
	[dreg:$0xa] =	wrdreg s8  }
0x15: {  	s29 =	sadd.s32 $0x25080, s9;
	[dreg:$0x7] =	wrdreg s0;
	s0 =	sshll.u32 @!p0 s16, $0x6  }
0x16: {  	s9 =	sshrl.u32 @p0 s15, $0x3;
	[dreg:$0x8] =	wrdreg s29;
	s11 =	sor.u32 @!p0 $0x1C05, s0  }
.LBB2_10:
0x17: {  	[bflag:$0x0] =	sbarrier.arrive $0xFFFF  }
0x18: {  	s0 =	simm.s32 @p0 $0x1FC5;
	s2 =	rddreg [dreg:$0x8]  }
0x19: {  	[hbm:s2], [sflag:s0] =	dma.local @p0 [spmem:s15], $0x2080  }
0x1a: {  	s0 =	simm.s32 @p0 $0x5  }
0x1b: {  	_ =	swait.ge @p0 [sflag:s0], $0x2080  }
0x1c: {  	[sflag:s0] =	ssyncset.done @p0 $0x0;
	s8 =	rddreg [dreg:$0xa]  }
0x1d: {  	[sflag:s0] =	ssyncadd.s32 @p0 $0xFFFFDF80;
	s0 =	rddreg [dreg:$0x7]  }
0x1e: {  	[hbm:s0], [sflag:s16] =	dma.local @!p0 [spmem:s8], $0x2780  }
0x1f: {  	s0 =	simm.s32 @!p0 $0x5  }
0x20: {  	_ =	swait.ge @!p0 [sflag:s0], $0x2780  }
0x21: {  	s4 =	sadd.s32 $0x1, s4;
	s31 =	rddreg [dreg:$0x9]  }
0x22: {  	p1 =	sne.s32 s4, s31  }
.Ltmp1:
0x23: {  	_ = 	snop;
	(pc) =	sbr.rel @!p1 .LBB2_11-.Ltmp1, $3  }
0x24: {  	_ =	sdelay $0x1  }
0x25: {  	[sflag:s0] =	ssyncset.done @!p0 $0x0  }
0x26: {  	s9 =	smov.u32 s15;
	s11 =	smov.u32 s16;
	[sflag:s0] =	ssyncadd.s32 @!p0 $0xFFFFD880  }
.LBB2_1:
0x27: {  	s0 =	simm.s32 @p0 $0x1FC5;
	s2 =	rddreg [dreg:$0x6]  }
0x28: {  	[spmem:s9], [sflag:s0] =	dma.local @p0 [hbm:s2], $0x2080  }
0x29: {  	s0 =	simm.s32 @p0 $0x5  }
0x2a: {  	_ =	swait.ge @p0 [sflag:s0], $0x2080  }
0x2b: {  	[sflag:s0] =	ssyncset.done @p0 $0x0  }
0x2c: {  	[sflag:s0] =	ssyncadd.s32 @p0 $0xFFFFDF80;
	s0 =	rddreg [dreg:$0x5]  }
0x2d: {  	[spmem:s8], [sflag:s11] =	dma.local @!p0 [hbm:s0], $0x2780  }
0x2e: {  	s0 =	simm.s32 @!p0 $0x5  }
.Ltmp2:
0x2f: {  	_ =	swait.ge @!p0 [sflag:s0], $0x2780;
	(pc) =	sbr.rel .LBB2_2-.Ltmp2, $4  }
0x30: {  	[sflag:s0] =	ssyncset.done @!p0 $0x0  }
0x31: {  	[sflag:s0] =	ssyncadd.s32 @!p0 $0xFFFFD880  }
0x32: {  	[bflag:$0x0] =	sbarrier.arrive $0xFFFF  }
0x33: {  	s15 =	smov.u32 s9;
	s16 =	smov.u32 s11;
	s29 =	simm.s32 $0x0  }
.LBB2_9:
0x34: {  	s29 =	sadd.s32 $0x1, s29  }
0x35: {  	p1 =	sne.s32 s29, $0x5  }
.Ltmp3:
0x36: {  	_ = 	snop;
	(pc) =	sbr.rel @!p1 .LBB2_10-.Ltmp3, $4  }
0x37: {  	_ = 	snop  }
0x38: {  	_ =	swait.ge [sflag:s28], $0x2800  }
0x39: {  	[sflag:s28] =	ssyncset.done $0x0  }
0x3a: {  	[sflag:s28] =	ssyncadd.s32 $0xFFFFD800  }
.LBB2_2:
0x3b: {  	s0 =	smul.u32 $0x1C00, s29;
	_ =	sdelay $0x1  }
0x3c: {  	s0 =	sadd.s32 s0, s10  }
0x3d: {  	s0 =	sshrl.u32 s0, $0x3  }
0x3e: {  	s2 =	sadd.s32 s5, s0  }
0x3f: {  	[tilespmem:s30], [sflag:$0x5] =	stream.linear.gather [hbm4b:s2+s30], $0x1900, $0x38;
	[tilespmem:$0x1DC80] =	vst v63  }
0x40: {  	_ =	swait.ge [sflag:s17], $0x1900  }
0x41: {  	[sflag:s17] =	ssyncset.done $0x0  }
0x42: {  	s14 =	sadd.s32 s6, s0;
	[sflag:s17] =	ssyncadd.s32 $0xFFFFE700  }
0x43: {  	[tilespmem:s18], [sflag:$0x5] =	stream.linear.gather [hbm4b:s14+s30], $0x1900, $0x38;
	[tilespmem:$0x1DC80] =	vst v63  }
0x44: {  	_ =	swait.ge [sflag:s17], $0x1900  }
0x45: {  	[sflag:s17] =	ssyncset.done $0x0  }
0x46: {  	s0 =	sadd.s32 s7, s0;
	[sflag:s17] =	ssyncadd.s32 $0xFFFFE700  }
0x47: {  	[tilespmem:s19], [sflag:$0x5] =	stream.linear.gather [hbm4b:s0+s30], $0x1900, $0x38;
	[tilespmem:$0x1DC80] =	vst v63  }
0x48: {  	_ =	swait.ge [sflag:s17], $0x1900  }
0x49: {  	[sflag:s17] =	ssyncset.done $0x0  }
0x4a: {  	[sflag:s17] =	ssyncadd.s32 $0xFFFFE700  }
0x4b: {  	[tilespmem:s21], [sflag:$0x1] =	stream.indirect.gather [hbm4b:s1+s20], $0x80, s30, s20, $0xb8;
	[tilespmem:$0x1DC80] =	vst v63  }
0x4c: {  	s31 =	simm.s32 $0x0  }
0x4d: {  	[tilespmem:s23], [sflag:$0x2] =	stream.indirect.gather [hbm4b:s1+s20], $0x80, s22, s20, $0xb8;
	[tilespmem:$0x1DC80] =	vst v63  }
.LBB2_3:
0x4e: {  	s0 =	sshll.u32 s31, $0x8;
	v1 =	vmov s30  }
0x4f: {  	v0 =	vmov s0;
	v1 =	vand.u32 $0x78, v1  }
0x50: {  	v1 =	vor.u32 v0, v1  }
0x51: {  	v1 =	vbroadcast v1, $0x0;
	_ =	sdelay $0x1  }
0x52: {  	_ =	swait.ge [sflag:s24], $0x2800  }
0x53: {  	[sflag:s24] =	ssyncset.done $0x0  }
0x54: {  	s0 =	simm.s32 $0x5600;
	[sflag:s24] =	ssyncadd.s32 $0xFFFFD800  }
0x55: {  	v3 =	vld [tilespmem:s0+$0xFFFFFE70]  }
0x56: {  	v1 =	vld.idx.msk [tilespmem:v1+s19+$0x0], $0xffff  }
0x57: {  	v4 =	vld [tilespmem:s0+$0xFFFFFE00]  }
0x58: {  	v5 =	vld [tilespmem:s0+$0xFFFFFE20]  }
0x59: {  	v6 =	vld [tilespmem:s0+$0xFFFFFE30]  }
0x5a: {  	v2 =	vld [tilespmem:s0+$0xFFFFFE50]  }
0x5b: {  	s2 =	simm.s32 $0x1;
	v8 =	vld [tilespmem:s0+$0xFFFFFE10];
	v3 =	vmul.f32 v3, v1  }
0x5c: {  	v10 =	vmov s2;
	v7 =	vld [tilespmem:s0+$0xFFFFFE60];
	v4 =	vmul.f32 v4, v1  }
0x5d: {  	v9 =	vld [tilespmem:s0+$0xFFFFFE40];
	v5 =	vmul.f32 v5, v1;
	[tilespmem:s0+$0xFFFFFE70] =	vst v3;
	v3 =	vand.u32 $0x79, v10  }
0x5e: {  	v6 =	vmul.f32 v6, v1;
	[tilespmem:s0+$0xFFFFFE00] =	vst v4;
	v3 =	vor.u32 v0, v3  }
0x5f: {  	v2 =	vmul.f32 v2, v1;
	[tilespmem:s0+$0xFFFFFE20] =	vst v5;
	v3 =	vbroadcast v3, $0x0  }
0x60: {  	v4 =	vmul.f32 v8, v1;
	[tilespmem:s0+$0xFFFFFE30] =	vst v6  }
0x61: {  	v5 =	vmul.f32 v7, v1;
	[tilespmem:s0+$0xFFFFFE50] =	vst v2  }
0x62: {  	v1 =	vmul.f32 v9, v1;
	[tilespmem:s0+$0xFFFFFE10] =	vst v4  }
0x63: {  	[tilespmem:s0+$0xFFFFFE60] =	vst v5  }
0x64: {  	[tilespmem:s0+$0xFFFFFE40] =	vst v1  }
0x65: {  	v1 =	vld.idx.msk [tilespmem:v3+s19+$0x0], $0xffff  }
0x66: {  	v3 =	vld [tilespmem:s0+$0xFFFFFE80]  }
0x67: {  	v4 =	vld [tilespmem:s0+$0xFFFFFEE0]  }
0x68: {  	v5 =	vld [tilespmem:s0+$0xFFFFFE90]  }
0x69: {  	v6 =	vld [tilespmem:s0+$0xFFFFFED0]  }
0x6a: {  	v2 =	vld [tilespmem:s0+$0xFFFFFEF0]  }
0x6b: {  	s12 =	simm.s32 $0x2;
	v7 =	vld [tilespmem:s0+$0xFFFFFEB0];
	v3 =	vmul.f32 v3, v1  }
0x6c: {  	v9 =	vld [tilespmem:s0+$0xFFFFFEC0];
	v10 =	vmov s12;
	v4 =	vmul.f32 v4, v1  }
0x6d: {  	v8 =	vld [tilespmem:s0+$0xFFFFFEA0];
	v5 =	vmul.f32 v5, v1;
	[tilespmem:s0+$0xFFFFFE80] =	vst v3;
	v3 =	vand.u32 $0x7A, v10  }
0x6e: {  	v6 =	vmul.f32 v6, v1;
	[tilespmem:s0+$0xFFFFFEE0] =	vst v4;
	v3 =	vor.u32 v0, v3  }
0x6f: {  	v2 =	vmul.f32 v2, v1;
	[tilespmem:s0+$0xFFFFFE90] =	vst v5;
	v3 =	vbroadcast v3, $0x0  }
0x70: {  	v4 =	vmul.f32 v7, v1;
	[tilespmem:s0+$0xFFFFFED0] =	vst v6  }
0x71: {  	v5 =	vmul.f32 v9, v1;
	[tilespmem:s0+$0xFFFFFEF0] =	vst v2  }
0x72: {  	v1 =	vmul.f32 v8, v1;
	[tilespmem:s0+$0xFFFFFEB0] =	vst v4  }
0x73: {  	[tilespmem:s0+$0xFFFFFEC0] =	vst v5  }
0x74: {  	[tilespmem:s0+$0xFFFFFEA0] =	vst v1;
	v1 =	vld [tilespmem:s0+$0xFFFFFF40]  }
0x75: {  	v3 =	vld.idx.msk [tilespmem:v3+s19+$0x0], $0xffff  }
0x76: {  	v4 =	vld [tilespmem:s0+$0xFFFFFF20]  }
0x77: {  	v5 =	vld [tilespmem:s0+$0xFFFFFF10]  }
0x78: {  	v6 =	vld [tilespmem:s0+$0xFFFFFF50]  }
0x79: {  	v2 =	vld [tilespmem:s0+$0xFFFFFF70]  }
0x7a: {  	s13 =	simm.s32 $0x3;
	v7 =	vld [tilespmem:s0+$0xFFFFFF00];
	v1 =	vmul.f32 v1, v3  }
0x7b: {  	v8 =	vld [tilespmem:s0+$0xFFFFFF30];
	v10 =	vmov s13;
	v4 =	vmul.f32 v4, v3  }
0x7c: {  	v9 =	vld [tilespmem:s0+$0xFFFFFF60];
	v5 =	vmul.f32 v5, v3;
	[tilespmem:s0+$0xFFFFFF40] =	vst v1;
	v1 =	vand.u32 $0x7B, v10  }
0x7d: {  	v6 =	vmul.f32 v6, v3;
	[tilespmem:s0+$0xFFFFFF20] =	vst v4;
	v1 =	vor.u32 v0, v1  }
0x7e: {  	v2 =	vmul.f32 v2, v3;
	[tilespmem:s0+$0xFFFFFF10] =	vst v5;
	v1 =	vbroadcast v1, $0x0  }
0x7f: {  	v4 =	vmul.f32 v7, v3;
	[tilespmem:s0+$0xFFFFFF50] =	vst v6  }
0x80: {  	v5 =	vmul.f32 v8, v3;
	[tilespmem:s0+$0xFFFFFF70] =	vst v2  }
0x81: {  	v3 =	vmul.f32 v9, v3;
	[tilespmem:s0+$0xFFFFFF00] =	vst v4  }
0x82: {  	v2 =	vld [tilespmem:s0+$0xFFFFFF90];
	[tilespmem:s0+$0xFFFFFF30] =	vst v5  }
0x83: {  	[tilespmem:s0+$0xFFFFFF60] =	vst v3;
	v3 =	vld [tilespmem:s0+$0xFFFFFF80]  }
0x84: {  	v1 =	vld.idx.msk [tilespmem:v1+s19+$0x0], $0xffff  }
0x85: {  	v4 =	vld [tilespmem:s0+$0xFFFFFFA0]  }
0x86: {  	v5 =	vld [tilespmem:s0+$0xFFFFFFD0];
	_ =	sdelay $0x1  }
0x87: {  	v6 =	vld [tilespmem:s0+$0xFFFFFFB0]  }
0x88: {  	s14 =	simm.s32 $0x4;
	v7 =	vld [tilespmem:s0+$0xFFFFFFE0];
	v2 =	vmul.f32 v2, v1  }
0x89: {  	v8 =	vld [tilespmem:s0+$0xFFFFFFC0];
	v10 =	vmov s14;
	v3 =	vmul.f32 v3, v1  }
0x8a: {  	v9 =	vld [tilespmem:s0+$0xFFFFFFF0];
	v4 =	vmul.f32 v4, v1;
	[tilespmem:s0+$0xFFFFFF90] =	vst v2;
	v2 =	vmul.f32 v5, v1;
	v5 =	vand.u32 $0x7C, v10  }
0x8b: {  	[tilespmem:s0+$0xFFFFFF80] =	vst v3;
	v5 =	vor.u32 v0, v5  }
0x8c: {  	v3 =	vmul.f32 v6, v1;
	[tilespmem:s0+$0xFFFFFFA0] =	vst v4;
	v5 =	vbroadcast v5, $0x0  }
0x8d: {  	v4 =	vmul.f32 v7, v1;
	[tilespmem:s0+$0xFFFFFFD0] =	vst v2  }
0x8e: {  	v7 =	vld [tilespmem:s0+$0x20];
	v2 =	vmul.f32 v8, v1;
	[tilespmem:s0+$0xFFFFFFB0] =	vst v3  }
0x8f: {  	v10 =	vld [tilespmem:s0+$0x40];
	v1 =	vmul.f32 v9, v1;
	[tilespmem:s0+$0xFFFFFFE0] =	vst v4  }
0x90: {  	v6 =	vld [tilespmem:s0+$0x50];
	[tilespmem:s0+$0xFFFFFFC0] =	vst v2  }
0x91: {  	v4 =	vld [tilespmem:s0+$0x0];
	[tilespmem:s0+$0xFFFFFFF0] =	vst v1  }
0x92: {  	v2 =	vld.idx.msk [tilespmem:v5+s19+$0x0], $0xffff  }
0x93: {  	v3 =	vld [tilespmem:s0+$0x70]  }
0x94: {  	v8 =	vld [tilespmem:s0+$0x30]  }
0x95: {  	v5 =	vld [tilespmem:s0+$0x10]  }
0x96: {  	s11 =	simm.s32 $0x8;
	s9 =	simm.s32 $0x5600;
	v1 =	vld [tilespmem:s0+$0x60]  }
0x97: {  	s8 =	simm.s32 $0x0;
	s2 =	sshll.u32 s31, $0x1;
	s12 =	simm.s32 $0x5;
	v9 =	vmul.f32 v4, v2;
	v4 =	vmul.f32 v10, v2  }
.LBB2_4:
0x98: {  	p1 =	slt.u32 s11, $0x48  }
0x99: {  	v7 =	vmul.f32 v7, v2;
	v8 =	vmul.f32 v8, v2;
	v10 =	vmov s12;
	s0 =	sadd.s32 $0x400, s0;
	s12 =	smov.u32 s11;
	s11 =	sadd.s32 $0x8, s11  }
0x9a: {  	v3 =	vmul.f32 v3, v2;
	[tilespmem:s9+$0x0] =	vst v9;
	v5 =	vmul.f32 v5, v2;
	v9 =	vand.u32 $0x7D, v10  }
0x9b: {  	v1 =	vmul.f32 v1, v2;
	[tilespmem:s9+$0x20] =	vst v7;
	v6 =	vmul.f32 v6, v2;
	v2 =	vor.u32 v0, v9  }
0x9c: {  	[tilespmem:s9+$0x70] =	vst v3;
	v2 =	vbroadcast v2, $0x0  }
0x9d: {  	[tilespmem:s9+$0x60] =	vst v1  }
0x9e: {  	[tilespmem:s9+$0x40] =	vst v4;
	v1 =	vld [tilespmem:s9+$0xA0]  }
0x9f: {  	[tilespmem:s9+$0x30] =	vst v8;
	v3 =	vld [tilespmem:s9+$0xE0]  }
0xa0: {  	[tilespmem:s9+$0x50] =	vst v6;
	v4 =	vld [tilespmem:s9+$0xF0]  }
0xa1: {  	[tilespmem:s9+$0x10] =	vst v5;
	v5 =	vld [tilespmem:s9+$0x90]  }
0xa2: {  	v2 =	vld.idx.msk [tilespmem:v2+s19+$0x0], $0xffff  }
0xa3: {  	v6 =	vld [tilespmem:s9+$0x80]  }
0xa4: {  	v7 =	vld [tilespmem:s9+$0xB0]  }
0xa5: {  	v8 =	vld [tilespmem:s9+$0xD0]  }
0xa6: {  	v9 =	vld [tilespmem:s9+$0xC0];
	_ =	sdelay $0x1  }
0xa7: {  	s13 =	sadd.s32 $0x6, s8;
	v3 =	vmul.f32 v3, v2;
	v6 =	vmul.f32 v6, v2  }
0xa8: {  	v10 =	vmov s13;
	v1 =	vmul.f32 v1, v2;
	v7 =	vmul.f32 v7, v2  }
0xa9: {  	v5 =	vmul.f32 v5, v2;
	[tilespmem:s9+$0xE0] =	vst v3;
	v3 =	vmul.f32 v4, v2;
	v4 =	vand.u32 $0x7E, v10  }
0xaa: {  	[tilespmem:s9+$0xA0] =	vst v1;
	v1 =	vmul.f32 v9, v2;
	v2 =	vmul.f32 v8, v2;
	v4 =	vor.u32 v0, v4  }
0xab: {  	[tilespmem:s9+$0x80] =	vst v6;
	v4 =	vbroadcast v4, $0x0  }
0xac: {  	[tilespmem:s9+$0xF0] =	vst v3  }
0xad: {  	[tilespmem:s9+$0x90] =	vst v5;
	v3 =	vld [tilespmem:s9+$0x120]  }
0xae: {  	[tilespmem:s9+$0xB0] =	vst v7;
	v5 =	vld [tilespmem:s9+$0x170]  }
0xaf: {  	[tilespmem:s9+$0xD0] =	vst v2;
	v2 =	vld [tilespmem:s9+$0x160]  }
0xb0: {  	[tilespmem:s9+$0xC0] =	vst v1;
	v1 =	vld [tilespmem:s9+$0x110]  }
0xb1: {  	v4 =	vld.idx.msk [tilespmem:v4+s19+$0x0], $0xffff  }
0xb2: {  	v6 =	vld [tilespmem:s9+$0x100]  }
0xb3: {  	v7 =	vld [tilespmem:s9+$0x130]  }
0xb4: {  	v8 =	vld [tilespmem:s9+$0x140]  }
0xb5: {  	v9 =	vld [tilespmem:s9+$0x150];
	_ =	sdelay $0x1  }
0xb6: {  	s13 =	sadd.s32 $0x7, s8;
	s8 =	smov.u32 s12;
	v1 =	vmul.f32 v1, v4;
	v6 =	vmul.f32 v6, v4  }
0xb7: {  	v10 =	vmov s13;
	v3 =	vmul.f32 v3, v4;
	v7 =	vmul.f32 v7, v4  }
0xb8: {  	v2 =	vmul.f32 v2, v4;
	[tilespmem:s9+$0x100] =	vst v6;
	v6 =	vmul.f32 v8, v4;
	v8 =	vand.u32 $0x7F, v10  }
0xb9: {  	[tilespmem:s9+$0x120] =	vst v3;
	v3 =	vmul.f32 v9, v4;
	v4 =	vmul.f32 v5, v4;
	v5 =	vor.u32 v0, v8  }
0xba: {  	[tilespmem:s9+$0x110] =	vst v1;
	v1 =	vbroadcast v5, $0x0  }
0xbb: {  	[tilespmem:s9+$0x160] =	vst v2  }
0xbc: {  	[tilespmem:s9+$0x170] =	vst v4;
	v2 =	vld [tilespmem:s9+$0x180]  }
0xbd: {  	[tilespmem:s9+$0x130] =	vst v7;
	v4 =	vld [tilespmem:s9+$0x1D0]  }
0xbe: {  	[tilespmem:s9+$0x150] =	vst v3;
	v3 =	vld [tilespmem:s9+$0x1F0]  }
0xbf: {  	[tilespmem:s9+$0x140] =	vst v6;
	v5 =	vld [tilespmem:s9+$0x1B0]  }
0xc0: {  	v1 =	vld.idx.msk [tilespmem:v1+s19+$0x0], $0xffff  }
0xc1: {  	v6 =	vld [tilespmem:s9+$0x190]  }
0xc2: {  	v7 =	vld [tilespmem:s9+$0x1A0]  }
0xc3: {  	v8 =	vld [tilespmem:s9+$0x1C0]  }
0xc4: {  	v9 =	vld [tilespmem:s9+$0x1E0];
	_ =	sdelay $0x1  }
0xc5: {  	v2 =	vmul.f32 v2, v1;
	v6 =	vmul.f32 v6, v1  }
0xc6: {  	v10 =	vmov s8;
	v5 =	vmul.f32 v5, v1;
	v7 =	vmul.f32 v7, v1  }
0xc7: {  	v10 =	vand.u32 $0x78, v10;
	v4 =	vmul.f32 v4, v1;
	[tilespmem:s9+$0x180] =	vst v2;
	v2 =	vmul.f32 v8, v1  }
0xc8: {  	v8 =	vor.u32 v0, v10;
	[tilespmem:s9+$0x1B0] =	vst v5;
	v5 =	vmul.f32 v9, v1;
	v1 =	vmul.f32 v3, v1  }
0xc9: {  	v3 =	vbroadcast v8, $0x0;
	[tilespmem:s9+$0x1D0] =	vst v4  }
0xca: {  	[tilespmem:s9+$0x1F0] =	vst v1  }
0xcb: {  	v1 =	vld [tilespmem:s0+$0xFFFFFE50];
	[tilespmem:s9+$0x1A0] =	vst v7  }
0xcc: {  	v4 =	vld [tilespmem:s0+$0xFFFFFE30];
	[tilespmem:s9+$0x1E0] =	vst v5  }
0xcd: {  	v5 =	vld [tilespmem:s0+$0xFFFFFE60];
	[tilespmem:s9+$0x1C0] =	vst v2  }
0xce: {  	v2 =	vld [tilespmem:s0+$0xFFFFFE70];
	[tilespmem:s9+$0x190] =	vst v6;
	s9 =	smov.u32 s0  }
0xcf: {  	v3 =	vld.idx.msk [tilespmem:v3+s19+$0x0], $0xffff  }
0xd0: {  	v6 =	vld [tilespmem:s0+$0xFFFFFE00]  }
0xd1: {  	v7 =	vld [tilespmem:s0+$0xFFFFFE20]  }
0xd2: {  	v8 =	vld [tilespmem:s0+$0xFFFFFE10]  }
0xd3: {  	v9 =	vld [tilespmem:s0+$0xFFFFFE40];
	_ =	sdelay $0x1  }
0xd4: {  	s12 =	sadd.s32 $0x1, s8;
	v2 =	vmul.f32 v2, v3;
	v6 =	vmul.f32 v6, v3  }
0xd5: {  	v10 =	vmov s12;
	v5 =	vmul.f32 v5, v3;
	v7 =	vmul.f32 v7, v3  }
0xd6: {  	v4 =	vmul.f32 v4, v3;
	v8 =	vmul.f32 v8, v3;
	[tilespmem:s0+$0xFFFFFE70] =	vst v2;
	v2 =	vand.u32 $0x79, v10  }
0xd7: {  	v1 =	vmul.f32 v1, v3;
	[tilespmem:s0+$0xFFFFFE00] =	vst v6;
	v6 =	vmul.f32 v9, v3;
	v2 =	vor.u32 v0, v2  }
0xd8: {  	[tilespmem:s0+$0xFFFFFE20] =	vst v7;
	v2 =	vbroadcast v2, $0x0  }
0xd9: {  	[tilespmem:s0+$0xFFFFFE30] =	vst v4  }
0xda: {  	[tilespmem:s0+$0xFFFFFE50] =	vst v1;
	v1 =	vld [tilespmem:s0+$0xFFFFFEF0]  }
0xdb: {  	[tilespmem:s0+$0xFFFFFE10] =	vst v8;
	v3 =	vld [tilespmem:s0+$0xFFFFFED0]  }
0xdc: {  	[tilespmem:s0+$0xFFFFFE60] =	vst v5;
	v4 =	vld [tilespmem:s0+$0xFFFFFEB0]  }
0xdd: {  	[tilespmem:s0+$0xFFFFFE40] =	vst v6;
	v5 =	vld [tilespmem:s0+$0xFFFFFEE0]  }
0xde: {  	v2 =	vld.idx.msk [tilespmem:v2+s19+$0x0], $0xffff  }
0xdf: {  	v6 =	vld [tilespmem:s0+$0xFFFFFE80]  }
0xe0: {  	v7 =	vld [tilespmem:s0+$0xFFFFFE90]  }
0xe1: {  	v8 =	vld [tilespmem:s0+$0xFFFFFEA0]  }
0xe2: {  	v9 =	vld [tilespmem:s0+$0xFFFFFEC0];
	_ =	sdelay $0x1  }
0xe3: {  	s12 =	sadd.s32 $0x2, s8;
	v5 =	vmul.f32 v5, v2;
	v6 =	vmul.f32 v6, v2  }
0xe4: {  	v10 =	vmov s12;
	v4 =	vmul.f32 v4, v2;
	v7 =	vmul.f32 v7, v2  }
0xe5: {  	v3 =	vmul.f32 v3, v2;
	[tilespmem:s0+$0xFFFFFE80] =	vst v6;
	v6 =	vmul.f32 v8, v2;
	v8 =	vand.u32 $0x7A, v10  }
0xe6: {  	v1 =	vmul.f32 v1, v2;
	v9 =	vmul.f32 v9, v2;
	[tilespmem:s0+$0xFFFFFEE0] =	vst v5;
	v2 =	vor.u32 v0, v8  }
0xe7: {  	[tilespmem:s0+$0xFFFFFE90] =	vst v7;
	v2 =	vbroadcast v2, $0x0  }
0xe8: {  	[tilespmem:s0+$0xFFFFFED0] =	vst v3  }
0xe9: {  	[tilespmem:s0+$0xFFFFFEF0] =	vst v1;
	v1 =	vld [tilespmem:s0+$0xFFFFFF70]  }
0xea: {  	[tilespmem:s0+$0xFFFFFEB0] =	vst v4;
	v3 =	vld [tilespmem:s0+$0xFFFFFF50]  }
0xeb: {  	[tilespmem:s0+$0xFFFFFEC0] =	vst v9;
	v4 =	vld [tilespmem:s0+$0xFFFFFF30]  }
0xec: {  	[tilespmem:s0+$0xFFFFFEA0] =	vst v6;
	v5 =	vld [tilespmem:s0+$0xFFFFFF40]  }
0xed: {  	v2 =	vld.idx.msk [tilespmem:v2+s19+$0x0], $0xffff  }
0xee: {  	v6 =	vld [tilespmem:s0+$0xFFFFFF20]  }
0xef: {  	v7 =	vld [tilespmem:s0+$0xFFFFFF10]  }
0xf0: {  	v8 =	vld [tilespmem:s0+$0xFFFFFF00]  }
0xf1: {  	v9 =	vld [tilespmem:s0+$0xFFFFFF60];
	_ =	sdelay $0x1  }
0xf2: {  	s12 =	sadd.s32 $0x3, s8;
	v5 =	vmul.f32 v5, v2;
	v6 =	vmul.f32 v6, v2  }
0xf3: {  	v10 =	vmov s12;
	v4 =	vmul.f32 v4, v2;
	v7 =	vmul.f32 v7, v2  }
0xf4: {  	v3 =	vmul.f32 v3, v2;
	v8 =	vmul.f32 v8, v2;
	[tilespmem:s0+$0xFFFFFF40] =	vst v5;
	v5 =	vand.u32 $0x7B, v10  }
0xf5: {  	v1 =	vmul.f32 v1, v2;
	[tilespmem:s0+$0xFFFFFF20] =	vst v6;
	v6 =	vmul.f32 v9, v2;
	v2 =	vor.u32 v0, v5  }
0xf6: {  	[tilespmem:s0+$0xFFFFFF10] =	vst v7;
	v2 =	vbroadcast v2, $0x0  }
0xf7: {  	[tilespmem:s0+$0xFFFFFF50] =	vst v3  }
0xf8: {  	[tilespmem:s0+$0xFFFFFF00] =	vst v8;
	v3 =	vld [tilespmem:s0+$0xFFFFFFF0]  }
0xf9: {  	[tilespmem:s0+$0xFFFFFF30] =	vst v4;
	v4 =	vld [tilespmem:s0+$0xFFFFFFD0]  }
0xfa: {  	[tilespmem:s0+$0xFFFFFF70] =	vst v1;
	v1 =	vld [tilespmem:s0+$0xFFFFFFC0]  }
0xfb: {  	[tilespmem:s0+$0xFFFFFF60] =	vst v6;
	v5 =	vld [tilespmem:s0+$0xFFFFFFA0]  }
0xfc: {  	v2 =	vld.idx.msk [tilespmem:v2+s19+$0x0], $0xffff  }
0xfd: {  	v6 =	vld [tilespmem:s0+$0xFFFFFF90]  }
0xfe: {  	v7 =	vld [tilespmem:s0+$0xFFFFFF80]  }
0xff: {  	v8 =	vld [tilespmem:s0+$0xFFFFFFB0]  }
0x100: {  	v9 =	vld [tilespmem:s0+$0xFFFFFFE0];
	_ =	sdelay $0x1  }
0x101: {  	s12 =	sadd.s32 $0x4, s8;
	v5 =	vmul.f32 v5, v2;
	v6 =	vmul.f32 v6, v2  }
0x102: {  	v10 =	vmul.f32 v1, v2;
	v1 =	vmov s12;
	v7 =	vmul.f32 v7, v2  }
0x103: {  	v4 =	vmul.f32 v4, v2;
	v1 =	vand.u32 $0x7C, v1;
	[tilespmem:s0+$0xFFFFFF90] =	vst v6;
	v6 =	vmul.f32 v8, v2  }
0x104: {  	v1 =	vor.u32 v0, v1;
	[tilespmem:s0+$0xFFFFFF80] =	vst v7;
	v7 =	vmul.f32 v9, v2;
	v2 =	vmul.f32 v3, v2  }
0x105: {  	[tilespmem:s0+$0xFFFFFFA0] =	vst v5;
	v5 =	vbroadcast v1, $0x0  }
0x106: {  	[tilespmem:s0+$0xFFFFFFD0] =	vst v4  }
0x107: {  	[tilespmem:s0+$0xFFFFFFB0] =	vst v6;
	v1 =	vld [tilespmem:s0+$0x60]  }
0x108: {  	[tilespmem:s0+$0xFFFFFFE0] =	vst v7;
	v3 =	vld [tilespmem:s0+$0x70]  }
0x109: {  	[tilespmem:s0+$0xFFFFFFC0] =	vst v10;
	v7 =	vld [tilespmem:s0+$0x20]  }
0x10a: {  	[tilespmem:s0+$0xFFFFFFF0] =	vst v2;
	v4 =	vld [tilespmem:s0+$0x0]  }
0x10b: {  	v2 =	vld.idx.msk [tilespmem:v5+s19+$0x0], $0xffff  }
0x10c: {  	v10 =	vld [tilespmem:s0+$0x40]  }
.Ltmp4:
0x10d: {  	v8 =	vld [tilespmem:s0+$0x30];
	(pc) =	sbr.rel @p1 .LBB2_4-.Ltmp4, $3  }
0x10e: {  	v5 =	vld [tilespmem:s0+$0x10]  }
0x10f: {  	v6 =	vld [tilespmem:s0+$0x50];
	_ =	sdelay $0x1  }
0x110: {  	s12 =	sadd.s32 $0x5, s8;
	v9 =	vmul.f32 v4, v2;
	v4 =	vmul.f32 v10, v2  }
0x111: {  	v7 =	vmul.f32 v7, v2;
	v10 =	vmov s12  }
0x112: {  	v3 =	vmul.f32 v3, v2;
	[tilespmem:s9+$0x0] =	vst v9;
	v9 =	vand.u32 $0x7D, v10  }
0x113: {  	v1 =	vmul.f32 v1, v2;
	[tilespmem:s9+$0x20] =	vst v7;
	v7 =	vor.u32 v0, v9  }
0x114: {  	[tilespmem:s9+$0x70] =	vst v3;
	v3 =	vbroadcast v7, $0x0  }
0x115: {  	[tilespmem:s9+$0x60] =	vst v1;
	v1 =	vmul.f32 v6, v2  }
0x116: {  	[tilespmem:s9+$0x40] =	vst v4;
	v7 =	vmul.f32 v8, v2  }
0x117: {  	v2 =	vmul.f32 v5, v2;
	[tilespmem:s9+$0x50] =	vst v1  }
0x118: {  	[tilespmem:s9+$0x30] =	vst v7  }
0x119: {  	v1 =	vld [tilespmem:s9+$0xE0];
	[tilespmem:s9+$0x10] =	vst v2  }
0x11a: {  	v2 =	vld.idx.msk [tilespmem:v3+s19+$0x0], $0xffff  }
0x11b: {  	v4 =	vld [tilespmem:s9+$0xA0]  }
0x11c: {  	v5 =	vld [tilespmem:s9+$0x80]  }
0x11d: {  	v3 =	vld [tilespmem:s9+$0xF0]  }
0x11e: {  	v6 =	vld [tilespmem:s9+$0x90]  }
0x11f: {  	s0 =	sadd.s32 $0x6, s8;
	v7 =	vld [tilespmem:s9+$0xB0];
	v1 =	vmul.f32 v1, v2  }
0x120: {  	v10 =	vmov s0;
	v8 =	vld [tilespmem:s9+$0xD0];
	v4 =	vmul.f32 v4, v2  }
0x121: {  	v9 =	vld [tilespmem:s9+$0xC0];
	v5 =	vmul.f32 v5, v2;
	[tilespmem:s9+$0xE0] =	vst v1;
	v1 =	vand.u32 $0x7E, v10  }
0x122: {  	v3 =	vmul.f32 v3, v2;
	[tilespmem:s9+$0xA0] =	vst v4;
	v1 =	vor.u32 v0, v1  }
0x123: {  	v4 =	vmul.f32 v6, v2;
	[tilespmem:s9+$0x80] =	vst v5;
	v1 =	vbroadcast v1, $0x0  }
0x124: {  	v5 =	vmul.f32 v7, v2;
	[tilespmem:s9+$0xF0] =	vst v3  }
0x125: {  	v3 =	vmul.f32 v8, v2;
	[tilespmem:s9+$0x90] =	vst v4  }
0x126: {  	v2 =	vmul.f32 v9, v2;
	[tilespmem:s9+$0xB0] =	vst v5  }
0x127: {  	[tilespmem:s9+$0xD0] =	vst v3  }
0x128: {  	[tilespmem:s9+$0xC0] =	vst v2;
	v2 =	vld [tilespmem:s9+$0x100]  }
0x129: {  	v1 =	vld.idx.msk [tilespmem:v1+s19+$0x0], $0xffff  }
0x12a: {  	v3 =	vld [tilespmem:s9+$0x120]  }
0x12b: {  	v4 =	vld [tilespmem:s9+$0x110]  }
0x12c: {  	v5 =	vld [tilespmem:s9+$0x160]  }
0x12d: {  	v7 =	vld [tilespmem:s9+$0x130]  }
0x12e: {  	s11 =	sadd.s32 $0x7, s8;
	v8 =	vld [tilespmem:s9+$0x150];
	v2 =	vmul.f32 v2, v1  }
0x12f: {  	v6 =	vld [tilespmem:s9+$0x170];
	v9 =	vmov s11;
	v3 =	vmul.f32 v3, v1  }
0x130: {  	v10 =	vld [tilespmem:s9+$0x140];
	v4 =	vmul.f32 v4, v1;
	[tilespmem:s9+$0x100] =	vst v2;
	v2 =	vand.u32 $0x7F, v9  }
0x131: {  	v5 =	vmul.f32 v5, v1;
	[tilespmem:s9+$0x120] =	vst v3;
	v0 =	vor.u32 v0, v2  }
0x132: {  	[tilespmem:s9+$0x110] =	vst v4;
	v3 =	vmul.f32 v7, v1;
	v0 =	vbroadcast v0, $0x0  }
0x133: {  	[tilespmem:s9+$0x160] =	vst v5;
	v4 =	vmul.f32 v8, v1  }
0x134: {  	v2 =	vmul.f32 v6, v1;
	[tilespmem:s9+$0x130] =	vst v3  }
0x135: {  	v1 =	vmul.f32 v10, v1;
	[tilespmem:s9+$0x150] =	vst v4  }
0x136: {  	[tilespmem:s9+$0x170] =	vst v2  }
0x137: {  	v2 =	vld [tilespmem:s9+$0x180];
	[tilespmem:s9+$0x140] =	vst v1  }
0x138: {  	v0 =	vld.idx.msk [tilespmem:v0+s19+$0x0], $0xffff  }
0x139: {  	v1 =	vld [tilespmem:s9+$0x1B0]  }
0x13a: {  	v3 =	vld [tilespmem:s9+$0x1D0]  }
0x13b: {  	v4 =	vld [tilespmem:s9+$0x1F0]  }
0x13c: {  	v6 =	vld [tilespmem:s9+$0x1A0]  }
0x13d: {  	v7 =	vld [tilespmem:s9+$0x1E0];
	v2 =	vmul.f32 v2, v0  }
0x13e: {  	v8 =	vld [tilespmem:s9+$0x1C0];
	v1 =	vmul.f32 v1, v0  }
0x13f: {  	[tilespmem:s9+$0x180] =	vst v2;
	v2 =	vmul.f32 v3, v0  }
0x140: {  	v5 =	vld [tilespmem:s9+$0x190];
	[tilespmem:s9+$0x1B0] =	vst v1;
	v1 =	vmul.f32 v4, v0  }
0x141: {  	v3 =	vmul.f32 v6, v0;
	[tilespmem:s9+$0x1D0] =	vst v2  }
0x142: {  	v2 =	vmul.f32 v7, v0;
	[tilespmem:s9+$0x1F0] =	vst v1  }
0x143: {  	s12 =	sor.u32 $0x1, s2;
	s8 =	simm.s32 $0x0;
	v1 =	vmul.f32 v8, v0;
	[tilespmem:s9+$0x1A0] =	vst v3  }
0x144: {  	s2 =	sshll.u32 s12, $0x7;
	[tilespmem:s9+$0x1E0] =	vst v2;
	v2 =	vmov s8  }
0x145: {  	s11 =	sshll.u32 s31, $0xA;
	v3 =	vmul.f32 v5, v0;
	v0 =	vmov s2;
	[tilespmem:s9+$0x1C0] =	vst v1;
	v1 =	vand.u32 $0x78, v2  }
0x146: {  	s0 =	sshrl.u32 s11, $0x2;
	v1 =	vor.u32 v0, v1  }
0x147: {  	s13 =	sadd.s32 $0x1C00, s0;
	[tilespmem:s9+$0x190] =	vst v3;
	v1 =	vbroadcast v1, $0x0  }
0x148: {  	[spmem:s3] =	stream.indirect.scatter.add.f32 [tilespmem:s21], [sflag:$0x3], $0x80, s13, s20, $0xb8;
	[tilespmem:$0x1DC80] =	vst v63  }
0x149: {  	_ =	swait.ge [sflag:s25], $0x2800  }
0x14a: {  	[sflag:s25] =	ssyncset.done $0x0  }
0x14b: {  	s9 =	simm.s32 $0x7E00;
	[sflag:s25] =	ssyncadd.s32 $0xFFFFD800  }
0x14c: {  	v3 =	vld [tilespmem:s9+$0xFFFFFE70]  }
0x14d: {  	v1 =	vld.idx.msk [tilespmem:v1+s19+$0x0], $0xffff  }
0x14e: {  	v4 =	vld [tilespmem:s9+$0xFFFFFE00]  }
0x14f: {  	v5 =	vld [tilespmem:s9+$0xFFFFFE20]  }
0x150: {  	v6 =	vld [tilespmem:s9+$0xFFFFFE30]  }
0x151: {  	v2 =	vld [tilespmem:s9+$0xFFFFFE50]  }
0x152: {  	s14 =	simm.s32 $0x1;
	v8 =	vld [tilespmem:s9+$0xFFFFFE10];
	v3 =	vmul.f32 v3, v1  }
0x153: {  	v10 =	vmov s14;
	v7 =	vld [tilespmem:s9+$0xFFFFFE60];
	v4 =	vmul.f32 v4, v1  }
0x154: {  	v9 =	vld [tilespmem:s9+$0xFFFFFE40];
	v5 =	vmul.f32 v5, v1;
	[tilespmem:s9+$0xFFFFFE70] =	vst v3;
	v3 =	vand.u32 $0x79, v10  }
0x155: {  	v6 =	vmul.f32 v6, v1;
	[tilespmem:s9+$0xFFFFFE00] =	vst v4;
	v3 =	vor.u32 v0, v3  }
0x156: {  	v2 =	vmul.f32 v2, v1;
	[tilespmem:s9+$0xFFFFFE20] =	vst v5;
	v3 =	vbroadcast v3, $0x0  }
0x157: {  	v4 =	vmul.f32 v8, v1;
	[tilespmem:s9+$0xFFFFFE30] =	vst v6  }
0x158: {  	v5 =	vmul.f32 v7, v1;
	[tilespmem:s9+$0xFFFFFE50] =	vst v2  }
0x159: {  	v1 =	vmul.f32 v9, v1;
	[tilespmem:s9+$0xFFFFFE10] =	vst v4  }
0x15a: {  	[tilespmem:s9+$0xFFFFFE60] =	vst v5  }
0x15b: {  	[tilespmem:s9+$0xFFFFFE40] =	vst v1  }
0x15c: {  	v1 =	vld.idx.msk [tilespmem:v3+s19+$0x0], $0xffff  }
0x15d: {  	v3 =	vld [tilespmem:s9+$0xFFFFFE80]  }
0x15e: {  	v4 =	vld [tilespmem:s9+$0xFFFFFEE0]  }
0x15f: {  	v5 =	vld [tilespmem:s9+$0xFFFFFE90]  }
0x160: {  	v6 =	vld [tilespmem:s9+$0xFFFFFED0]  }
0x161: {  	v2 =	vld [tilespmem:s9+$0xFFFFFEF0]  }
0x162: {  	s12 =	simm.s32 $0x2;
	v7 =	vld [tilespmem:s9+$0xFFFFFEB0];
	v3 =	vmul.f32 v3, v1  }
0x163: {  	v9 =	vld [tilespmem:s9+$0xFFFFFEC0];
	v10 =	vmov s12;
	v4 =	vmul.f32 v4, v1  }
0x164: {  	v8 =	vld [tilespmem:s9+$0xFFFFFEA0];
	v5 =	vmul.f32 v5, v1;
	[tilespmem:s9+$0xFFFFFE80] =	vst v3;
	v3 =	vand.u32 $0x7A, v10  }
0x165: {  	v6 =	vmul.f32 v6, v1;
	[tilespmem:s9+$0xFFFFFEE0] =	vst v4;
	v3 =	vor.u32 v0, v3  }
0x166: {  	v2 =	vmul.f32 v2, v1;
	[tilespmem:s9+$0xFFFFFE90] =	vst v5;
	v3 =	vbroadcast v3, $0x0  }
0x167: {  	v4 =	vmul.f32 v7, v1;
	[tilespmem:s9+$0xFFFFFED0] =	vst v6  }
0x168: {  	v5 =	vmul.f32 v9, v1;
	[tilespmem:s9+$0xFFFFFEF0] =	vst v2  }
0x169: {  	v1 =	vmul.f32 v8, v1;
	[tilespmem:s9+$0xFFFFFEB0] =	vst v4  }
0x16a: {  	[tilespmem:s9+$0xFFFFFEC0] =	vst v5  }
0x16b: {  	[tilespmem:s9+$0xFFFFFEA0] =	vst v1;
	v1 =	vld [tilespmem:s9+$0xFFFFFF40]  }
0x16c: {  	v3 =	vld.idx.msk [tilespmem:v3+s19+$0x0], $0xffff  }
0x16d: {  	v4 =	vld [tilespmem:s9+$0xFFFFFF20]  }
0x16e: {  	v5 =	vld [tilespmem:s9+$0xFFFFFF10]  }
0x16f: {  	v6 =	vld [tilespmem:s9+$0xFFFFFF50]  }
0x170: {  	v2 =	vld [tilespmem:s9+$0xFFFFFF70]  }
0x171: {  	s13 =	simm.s32 $0x3;
	v7 =	vld [tilespmem:s9+$0xFFFFFF00];
	v1 =	vmul.f32 v1, v3  }
0x172: {  	v8 =	vld [tilespmem:s9+$0xFFFFFF30];
	v10 =	vmov s13;
	v4 =	vmul.f32 v4, v3  }
0x173: {  	v9 =	vld [tilespmem:s9+$0xFFFFFF60];
	v5 =	vmul.f32 v5, v3;
	[tilespmem:s9+$0xFFFFFF40] =	vst v1;
	v1 =	vand.u32 $0x7B, v10  }
0x174: {  	v6 =	vmul.f32 v6, v3;
	[tilespmem:s9+$0xFFFFFF20] =	vst v4;
	v1 =	vor.u32 v0, v1  }
0x175: {  	v2 =	vmul.f32 v2, v3;
	[tilespmem:s9+$0xFFFFFF10] =	vst v5;
	v1 =	vbroadcast v1, $0x0  }
0x176: {  	v4 =	vmul.f32 v7, v3;
	[tilespmem:s9+$0xFFFFFF50] =	vst v6  }
0x177: {  	v5 =	vmul.f32 v8, v3;
	[tilespmem:s9+$0xFFFFFF70] =	vst v2  }
0x178: {  	v3 =	vmul.f32 v9, v3;
	[tilespmem:s9+$0xFFFFFF00] =	vst v4  }
0x179: {  	v2 =	vld [tilespmem:s9+$0xFFFFFF90];
	[tilespmem:s9+$0xFFFFFF30] =	vst v5  }
0x17a: {  	[tilespmem:s9+$0xFFFFFF60] =	vst v3;
	v3 =	vld [tilespmem:s9+$0xFFFFFF80]  }
0x17b: {  	v1 =	vld.idx.msk [tilespmem:v1+s19+$0x0], $0xffff  }
0x17c: {  	v4 =	vld [tilespmem:s9+$0xFFFFFFA0]  }
0x17d: {  	v5 =	vld [tilespmem:s9+$0xFFFFFFD0];
	_ =	sdelay $0x1  }
0x17e: {  	v6 =	vld [tilespmem:s9+$0xFFFFFFB0]  }
0x17f: {  	s14 =	simm.s32 $0x4;
	v7 =	vld [tilespmem:s9+$0xFFFFFFE0];
	v2 =	vmul.f32 v2, v1  }
0x180: {  	v8 =	vld [tilespmem:s9+$0xFFFFFFC0];
	v10 =	vmov s14;
	v3 =	vmul.f32 v3, v1  }
0x181: {  	v9 =	vld [tilespmem:s9+$0xFFFFFFF0];
	v4 =	vmul.f32 v4, v1;
	[tilespmem:s9+$0xFFFFFF90] =	vst v2;
	v2 =	vmul.f32 v5, v1;
	v5 =	vand.u32 $0x7C, v10  }
0x182: {  	[tilespmem:s9+$0xFFFFFF80] =	vst v3;
	v5 =	vor.u32 v0, v5  }
0x183: {  	v3 =	vmul.f32 v6, v1;
	[tilespmem:s9+$0xFFFFFFA0] =	vst v4;
	v5 =	vbroadcast v5, $0x0  }
0x184: {  	v4 =	vmul.f32 v7, v1;
	[tilespmem:s9+$0xFFFFFFD0] =	vst v2  }
0x185: {  	v7 =	vld [tilespmem:s9+$0x20];
	v2 =	vmul.f32 v8, v1;
	[tilespmem:s9+$0xFFFFFFB0] =	vst v3  }
0x186: {  	v10 =	vld [tilespmem:s9+$0x40];
	v1 =	vmul.f32 v9, v1;
	[tilespmem:s9+$0xFFFFFFE0] =	vst v4  }
0x187: {  	v6 =	vld [tilespmem:s9+$0x50];
	[tilespmem:s9+$0xFFFFFFC0] =	vst v2  }
0x188: {  	v4 =	vld [tilespmem:s9+$0x0];
	[tilespmem:s9+$0xFFFFFFF0] =	vst v1  }
0x189: {  	v2 =	vld.idx.msk [tilespmem:v5+s19+$0x0], $0xffff  }
0x18a: {  	v3 =	vld [tilespmem:s9+$0x70]  }
0x18b: {  	v8 =	vld [tilespmem:s9+$0x30]  }
0x18c: {  	v5 =	vld [tilespmem:s9+$0x10]  }
0x18d: {  	v1 =	vld [tilespmem:s9+$0x60]  }
0x18e: {  	s11 =	simm.s32 $0x7E00;
	s12 =	simm.s32 $0x8;
	s13 =	simm.s32 $0x5;
	v9 =	vmul.f32 v4, v2;
	v4 =	vmul.f32 v10, v2  }
.LBB2_6:
0x18f: {  	p1 =	slt.u32 s12, $0x48  }
0x190: {  	v7 =	vmul.f32 v7, v2;
	v8 =	vmul.f32 v8, v2;
	v10 =	vmov s13;
	s9 =	sadd.s32 $0x400, s9;
	s13 =	smov.u32 s12;
	s12 =	sadd.s32 $0x8, s12  }
0x191: {  	v3 =	vmul.f32 v3, v2;
	[tilespmem:s11+$0x0] =	vst v9;
	v5 =	vmul.f32 v5, v2;
	v9 =	vand.u32 $0x7D, v10  }
0x192: {  	v1 =	vmul.f32 v1, v2;
	[tilespmem:s11+$0x20] =	vst v7;
	v6 =	vmul.f32 v6, v2;
	v2 =	vor.u32 v0, v9  }
0x193: {  	[tilespmem:s11+$0x70] =	vst v3;
	v2 =	vbroadcast v2, $0x0  }
0x194: {  	[tilespmem:s11+$0x60] =	vst v1  }
0x195: {  	[tilespmem:s11+$0x40] =	vst v4;
	v1 =	vld [tilespmem:s11+$0xA0]  }
0x196: {  	[tilespmem:s11+$0x30] =	vst v8;
	v3 =	vld [tilespmem:s11+$0xE0]  }
0x197: {  	[tilespmem:s11+$0x50] =	vst v6;
	v4 =	vld [tilespmem:s11+$0xF0]  }
0x198: {  	[tilespmem:s11+$0x10] =	vst v5;
	v5 =	vld [tilespmem:s11+$0x90]  }
0x199: {  	v2 =	vld.idx.msk [tilespmem:v2+s19+$0x0], $0xffff  }
0x19a: {  	v6 =	vld [tilespmem:s11+$0x80]  }
0x19b: {  	v7 =	vld [tilespmem:s11+$0xB0]  }
0x19c: {  	v8 =	vld [tilespmem:s11+$0xD0]  }
0x19d: {  	v9 =	vld [tilespmem:s11+$0xC0];
	_ =	sdelay $0x1  }
0x19e: {  	s14 =	sadd.s32 $0x6, s8;
	v3 =	vmul.f32 v3, v2;
	v6 =	vmul.f32 v6, v2  }
0x19f: {  	v10 =	vmov s14;
	v1 =	vmul.f32 v1, v2;
	v7 =	vmul.f32 v7, v2  }
0x1a0: {  	v5 =	vmul.f32 v5, v2;
	[tilespmem:s11+$0xE0] =	vst v3;
	v3 =	vmul.f32 v4, v2;
	v4 =	vand.u32 $0x7E, v10  }
0x1a1: {  	[tilespmem:s11+$0xA0] =	vst v1;
	v1 =	vmul.f32 v9, v2;
	v2 =	vmul.f32 v8, v2;
	v4 =	vor.u32 v0, v4  }
0x1a2: {  	[tilespmem:s11+$0x80] =	vst v6;
	v4 =	vbroadcast v4, $0x0  }
0x1a3: {  	[tilespmem:s11+$0xF0] =	vst v3  }
0x1a4: {  	[tilespmem:s11+$0x90] =	vst v5;
	v3 =	vld [tilespmem:s11+$0x120]  }
0x1a5: {  	[tilespmem:s11+$0xB0] =	vst v7;
	v5 =	vld [tilespmem:s11+$0x170]  }
0x1a6: {  	[tilespmem:s11+$0xD0] =	vst v2;
	v2 =	vld [tilespmem:s11+$0x160]  }
0x1a7: {  	[tilespmem:s11+$0xC0] =	vst v1;
	v1 =	vld [tilespmem:s11+$0x110]  }
0x1a8: {  	v4 =	vld.idx.msk [tilespmem:v4+s19+$0x0], $0xffff  }
0x1a9: {  	v6 =	vld [tilespmem:s11+$0x100]  }
0x1aa: {  	v7 =	vld [tilespmem:s11+$0x130]  }
0x1ab: {  	v8 =	vld [tilespmem:s11+$0x140]  }
0x1ac: {  	v9 =	vld [tilespmem:s11+$0x150];
	_ =	sdelay $0x1  }
0x1ad: {  	s14 =	sadd.s32 $0x7, s8;
	s8 =	smov.u32 s13;
	v1 =	vmul.f32 v1, v4;
	v6 =	vmul.f32 v6, v4  }
0x1ae: {  	v10 =	vmov s14;
	v3 =	vmul.f32 v3, v4;
	v7 =	vmul.f32 v7, v4  }
0x1af: {  	v2 =	vmul.f32 v2, v4;
	[tilespmem:s11+$0x100] =	vst v6;
	v6 =	vmul.f32 v8, v4;
	v8 =	vand.u32 $0x7F, v10  }
0x1b0: {  	[tilespmem:s11+$0x120] =	vst v3;
	v3 =	vmul.f32 v9, v4;
	v4 =	vmul.f32 v5, v4;
	v5 =	vor.u32 v0, v8  }
0x1b1: {  	[tilespmem:s11+$0x110] =	vst v1;
	v1 =	vbroadcast v5, $0x0  }
0x1b2: {  	[tilespmem:s11+$0x160] =	vst v2  }
0x1b3: {  	[tilespmem:s11+$0x170] =	vst v4;
	v2 =	vld [tilespmem:s11+$0x180]  }
0x1b4: {  	[tilespmem:s11+$0x130] =	vst v7;
	v4 =	vld [tilespmem:s11+$0x1D0]  }
0x1b5: {  	[tilespmem:s11+$0x150] =	vst v3;
	v3 =	vld [tilespmem:s11+$0x1F0]  }
0x1b6: {  	[tilespmem:s11+$0x140] =	vst v6;
	v5 =	vld [tilespmem:s11+$0x1B0]  }
0x1b7: {  	v1 =	vld.idx.msk [tilespmem:v1+s19+$0x0], $0xffff  }
0x1b8: {  	v6 =	vld [tilespmem:s11+$0x190]  }
0x1b9: {  	v7 =	vld [tilespmem:s11+$0x1A0]  }
0x1ba: {  	v8 =	vld [tilespmem:s11+$0x1C0]  }
0x1bb: {  	v9 =	vld [tilespmem:s11+$0x1E0];
	_ =	sdelay $0x1  }
0x1bc: {  	v2 =	vmul.f32 v2, v1;
	v6 =	vmul.f32 v6, v1  }
0x1bd: {  	v10 =	vmov s8;
	v5 =	vmul.f32 v5, v1;
	v7 =	vmul.f32 v7, v1  }
0x1be: {  	v10 =	vand.u32 $0x78, v10;
	v4 =	vmul.f32 v4, v1;
	[tilespmem:s11+$0x180] =	vst v2;
	v2 =	vmul.f32 v8, v1  }
0x1bf: {  	v8 =	vor.u32 v0, v10;
	[tilespmem:s11+$0x1B0] =	vst v5;
	v5 =	vmul.f32 v9, v1;
	v1 =	vmul.f32 v3, v1  }
0x1c0: {  	v3 =	vbroadcast v8, $0x0;
	[tilespmem:s11+$0x1D0] =	vst v4  }
0x1c1: {  	[tilespmem:s11+$0x1F0] =	vst v1  }
0x1c2: {  	v1 =	vld [tilespmem:s9+$0xFFFFFE50];
	[tilespmem:s11+$0x1A0] =	vst v7  }
0x1c3: {  	v4 =	vld [tilespmem:s9+$0xFFFFFE30];
	[tilespmem:s11+$0x1E0] =	vst v5  }
0x1c4: {  	v5 =	vld [tilespmem:s9+$0xFFFFFE60];
	[tilespmem:s11+$0x1C0] =	vst v2  }
0x1c5: {  	v2 =	vld [tilespmem:s9+$0xFFFFFE70];
	[tilespmem:s11+$0x190] =	vst v6;
	s11 =	smov.u32 s9  }
0x1c6: {  	v3 =	vld.idx.msk [tilespmem:v3+s19+$0x0], $0xffff  }
0x1c7: {  	v6 =	vld [tilespmem:s9+$0xFFFFFE00]  }
0x1c8: {  	v7 =	vld [tilespmem:s9+$0xFFFFFE20]  }
0x1c9: {  	v8 =	vld [tilespmem:s9+$0xFFFFFE10]  }
0x1ca: {  	v9 =	vld [tilespmem:s9+$0xFFFFFE40];
	_ =	sdelay $0x1  }
0x1cb: {  	s13 =	sadd.s32 $0x1, s8;
	v2 =	vmul.f32 v2, v3;
	v6 =	vmul.f32 v6, v3  }
0x1cc: {  	v10 =	vmov s13;
	v5 =	vmul.f32 v5, v3;
	v7 =	vmul.f32 v7, v3  }
0x1cd: {  	v4 =	vmul.f32 v4, v3;
	v8 =	vmul.f32 v8, v3;
	[tilespmem:s9+$0xFFFFFE70] =	vst v2;
	v2 =	vand.u32 $0x79, v10  }
0x1ce: {  	v1 =	vmul.f32 v1, v3;
	[tilespmem:s9+$0xFFFFFE00] =	vst v6;
	v6 =	vmul.f32 v9, v3;
	v2 =	vor.u32 v0, v2  }
0x1cf: {  	[tilespmem:s9+$0xFFFFFE20] =	vst v7;
	v2 =	vbroadcast v2, $0x0  }
0x1d0: {  	[tilespmem:s9+$0xFFFFFE30] =	vst v4  }
0x1d1: {  	[tilespmem:s9+$0xFFFFFE50] =	vst v1;
	v1 =	vld [tilespmem:s9+$0xFFFFFEF0]  }
0x1d2: {  	[tilespmem:s9+$0xFFFFFE10] =	vst v8;
	v3 =	vld [tilespmem:s9+$0xFFFFFED0]  }
0x1d3: {  	[tilespmem:s9+$0xFFFFFE60] =	vst v5;
	v4 =	vld [tilespmem:s9+$0xFFFFFEB0]  }
0x1d4: {  	[tilespmem:s9+$0xFFFFFE40] =	vst v6;
	v5 =	vld [tilespmem:s9+$0xFFFFFEE0]  }
0x1d5: {  	v2 =	vld.idx.msk [tilespmem:v2+s19+$0x0], $0xffff  }
0x1d6: {  	v6 =	vld [tilespmem:s9+$0xFFFFFE80]  }
0x1d7: {  	v7 =	vld [tilespmem:s9+$0xFFFFFE90]  }
0x1d8: {  	v8 =	vld [tilespmem:s9+$0xFFFFFEA0]  }
0x1d9: {  	v9 =	vld [tilespmem:s9+$0xFFFFFEC0];
	_ =	sdelay $0x1  }
0x1da: {  	s13 =	sadd.s32 $0x2, s8;
	v5 =	vmul.f32 v5, v2;
	v6 =	vmul.f32 v6, v2  }
0x1db: {  	v10 =	vmov s13;
	v4 =	vmul.f32 v4, v2;
	v7 =	vmul.f32 v7, v2  }
0x1dc: {  	v3 =	vmul.f32 v3, v2;
	[tilespmem:s9+$0xFFFFFE80] =	vst v6;
	v6 =	vmul.f32 v8, v2;
	v8 =	vand.u32 $0x7A, v10  }
0x1dd: {  	v1 =	vmul.f32 v1, v2;
	v9 =	vmul.f32 v9, v2;
	[tilespmem:s9+$0xFFFFFEE0] =	vst v5;
	v2 =	vor.u32 v0, v8  }
0x1de: {  	[tilespmem:s9+$0xFFFFFE90] =	vst v7;
	v2 =	vbroadcast v2, $0x0  }
0x1df: {  	[tilespmem:s9+$0xFFFFFED0] =	vst v3  }
0x1e0: {  	[tilespmem:s9+$0xFFFFFEF0] =	vst v1;
	v1 =	vld [tilespmem:s9+$0xFFFFFF70]  }
0x1e1: {  	[tilespmem:s9+$0xFFFFFEB0] =	vst v4;
	v3 =	vld [tilespmem:s9+$0xFFFFFF50]  }
0x1e2: {  	[tilespmem:s9+$0xFFFFFEC0] =	vst v9;
	v4 =	vld [tilespmem:s9+$0xFFFFFF30]  }
0x1e3: {  	[tilespmem:s9+$0xFFFFFEA0] =	vst v6;
	v5 =	vld [tilespmem:s9+$0xFFFFFF40]  }
0x1e4: {  	v2 =	vld.idx.msk [tilespmem:v2+s19+$0x0], $0xffff  }
0x1e5: {  	v6 =	vld [tilespmem:s9+$0xFFFFFF20]  }
0x1e6: {  	v7 =	vld [tilespmem:s9+$0xFFFFFF10]  }
0x1e7: {  	v8 =	vld [tilespmem:s9+$0xFFFFFF00]  }
0x1e8: {  	v9 =	vld [tilespmem:s9+$0xFFFFFF60];
	_ =	sdelay $0x1  }
0x1e9: {  	s13 =	sadd.s32 $0x3, s8;
	v5 =	vmul.f32 v5, v2;
	v6 =	vmul.f32 v6, v2  }
0x1ea: {  	v10 =	vmov s13;
	v4 =	vmul.f32 v4, v2;
	v7 =	vmul.f32 v7, v2  }
0x1eb: {  	v3 =	vmul.f32 v3, v2;
	v8 =	vmul.f32 v8, v2;
	[tilespmem:s9+$0xFFFFFF40] =	vst v5;
	v5 =	vand.u32 $0x7B, v10  }
0x1ec: {  	v1 =	vmul.f32 v1, v2;
	[tilespmem:s9+$0xFFFFFF20] =	vst v6;
	v6 =	vmul.f32 v9, v2;
	v2 =	vor.u32 v0, v5  }
0x1ed: {  	[tilespmem:s9+$0xFFFFFF10] =	vst v7;
	v2 =	vbroadcast v2, $0x0  }
0x1ee: {  	[tilespmem:s9+$0xFFFFFF50] =	vst v3  }
0x1ef: {  	[tilespmem:s9+$0xFFFFFF00] =	vst v8;
	v3 =	vld [tilespmem:s9+$0xFFFFFFF0]  }
0x1f0: {  	[tilespmem:s9+$0xFFFFFF30] =	vst v4;
	v4 =	vld [tilespmem:s9+$0xFFFFFFD0]  }
0x1f1: {  	[tilespmem:s9+$0xFFFFFF70] =	vst v1;
	v1 =	vld [tilespmem:s9+$0xFFFFFFC0]  }
0x1f2: {  	[tilespmem:s9+$0xFFFFFF60] =	vst v6;
	v5 =	vld [tilespmem:s9+$0xFFFFFFA0]  }
0x1f3: {  	v2 =	vld.idx.msk [tilespmem:v2+s19+$0x0], $0xffff  }
0x1f4: {  	v6 =	vld [tilespmem:s9+$0xFFFFFF90]  }
0x1f5: {  	v7 =	vld [tilespmem:s9+$0xFFFFFF80]  }
0x1f6: {  	v8 =	vld [tilespmem:s9+$0xFFFFFFB0]  }
0x1f7: {  	v9 =	vld [tilespmem:s9+$0xFFFFFFE0];
	_ =	sdelay $0x1  }
0x1f8: {  	s13 =	sadd.s32 $0x4, s8;
	v5 =	vmul.f32 v5, v2;
	v6 =	vmul.f32 v6, v2  }
0x1f9: {  	v10 =	vmul.f32 v1, v2;
	v1 =	vmov s13;
	v7 =	vmul.f32 v7, v2  }
0x1fa: {  	v4 =	vmul.f32 v4, v2;
	v1 =	vand.u32 $0x7C, v1;
	[tilespmem:s9+$0xFFFFFF90] =	vst v6;
	v6 =	vmul.f32 v8, v2  }
0x1fb: {  	v1 =	vor.u32 v0, v1;
	[tilespmem:s9+$0xFFFFFF80] =	vst v7;
	v7 =	vmul.f32 v9, v2;
	v2 =	vmul.f32 v3, v2  }
0x1fc: {  	[tilespmem:s9+$0xFFFFFFA0] =	vst v5;
	v5 =	vbroadcast v1, $0x0  }
0x1fd: {  	[tilespmem:s9+$0xFFFFFFD0] =	vst v4  }
0x1fe: {  	[tilespmem:s9+$0xFFFFFFB0] =	vst v6;
	v1 =	vld [tilespmem:s9+$0x60]  }
0x1ff: {  	[tilespmem:s9+$0xFFFFFFE0] =	vst v7;
	v3 =	vld [tilespmem:s9+$0x70]  }
0x200: {  	[tilespmem:s9+$0xFFFFFFC0] =	vst v10;
	v7 =	vld [tilespmem:s9+$0x20]  }
0x201: {  	[tilespmem:s9+$0xFFFFFFF0] =	vst v2;
	v4 =	vld [tilespmem:s9+$0x0]  }
0x202: {  	v2 =	vld.idx.msk [tilespmem:v5+s19+$0x0], $0xffff  }
0x203: {  	v10 =	vld [tilespmem:s9+$0x40]  }
.Ltmp5:
0x204: {  	v8 =	vld [tilespmem:s9+$0x30];
	(pc) =	sbr.rel @p1 .LBB2_6-.Ltmp5, $3  }
0x205: {  	v5 =	vld [tilespmem:s9+$0x10]  }
0x206: {  	v6 =	vld [tilespmem:s9+$0x50];
	_ =	sdelay $0x1  }
0x207: {  	s13 =	sadd.s32 $0x5, s8;
	v9 =	vmul.f32 v4, v2;
	v4 =	vmul.f32 v10, v2  }
0x208: {  	v10 =	vmov s13  }
0x209: {  	v7 =	vmul.f32 v7, v2;
	[tilespmem:s11+$0x0] =	vst v9;
	v18 =	vand.u32 $0x7D, v10  }
0x20a: {  	v3 =	vmul.f32 v3, v2;
	[tilespmem:s11+$0x40] =	vst v4;
	v19 =	vor.u32 v0, v18  }
0x20b: {  	v1 =	vmul.f32 v1, v2;
	[tilespmem:s11+$0x20] =	vst v7;
	v20 =	vbroadcast v19, $0x0  }
0x20c: {  	v21 =	vmul.f32 v8, v2;
	[tilespmem:s11+$0x70] =	vst v3  }
0x20d: {  	v23 =	vmul.f32 v5, v2;
	[tilespmem:s11+$0x60] =	vst v1  }
0x20e: {  	v22 =	vmul.f32 v6, v2;
	[tilespmem:s11+$0x30] =	vst v21  }
0x20f: {  	[tilespmem:s11+$0x10] =	vst v23  }
0x210: {  	v25 =	vld [tilespmem:s11+$0xE0];
	[tilespmem:s11+$0x50] =	vst v22  }
0x211: {  	v2 =	vld.idx.msk [tilespmem:v20+s19+$0x0], $0xffff  }
0x212: {  	v24 =	vld [tilespmem:s11+$0xA0]  }
0x213: {  	v27 =	vld [tilespmem:s11+$0x80]  }
0x214: {  	v26 =	vld [tilespmem:s11+$0xF0]  }
0x215: {  	v28 =	vld [tilespmem:s11+$0x90]  }
0x216: {  	v29 =	vld [tilespmem:s11+$0xB0];
	s9 =	sadd.s32 $0x6, s8;
	v1 =	vmul.f32 v25, v2  }
0x217: {  	v30 =	vld [tilespmem:s11+$0xD0];
	v32 =	vmov s9;
	v4 =	vmul.f32 v24, v2  }
0x218: {  	v31 =	vld [tilespmem:s11+$0xC0];
	v33 =	vand.u32 $0x7E, v32;
	v5 =	vmul.f32 v27, v2;
	[tilespmem:s11+$0xE0] =	vst v1  }
0x219: {  	v3 =	vmul.f32 v26, v2;
	[tilespmem:s11+$0xA0] =	vst v4;
	v1 =	vor.u32 v0, v33  }
0x21a: {  	v34 =	vmul.f32 v28, v2;
	[tilespmem:s11+$0x80] =	vst v5;
	v1 =	vbroadcast v1, $0x0  }
0x21b: {  	v35 =	vmul.f32 v29, v2;
	[tilespmem:s11+$0xF0] =	vst v3  }
0x21c: {  	v36 =	vmul.f32 v30, v2;
	[tilespmem:s11+$0x90] =	vst v34  }
0x21d: {  	v2 =	vmul.f32 v31, v2;
	[tilespmem:s11+$0xB0] =	vst v35  }
0x21e: {  	[tilespmem:s11+$0xD0] =	vst v36  }
0x21f: {  	v37 =	vld [tilespmem:s11+$0x100];
	[tilespmem:s11+$0xC0] =	vst v2  }
0x220: {  	v1 =	vld.idx.msk [tilespmem:v1+s19+$0x0], $0xffff  }
0x221: {  	v38 =	vld [tilespmem:s11+$0x120]  }
0x222: {  	v39 =	vld [tilespmem:s11+$0x110]  }
0x223: {  	v40 =	vld [tilespmem:s11+$0x160]  }
0x224: {  	v41 =	vld [tilespmem:s11+$0x170]  }
0x225: {  	v42 =	vld [tilespmem:s11+$0x130];
	s14 =	sadd.s32 $0x7, s8;
	v2 =	vmul.f32 v37, v1  }
0x226: {  	v43 =	vld [tilespmem:s11+$0x150];
	v44 =	vmov s14;
	v3 =	vmul.f32 v38, v1  }
0x227: {  	v45 =	vld [tilespmem:s11+$0x140];
	v46 =	vand.u32 $0x7F, v44;
	v4 =	vmul.f32 v39, v1;
	[tilespmem:s11+$0x100] =	vst v2  }
0x228: {  	v47 =	vor.u32 v0, v46;
	v5 =	vmul.f32 v40, v1;
	[tilespmem:s11+$0x120] =	vst v3  }
0x229: {  	v0 =	vbroadcast v47, $0x0;
	v48 =	vmul.f32 v41, v1;
	[tilespmem:s11+$0x110] =	vst v4  }
0x22a: {  	v49 =	vmul.f32 v42, v1;
	[tilespmem:s11+$0x160] =	vst v5  }
0x22b: {  	v50 =	vmul.f32 v43, v1;
	[tilespmem:s11+$0x170] =	vst v48  }
0x22c: {  	v1 =	vmul.f32 v45, v1;
	[tilespmem:s11+$0x130] =	vst v49  }
0x22d: {  	[tilespmem:s11+$0x150] =	vst v50  }
0x22e: {  	v51 =	vld [tilespmem:s11+$0x180];
	[tilespmem:s11+$0x140] =	vst v1  }
0x22f: {  	v0 =	vld.idx.msk [tilespmem:v0+s19+$0x0], $0xffff  }
0x230: {  	v53 =	vld [tilespmem:s11+$0x1B0]  }
0x231: {  	v52 =	vld [tilespmem:s11+$0x1D0]  }
0x232: {  	v54 =	vld [tilespmem:s11+$0x1F0]  }
0x233: {  	v56 =	vld [tilespmem:s11+$0x1A0]  }
0x234: {  	v57 =	vld [tilespmem:s11+$0x1E0];
	v2 =	vmul.f32 v51, v0  }
0x235: {  	v58 =	vld [tilespmem:s11+$0x1C0];
	v1 =	vmul.f32 v53, v0  }
0x236: {  	v55 =	vld [tilespmem:s11+$0x190];
	v59 =	vmul.f32 v52, v0;
	[tilespmem:s11+$0x180] =	vst v2  }
0x237: {  	v60 =	vmul.f32 v54, v0;
	[tilespmem:s11+$0x1B0] =	vst v1  }
0x238: {  	v61 =	vmul.f32 v56, v0;
	[tilespmem:s11+$0x1D0] =	vst v59  }
0x239: {  	v62 =	vmul.f32 v57, v0;
	[tilespmem:s11+$0x1F0] =	vst v60  }
0x23a: {  	v63 =	vmul.f32 v58, v0;
	[tilespmem:s11+$0x1A0] =	vst v61  }
0x23b: {  	v0 =	vmul.f32 v55, v0;
	[tilespmem:s11+$0x1E0] =	vst v62  }
0x23c: {  	s2 =	sand.u32 $0x3FFFFF80, s2;
	p1 =	seq.s32 s31, $0x18;
	[tilespmem:s11+$0x1C0] =	vst v63  }
.Ltmp6:
0x23d: {  	s2 =	sadd.s32 $0x1C00, s2;
	[tilespmem:s11+$0x190] =	vst v0;
	(pc) =	sbr.rel @p1 .LBB2_9-.Ltmp6, $4  }
0x23e: {  	[spmem:s3] =	stream.indirect.scatter.add.f32 [tilespmem:s23], [sflag:$0x4], $0x80, s2, s20, $0xb8;
	[tilespmem:$0x1DC80] =	vst v63  }
0x23f: {  	_ =	swait.ge [sflag:s26], $0x2800  }
0x240: {  	[sflag:s26] =	ssyncset.done $0x0  }
0x241: {  	[sflag:s26] =	ssyncadd.s32 $0xFFFFD800  }
0x242: {  	s2 =	sadd.s32 $0x100, s0  }
0x243: {  	[tilespmem:s21], [sflag:$0x1] =	stream.indirect.gather [hbm4b:s1+s20], $0x80, s2, s20, $0xb8;
	[tilespmem:$0x1DC80] =	vst v63  }
.Ltmp7:
0x244: {  	_ = 	snop;
	(pc) =	sbr.rel .LBB2_3-.Ltmp7, $4  }
0x245: {  	_ =	swait.ge [sflag:s28], $0x2800  }
0x246: {  	[sflag:s28] =	ssyncset.done $0x0  }
0x247: {  	s14 =	sadd.s32 $0x180, s0;
	s31 =	sadd.s32 $0x1, s31;
	[sflag:s28] =	ssyncadd.s32 $0xFFFFD800  }
0x248: {  	[tilespmem:s23], [sflag:$0x2] =	stream.indirect.gather [hbm4b:s1+s20], $0x80, s14, s20, $0xb8;
	[tilespmem:$0x1DC80] =	vst v63  }
.LBB2_11:
0x249: {  	_ =	sfence.sel $0x180000  }
0x24a: {  	[bflag:$0x0] =	sbarrier.arrive $0xFFFF  }
0x24b: {  	_ =	strace $0x90000047  }
0x24c: {  	s0 =	stileid.u32;
	[bflag:$0x2] =	sbarrier.arrive $0xFFFF  }
0x24d: {  	p0 =	sne.s32 s0, $0x0;
	s0 =	rddreg [dreg:$0x4]  }
0x24e: {  	s0 =	sadd.s32 @!p0 $0x100000, s0  }
0x24f: {  	[sflag:s0] =	ssyncadd.tile.s32 @!p0 $0x1;
	_ =	shalt  }
.Lfunc_end2:
_tile_overlayer_lowered:
.L_overlay_start_2:
0x250: {  	(tag) =	ssettag $0x2  }
0x251: {  	s0 =	rddreg [dreg:$0x0];
	s2 =	stileid.u32  }
0x252: {  	s1 =	rddreg [dreg:$0x1];
	p0 =	sne.s32 s2, $0x0  }
0x253: {  	s3 =	rddreg [dreg:$0x2];
	[bflag:$0x3] =	sbarrier.arrive $0xFFFF;
	s2 =	simm.s32 @!p0 $0x1C05  }
0x254: {  	[timem:s3], [sflag:s2] =	dma.local @!p0 [hbm:s0], s1  }
0x255: {  	s0 =	simm.s32 @!p0 $0x5  }
0x256: {  	_ =	swait.ge @!p0 [sflag:s0], s1  }
0x257: {  	s1 =	ssub.s32 @!p0 $0x0, s1;
	[sflag:s0] =	ssyncset.done @!p0 $0x0  }
0x258: {  	[sflag:s0] =	ssyncadd.s32 @!p0 s1  }
0x259: {  	[bflag:$0x3] =	sbarrier.arrive $0xFFFF  }
0x25a: {  	_ =	shalt  }

</sc_bundles>
